<compile_context>
chip_gen: v7x
topology: tpu7x:2x2x1
jax: 0.10.2.dev20260603
libtpu: 0.0.44.dev20260713+nightly
codegen_flags: <defaults>
</compile_context>

<pallas_src>
import functools

import jax
import jax.numpy as jnp
from jax import lax
from jax.experimental import pallas as pl
from jax.experimental.pallas import tpu as pltpu
from jax.experimental.pallas import tpu_sc as plsc

F32 = jnp.float32


def _sc_geometry():
    try:
        info = plsc.get_sparse_core_info()
        return info.num_cores, info.num_subcores
    except Exception:
        return 2, 16



def _build_sc_kernels(n, e):
    nc, ns = _sc_geometry()
    nw = nc * ns
    K = 128
    nchunks = e // K
    assert e % K == 0
    full, rem = divmod(nchunks, nw)
    ZC = 2048
    npad = -(-n // ZC) * ZC
    nzseg = npad // ZC
    assert nzseg <= ns
    mesh = plsc.VectorSubcoreMesh(core_axis_name="c", subcore_axis_name="s")

    @functools.partial(
        pl.kernel,
        out_type=jax.ShapeDtypeStruct((nc * npad,), F32),
        mesh=mesh,
        scratch_types=[
            pltpu.VMEM_SHARED((npad,), F32),
            pltpu.VMEM((K,), jnp.int32),
            pltpu.VMEM((K,), F32),
            pltpu.VMEM((ZC,), F32),
        ],
    )
    def deg_kernel(dst_hbm, zeros_hbm, ones_hbm, out_hbm, acc, idxv, onesv,
                   stage):
        c = lax.axis_index("c")
        s = lax.axis_index("s")
        wid = s * nc + c

        @pl.when(s < nzseg)
        def _zero():
            pltpu.sync_copy(zeros_hbm, stage)
            pltpu.sync_copy(stage, acc.at[pl.ds(s * ZC, ZC)])

        pltpu.sync_copy(ones_hbm, onesv)
        plsc.subcore_barrier()

        def body(i, carry):
            base = (i * nw + wid) * K
            pltpu.sync_copy(dst_hbm.at[pl.ds(base, K)], idxv)
            pltpu.sync_copy(onesv, acc.at[idxv], add=True)
            return carry

        niter = full + jnp.where(wid < rem, 1, 0)
        lax.fori_loop(0, niter, body, 0)
        plsc.subcore_barrier()

        @pl.when(s < nzseg)
        def _readout():
            pltpu.sync_copy(acc.at[pl.ds(s * ZC, ZC)], stage)
            pltpu.sync_copy(stage, out_hbm.at[pl.ds(c * npad + s * ZC, ZC)])

    RC = 80
    nrc = n // RC
    assert n % RC == 0
    rfull, rrem = divmod(nrc, ns)

    agg_scratch = [
        pltpu.VMEM_SHARED((n, 128), F32),
        pltpu.VMEM((K,), jnp.int32),
        pltpu.VMEM((K,), jnp.int32),
        pltpu.VMEM((K, 128), F32),
        pltpu.VMEM((RC, 128), F32),
        pltpu.VMEM((K,), jnp.int32),
        pltpu.VMEM((K,), jnp.int32),
        pltpu.VMEM((K, 128), F32),
        pltpu.SemaphoreType.DMA,
        pltpu.SemaphoreType.DMA,
    ]

    def _zero_phase(zrows_hbm, acc, stage, s, nrchunk):
        pltpu.sync_copy(zrows_hbm, stage)

        def zero_chunk(i, carry):
            r0 = (i * ns + s) * RC
            pltpu.sync_copy(stage, acc.at[pl.ds(r0, RC)])
            return carry

        lax.fori_loop(0, nrchunk, zero_chunk, 0)

    def _read_phase(out_hbm, acc, stage, c, s, nrchunk):
        def read_chunk(i, carry):
            r0 = (i * ns + s) * RC
            pltpu.sync_copy(acc.at[pl.ds(r0, RC)], stage)
            pltpu.sync_copy(stage, out_hbm.at[pl.ds(c * n + r0, RC)])
            return carry

        lax.fori_loop(0, nrchunk, read_chunk, 0)

    @functools.partial(
        pl.kernel,
        out_type=jax.ShapeDtypeStruct((nc * n, 128), F32),
        mesh=mesh,
        scratch_types=agg_scratch,
    )
    def agg_kernel(y_hbm, src_hbm, dst_hbm, zrows_hbm, out_hbm,
                   acc, idxs0, idxd0, rows0, stage,
                   idxs1, idxd1, rows1, sem0, sem1):
        c = lax.axis_index("c")
        s = lax.axis_index("s")
        wid = s * nc + c
        nrchunk = rfull + jnp.where(s < rrem, 1, 0)
        niter = full + jnp.where(wid < rem, 1, 0)

        base0 = wid * K
        pltpu.sync_copy(src_hbm.at[pl.ds(base0, K)], idxs0)
        pltpu.sync_copy(dst_hbm.at[pl.ds(base0, K)], idxd0)
        pltpu.async_copy(y_hbm.at[idxs0], rows0, sem0)

        _zero_phase(zrows_hbm, acc, stage, s, nrchunk)
        plsc.subcore_barrier()

        def body(i, carry):
            nxt = i + 1
            go = nxt < niter

            @pl.when(go & (nxt % 2 == 1))
            def _i1():
                b = (nxt * nw + wid) * K
                pltpu.sync_copy(src_hbm.at[pl.ds(b, K)], idxs1)
                pltpu.sync_copy(dst_hbm.at[pl.ds(b, K)], idxd1)
                pltpu.async_copy(y_hbm.at[idxs1], rows1, sem1)

            @pl.when(go & (nxt % 2 == 0))
            def _i0():
                b = (nxt * nw + wid) * K
                pltpu.sync_copy(src_hbm.at[pl.ds(b, K)], idxs0)
                pltpu.sync_copy(dst_hbm.at[pl.ds(b, K)], idxd0)
                pltpu.async_copy(y_hbm.at[idxs0], rows0, sem0)

            @pl.when(i % 2 == 0)
            def _s0():
                pltpu.make_async_copy(y_hbm.at[pl.ds(0, K)], rows0,
                                      sem0).wait()
                pltpu.sync_copy(rows0, acc.at[idxd0], add=True)

            @pl.when(i % 2 == 1)
            def _s1():
                pltpu.make_async_copy(y_hbm.at[pl.ds(0, K)], rows1,
                                      sem1).wait()
                pltpu.sync_copy(rows1, acc.at[idxd1], add=True)

            return carry

        lax.fori_loop(0, niter, body, 0)
        plsc.subcore_barrier()
        _read_phase(out_hbm, acc, stage, c, s, nrchunk)

    return deg_kernel, agg_kernel, nc, npad, K, RC



def _tc1_body(x_ref, w1_ref, degt_ref, y1_ref, dinv_ref):
    d = degt_ref[:, 0:1] + degt_ref[:, 1:2] + 1.0
    dv = lax.rsqrt(d)
    m1 = jnp.dot(x_ref[...], w1_ref[...], preferred_element_type=F32)
    y1_ref[...] = dv * m1
    dinv_ref[...] = dv


def _tc2_body(a1_ref, y1_ref, dinv_ref, w2_ref, b1_ref, y2_ref):
    dv = dinv_ref[...]
    z1 = dv * (a1_ref[0] + a1_ref[1] + y1_ref[...]) + b1_ref[...]
    h1 = jnp.maximum(z1, 0.0)
    m2 = jnp.dot(h1, w2_ref[...], preferred_element_type=F32)
    y2_ref[...] = dv * m2


def _make_tc3_body(num_blocks, num_graphs):
    def body(a2_ref, y2_ref, dinv_ref, b2_ref, batch_ref,
             wc1_ref, bc1_ref, wc2_ref, bc2_ref, out_ref, psum, cnt):
        i = pl.program_id(0)

        @pl.when(i == 0)
        def _init():
            psum[...] = jnp.zeros_like(psum)
            cnt[...] = jnp.zeros_like(cnt)

        dv = dinv_ref[...]
        h2 = jnp.maximum(
            dv * (a2_ref[0] + a2_ref[1] + y2_ref[...]) + b2_ref[...], 0.0)
        gids = lax.broadcasted_iota(jnp.int32, (1, num_graphs), 1)
        onehot = (batch_ref[...] == gids).astype(F32)
        dn = (((0,), (0,)), ((), ()))
        psum[...] += lax.dot_general(onehot, h2, dn,
                                     preferred_element_type=F32)
        cnt[...] += lax.dot_general(onehot, jnp.ones_like(h2), dn,
                                    preferred_element_type=F32)

        @pl.when(i == num_blocks - 1)
        def _final():
            p = psum[...] / jnp.maximum(cnt[...], 1.0)
            z = jnp.maximum(
                jnp.dot(p, wc1_ref[...], preferred_element_type=F32)
                + bc1_ref[...], 0.0)
            out_ref[...] = (jnp.dot(z, wc2_ref[...],
                                    preferred_element_type=F32)
                            + bc2_ref[...])

    return body



def kernel(x, edge_index, batch, W1, b1, W2, b2, Wc1, bc1, Wc2, bc2):
    n, dmod = x.shape
    e = edge_index.shape[1]
    num_graphs = 64
    out_dim = Wc2.shape[1]
    h = W1.shape[1]
    assert dmod == 128 and h == 128

    deg_kernel, agg_kernel, nc, npad, K, RC = _build_sc_kernels(n, e)

    src = edge_index[0]
    dst = edge_index[1]
    zeros_seg = jnp.zeros((2048,), F32)
    ones_k = jnp.ones((K,), F32)
    zrows = jnp.zeros((RC, 128), F32)

    degp = deg_kernel(dst, zeros_seg, ones_k)
    degt = jnp.transpose(degp.reshape(nc, npad)[:, :n])

    RB = 2000
    nb = n // RB
    grid = (nb,)

    y1, dinv = pl.pallas_call(
        _tc1_body,
        grid=grid,
        in_specs=[
            pl.BlockSpec((RB, 128), lambda i: (i, 0)),
            pl.BlockSpec((128, 128), lambda i: (0, 0)),
            pl.BlockSpec((RB, nc), lambda i: (i, 0)),
        ],
        out_specs=[
            pl.BlockSpec((RB, 128), lambda i: (i, 0)),
            pl.BlockSpec((RB, 1), lambda i: (i, 0)),
        ],
        out_shape=[
            jax.ShapeDtypeStruct((n, 128), F32),
            jax.ShapeDtypeStruct((n, 1), F32),
        ],
    )(x, W1, degt)

    acc1 = agg_kernel(y1, src, dst, zrows).reshape(nc, n, 128)

    y2 = pl.pallas_call(
        _tc2_body,
        grid=grid,
        in_specs=[
            pl.BlockSpec((nc, RB, 128), lambda i: (0, i, 0)),
            pl.BlockSpec((RB, 128), lambda i: (i, 0)),
            pl.BlockSpec((RB, 1), lambda i: (i, 0)),
            pl.BlockSpec((128, 128), lambda i: (0, 0)),
            pl.BlockSpec((1, 128), lambda i: (0, 0)),
        ],
        out_specs=pl.BlockSpec((RB, 128), lambda i: (i, 0)),
        out_shape=jax.ShapeDtypeStruct((n, 128), F32),
    )(acc1, y1, dinv, W2, b1.reshape(1, -1))

    acc2 = agg_kernel(y2, src, dst, zrows).reshape(nc, n, 128)

    out = pl.pallas_call(
        _make_tc3_body(nb, num_graphs),
        grid=grid,
        in_specs=[
            pl.BlockSpec((nc, RB, 128), lambda i: (0, i, 0)),
            pl.BlockSpec((RB, 128), lambda i: (i, 0)),
            pl.BlockSpec((RB, 1), lambda i: (i, 0)),
            pl.BlockSpec((1, 128), lambda i: (0, 0)),
            pl.BlockSpec((RB, 1), lambda i: (i, 0)),
            pl.BlockSpec((128, Wc1.shape[1]), lambda i: (0, 0)),
            pl.BlockSpec((1, Wc1.shape[1]), lambda i: (0, 0)),
            pl.BlockSpec((Wc2.shape[0], out_dim), lambda i: (0, 0)),
            pl.BlockSpec((1, out_dim), lambda i: (0, 0)),
        ],
        out_specs=pl.BlockSpec((num_graphs, out_dim), lambda i: (0, 0)),
        out_shape=jax.ShapeDtypeStruct((num_graphs, out_dim), F32),
        scratch_shapes=[
            pltpu.VMEM((num_graphs, 128), F32),
            pltpu.VMEM((num_graphs, 128), F32),
        ],
    )(acc2, y2, dinv, b2.reshape(1, -1), batch.reshape(-1, 1),
      Wc1, bc1.reshape(1, -1), Wc2, bc2.reshape(1, -1))

    return out

# --- scband reference (transcript-rebuilt; emitter-appended) ---
"""Pipeline reference for scband-configurable-gnn-37984690766193 (READ-ONLY COPY).

The authoritative reference and input builder live on the scoring server;
editing this copy changes nothing except your own understanding.
"""

import jax, jax.numpy as jnp
import numpy as np

N = 10000
E = 320000
D = 128
H = 128
G = 64
OUT = 10


def setup_inputs(seed: int = 0) -> dict:
    key = jax.random.key(seed)
    k = jax.random.split(key, 8)
    x = jax.random.normal(k[0], (N, D), dtype=jnp.float32)
    edge_index = jax.random.randint(k[1], (2, E), 0, N, dtype=jnp.int32)
    batch = jnp.sort(jax.random.randint(k[2], (N,), 0, G, dtype=jnp.int32))
    s1 = 1.0 / np.sqrt(D)
    W1 = jax.random.uniform(k[3], (D, H), minval=-s1, maxval=s1, dtype=jnp.float32)
    b1 = jnp.zeros((H,), jnp.float32)
    s2 = 1.0 / np.sqrt(H)
    W2 = jax.random.uniform(k[4], (H, H), minval=-s2, maxval=s2, dtype=jnp.float32)
    b2 = jnp.zeros((H,), jnp.float32)
    Wc1 = jax.random.uniform(k[5], (H, H // 2), minval=-s2, maxval=s2, dtype=jnp.float32)
    bc1 = jnp.zeros((H // 2,), jnp.float32)
    s3 = 1.0 / np.sqrt(H // 2)
    Wc2 = jax.random.uniform(k[6], (H // 2, OUT), minval=-s3, maxval=s3, dtype=jnp.float32)
    bc2 = jnp.zeros((OUT,), jnp.float32)
    return {"x": x, "edge_index": edge_index, "batch": batch,
            "W1": W1, "b1": b1, "W2": W2, "b2": b2,
            "Wc1": Wc1, "bc1": bc1, "Wc2": Wc2, "bc2": bc2}


def _gcn_conv(x, edge_index, W, b):
    n = x.shape[0]
    loops = jnp.arange(n, dtype=edge_index.dtype)
    src = jnp.concatenate([edge_index[0], loops])
    dst = jnp.concatenate([edge_index[1], loops])
    deg = jnp.zeros((n,), x.dtype).at[dst].add(1.0)
    dinv = jax.lax.rsqrt(jnp.maximum(deg, 1.0))
    norm = dinv[src] * dinv[dst]
    h = x @ W
    msg = h[src] * norm[:, None]
    out = jnp.zeros((n, W.shape[1]), x.dtype).at[dst].add(msg)
    return out + b


def _global_mean_pool(x, batch, num_segments):
    s = jax.ops.segment_sum(x, batch, num_segments=num_segments)
    c = jax.ops.segment_sum(jnp.ones((x.shape[0], 1), x.dtype), batch, num_segments=num_segments)
    return s / jnp.maximum(c, 1.0)


def reference(x, edge_index, batch, W1, b1, W2, b2, Wc1, bc1, Wc2, bc2):
    # layer 1: GCNConv -> relu (dropout is identity in eval mode)
    h = jax.nn.relu(_gcn_conv(x, edge_index, W1, b1))
    # layer 2
    h = jax.nn.relu(_gcn_conv(h, edge_index, W2, b2))
    # global mean pool over graphs
    p = _global_mean_pool(h, batch, G)
    # classifier: Linear -> ReLU -> (Dropout eval=identity) -> Linear
    z = jax.nn.relu(p @ Wc1 + bc1)
    return z @ Wc2 + bc2

if __name__ == "__main__":
    import jax
    _d = setup_inputs()
    print(jax.jit(kernel)(*tuple(_d.values())))

</pallas_src>

<mosaic_0001>
#map = affine_map<(d0, d1) -> (0)>
module attributes {stable_mosaic.version = 14 : i64} {
  func.func @deg_kernel(%arg0: i32, %arg1: i32, %arg2: memref<320000xi32, #tpu.memory_space<hbm>>, %arg3: memref<2048xf32, #tpu.memory_space<hbm>>, %arg4: memref<128xf32, #tpu.memory_space<hbm>>, %arg5: memref<20480xf32, #tpu.memory_space<hbm>>, %arg6: memref<10240xf32, #tpu.memory_space<vmem_shared>>, %arg7: memref<128xi32, #tpu.memory_space<vmem>>, %arg8: memref<128xf32, #tpu.memory_space<vmem>>, %arg9: memref<2048xf32, #tpu.memory_space<vmem>>) attributes {dimension_semantics = [#tpu.dimension_semantics<core_parallel>, #tpu.dimension_semantics<subcore_parallel>], iteration_bounds = array<i64: 2, 16>, scalar_prefetch = 0 : i64, scratch_operands = 4 : i64, tpu.core_type = #tpu.core_type<sc_vector_subcore>, window_params = [{transform_indices = #map}, {transform_indices = #map}, {transform_indices = #map}, {transform_indices = #map}]} {
    %mul3A = arith.constant 2 : i32
    %mul3A_0 = arith.muli %arg1, %mul3A : i32
    %add3A = arith.addi %mul3A_0, %arg0 : i32
    %lt3A = arith.constant 5 : i32
    %lt3A_1 = arith.cmpi slt, %arg1, %lt3A : i32
    %convert_element_type3A = arith.extui %lt3A_1 : i1 to i32
    %cond3A = arith.constant 0 : i32
    %cond3A_2 = arith.cmpi ne, %convert_element_type3A, %cond3A : i32
    scf.if %cond3A_2 {
      "tpu.region"() ({
        %run_scoped3A = tpu.sem_alloc : memref<!tpu.dma_semaphore, #tpu.memory_space<semaphore_mem>>
        tpu.enqueue_dma source(%arg3 : memref<2048xf32, #tpu.memory_space<hbm>>) target(%arg9 : memref<2048xf32, #tpu.memory_space<vmem>>) target_semaphore(%run_scoped3A : memref<!tpu.dma_semaphore, #tpu.memory_space<semaphore_mem>>)
        tpu.wait_dma2 semaphore(%run_scoped3A : memref<!tpu.dma_semaphore, #tpu.memory_space<semaphore_mem>>) src(%arg3 : memref<2048xf32, #tpu.memory_space<hbm>>) dst(%arg9 : memref<2048xf32, #tpu.memory_space<vmem>>)
        tpu.yield
      }) : () -> ()
      %mul3A_23 = arith.constant 2048 : i32
      %mul3A_24 = arith.muli %arg1, %mul3A_23 : i32
      "tpu.region"() ({
        %run_scoped3A = tpu.sem_alloc : memref<!tpu.dma_semaphore, #tpu.memory_space<semaphore_mem>>
        %dma_start3A = tpu.memref_slice %arg6[%mul3A_24] : memref<10240xf32, #tpu.memory_space<vmem_shared>> -> memref<2048xf32, #tpu.memory_space<vmem_shared>>
        %dma_start3A_25 = tpu.memref_slice %arg6[%mul3A_24] : memref<10240xf32, #tpu.memory_space<vmem_shared>> -> memref<2048xf32, #tpu.memory_space<vmem_shared>>
        tpu.enqueue_dma source(%arg9 : memref<2048xf32, #tpu.memory_space<vmem>>) target(%dma_start3A_25 : memref<2048xf32, #tpu.memory_space<vmem_shared>>) target_semaphore(%run_scoped3A : memref<!tpu.dma_semaphore, #tpu.memory_space<semaphore_mem>>)
        %dma_wait3A = tpu.memref_slice %arg6[%mul3A_24] : memref<10240xf32, #tpu.memory_space<vmem_shared>> -> memref<2048xf32, #tpu.memory_space<vmem_shared>>
        %dma_wait3A_26 = tpu.memref_slice %arg6[%mul3A_24] : memref<10240xf32, #tpu.memory_space<vmem_shared>> -> memref<2048xf32, #tpu.memory_space<vmem_shared>>
        tpu.wait_dma2 semaphore(%run_scoped3A : memref<!tpu.dma_semaphore, #tpu.memory_space<semaphore_mem>>) src(%arg9 : memref<2048xf32, #tpu.memory_space<vmem>>) dst(%dma_wait3A_26 : memref<2048xf32, #tpu.memory_space<vmem_shared>>)
        tpu.yield
      }) : () -> ()
    } else {
    }
    "tpu.region"() ({
      %run_scoped3A = tpu.sem_alloc : memref<!tpu.dma_semaphore, #tpu.memory_space<semaphore_mem>>
      tpu.enqueue_dma source(%arg4 : memref<128xf32, #tpu.memory_space<hbm>>) target(%arg8 : memref<128xf32, #tpu.memory_space<vmem>>) target_semaphore(%run_scoped3A : memref<!tpu.dma_semaphore, #tpu.memory_space<semaphore_mem>>)
      tpu.wait_dma2 semaphore(%run_scoped3A : memref<!tpu.dma_semaphore, #tpu.memory_space<semaphore_mem>>) src(%arg4 : memref<128xf32, #tpu.memory_space<hbm>>) dst(%arg8 : memref<128xf32, #tpu.memory_space<vmem>>)
      tpu.yield
    }) : () -> ()
    %barrier3A = arith.constant 0 : index
    tpu.barrier barrier_id(%barrier3A)
    %lt3A_3 = arith.constant 4 : i32
    %lt3A_4 = arith.cmpi slt, %add3A, %lt3A_3 : i32
    %jit3A = arith.constant 1 : i32
    %jit3A_5 = arith.constant 0 : i32
    %select_n3A = arith.select %lt3A_4, %jit3A, %jit3A_5 : i32
    %add3A_6 = arith.constant 78 : i32
    %add3A_7 = arith.addi %add3A_6, %select_n3A : i32
    %while3A = arith.constant 0 : i32
    %while3A_8 = arith.constant 0 : i32
    %while3A_9 = arith.subi %add3A_7, %while3A_8 : i32
    %while3A_10 = arith.addi %while3A_8, %while3A_9 : i32
    %while3A_11 = arith.constant 1 : i32
    %while3A_12 = arith.divsi %while3A_9, %while3A_11 : i32
    %while3A_13 = arith.muli %while3A_12, %while3A_11 : i32
    %while3A_14 = arith.addi %while3A_8, %while3A_13 : i32
    %while3A_15 = arith.constant 1 : i32
    scf.for %while3A_23 = %while3A_8 to %while3A_14 step %while3A_15  : i32 {
      %mul3A_24 = arith.constant 32 : i32
      %mul3A_25 = arith.muli %while3A_23, %mul3A_24 : i32
      %add3A_26 = arith.addi %mul3A_25, %add3A : i32
      %mul3A_27 = arith.constant 128 : i32
      %mul3A_28 = arith.muli %add3A_26, %mul3A_27 : i32
      "tpu.region"() ({
        %run_scoped3A = tpu.sem_alloc : memref<!tpu.dma_semaphore, #tpu.memory_space<semaphore_mem>>
        %dma_start3A = tpu.memref_slice %arg2[%mul3A_28] : memref<320000xi32, #tpu.memory_space<hbm>> -> memref<128xi32, #tpu.memory_space<hbm>>
        %dma_start3A_29 = tpu.memref_slice %arg2[%mul3A_28] : memref<320000xi32, #tpu.memory_space<hbm>> -> memref<128xi32, #tpu.memory_space<hbm>>
        tpu.enqueue_dma source(%dma_start3A_29 : memref<128xi32, #tpu.memory_space<hbm>>) target(%arg7 : memref<128xi32, #tpu.memory_space<vmem>>) target_semaphore(%run_scoped3A : memref<!tpu.dma_semaphore, #tpu.memory_space<semaphore_mem>>)
        %dma_wait3A = tpu.memref_slice %arg2[%mul3A_28] : memref<320000xi32, #tpu.memory_space<hbm>> -> memref<128xi32, #tpu.memory_space<hbm>>
        %dma_wait3A_30 = tpu.memref_slice %arg2[%mul3A_28] : memref<320000xi32, #tpu.memory_space<hbm>> -> memref<128xi32, #tpu.memory_space<hbm>>
        tpu.wait_dma2 semaphore(%run_scoped3A : memref<!tpu.dma_semaphore, #tpu.memory_space<semaphore_mem>>) src(%dma_wait3A_30 : memref<128xi32, #tpu.memory_space<hbm>>) dst(%arg7 : memref<128xi32, #tpu.memory_space<vmem>>)
        tpu.yield
      }) : () -> ()
      "tpu.region"() ({
        %run_scoped3A = tpu.sem_alloc : memref<!tpu.dma_semaphore, #tpu.memory_space<semaphore_mem>>
        %dma_start3A = arith.constant 0 : i32
        %dma_start3A_29 = tpu.memref_slice %arg6[%dma_start3A] : memref<10240xf32, #tpu.memory_space<vmem_shared>> -> memref<10240xf32, #tpu.memory_space<vmem_shared>>
        tpu.enqueue_indirect_dma source(%arg8 : memref<128xf32, #tpu.memory_space<vmem>>) target(%dma_start3A_29 : memref<10240xf32, #tpu.memory_space<vmem_shared>>) offsets(%arg7 : memref<128xi32, #tpu.memory_space<vmem>>) semaphore(%run_scoped3A : memref<!tpu.dma_semaphore, #tpu.memory_space<semaphore_mem>>) {add = true}
        %dma_wait3A = arith.constant 0 : i32
        %dma_wait3A_30 = tpu.memref_slice %arg6[%dma_wait3A] : memref<10240xf32, #tpu.memory_space<vmem_shared>> -> memref<10240xf32, #tpu.memory_space<vmem_shared>>
        tpu.wait_indirect_dma semaphore(%run_scoped3A : memref<!tpu.dma_semaphore, #tpu.memory_space<semaphore_mem>>) src(%arg8 : memref<128xf32, #tpu.memory_space<vmem>>) dst(%dma_wait3A_30 : memref<10240xf32, #tpu.memory_space<vmem_shared>>)
        tpu.yield
      }) : () -> ()
    }
    %while3A_16 = arith.constant 1 : i32
    scf.for %while3A_23 = %while3A_14 to %while3A_10 step %while3A_16  : i32 {
      %mul3A_24 = arith.constant 32 : i32
      %mul3A_25 = arith.muli %while3A_23, %mul3A_24 : i32
      %add3A_26 = arith.addi %mul3A_25, %add3A : i32
      %mul3A_27 = arith.constant 128 : i32
      %mul3A_28 = arith.muli %add3A_26, %mul3A_27 : i32
      "tpu.region"() ({
        %run_scoped3A = tpu.sem_alloc : memref<!tpu.dma_semaphore, #tpu.memory_space<semaphore_mem>>
        %dma_start3A = tpu.memref_slice %arg2[%mul3A_28] : memref<320000xi32, #tpu.memory_space<hbm>> -> memref<128xi32, #tpu.memory_space<hbm>>
        %dma_start3A_29 = tpu.memref_slice %arg2[%mul3A_28] : memref<320000xi32, #tpu.memory_space<hbm>> -> memref<128xi32, #tpu.memory_space<hbm>>
        tpu.enqueue_dma source(%dma_start3A_29 : memref<128xi32, #tpu.memory_space<hbm>>) target(%arg7 : memref<128xi32, #tpu.memory_space<vmem>>) target_semaphore(%run_scoped3A : memref<!tpu.dma_semaphore, #tpu.memory_space<semaphore_mem>>)
        %dma_wait3A = tpu.memref_slice %arg2[%mul3A_28] : memref<320000xi32, #tpu.memory_space<hbm>> -> memref<128xi32, #tpu.memory_space<hbm>>
        %dma_wait3A_30 = tpu.memref_slice %arg2[%mul3A_28] : memref<320000xi32, #tpu.memory_space<hbm>> -> memref<128xi32, #tpu.memory_space<hbm>>
        tpu.wait_dma2 semaphore(%run_scoped3A : memref<!tpu.dma_semaphore, #tpu.memory_space<semaphore_mem>>) src(%dma_wait3A_30 : memref<128xi32, #tpu.memory_space<hbm>>) dst(%arg7 : memref<128xi32, #tpu.memory_space<vmem>>)
        tpu.yield
      }) : () -> ()
      "tpu.region"() ({
        %run_scoped3A = tpu.sem_alloc : memref<!tpu.dma_semaphore, #tpu.memory_space<semaphore_mem>>
        %dma_start3A = arith.constant 0 : i32
        %dma_start3A_29 = tpu.memref_slice %arg6[%dma_start3A] : memref<10240xf32, #tpu.memory_space<vmem_shared>> -> memref<10240xf32, #tpu.memory_space<vmem_shared>>
        tpu.enqueue_indirect_dma source(%arg8 : memref<128xf32, #tpu.memory_space<vmem>>) target(%dma_start3A_29 : memref<10240xf32, #tpu.memory_space<vmem_shared>>) offsets(%arg7 : memref<128xi32, #tpu.memory_space<vmem>>) semaphore(%run_scoped3A : memref<!tpu.dma_semaphore, #tpu.memory_space<semaphore_mem>>) {add = true}
        %dma_wait3A = arith.constant 0 : i32
        %dma_wait3A_30 = tpu.memref_slice %arg6[%dma_wait3A] : memref<10240xf32, #tpu.memory_space<vmem_shared>> -> memref<10240xf32, #tpu.memory_space<vmem_shared>>
        tpu.wait_indirect_dma semaphore(%run_scoped3A : memref<!tpu.dma_semaphore, #tpu.memory_space<semaphore_mem>>) src(%arg8 : memref<128xf32, #tpu.memory_space<vmem>>) dst(%dma_wait3A_30 : memref<10240xf32, #tpu.memory_space<vmem_shared>>)
        tpu.yield
      }) : () -> ()
    }
    %barrier3A_17 = arith.constant 0 : index
    tpu.barrier barrier_id(%barrier3A_17)
    %lt3A_18 = arith.constant 5 : i32
    %lt3A_19 = arith.cmpi slt, %arg1, %lt3A_18 : i32
    %convert_element_type3A_20 = arith.extui %lt3A_19 : i1 to i32
    %cond3A_21 = arith.constant 0 : i32
    %cond3A_22 = arith.cmpi ne, %convert_element_type3A_20, %cond3A_21 : i32
    scf.if %cond3A_22 {
      %mul3A_23 = arith.constant 2048 : i32
      %mul3A_24 = arith.muli %arg1, %mul3A_23 : i32
      "tpu.region"() ({
        %run_scoped3A = tpu.sem_alloc : memref<!tpu.dma_semaphore, #tpu.memory_space<semaphore_mem>>
        %dma_start3A = tpu.memref_slice %arg6[%mul3A_24] : memref<10240xf32, #tpu.memory_space<vmem_shared>> -> memref<2048xf32, #tpu.memory_space<vmem_shared>>
        %dma_start3A_30 = tpu.memref_slice %arg6[%mul3A_24] : memref<10240xf32, #tpu.memory_space<vmem_shared>> -> memref<2048xf32, #tpu.memory_space<vmem_shared>>
        tpu.enqueue_dma source(%dma_start3A_30 : memref<2048xf32, #tpu.memory_space<vmem_shared>>) target(%arg9 : memref<2048xf32, #tpu.memory_space<vmem>>) target_semaphore(%run_scoped3A : memref<!tpu.dma_semaphore, #tpu.memory_space<semaphore_mem>>)
        %dma_wait3A = tpu.memref_slice %arg6[%mul3A_24] : memref<10240xf32, #tpu.memory_space<vmem_shared>> -> memref<2048xf32, #tpu.memory_space<vmem_shared>>
        %dma_wait3A_31 = tpu.memref_slice %arg6[%mul3A_24] : memref<10240xf32, #tpu.memory_space<vmem_shared>> -> memref<2048xf32, #tpu.memory_space<vmem_shared>>
        tpu.wait_dma2 semaphore(%run_scoped3A : memref<!tpu.dma_semaphore, #tpu.memory_space<semaphore_mem>>) src(%dma_wait3A_31 : memref<2048xf32, #tpu.memory_space<vmem_shared>>) dst(%arg9 : memref<2048xf32, #tpu.memory_space<vmem>>)
        tpu.yield
      }) : () -> ()
      %mul3A_25 = arith.constant 10240 : i32
      %mul3A_26 = arith.muli %arg0, %mul3A_25 : i32
      %mul3A_27 = arith.constant 2048 : i32
      %mul3A_28 = arith.muli %arg1, %mul3A_27 : i32
      %add3A_29 = arith.addi %mul3A_26, %mul3A_28 : i32
      "tpu.region"() ({
        %run_scoped3A = tpu.sem_alloc : memref<!tpu.dma_semaphore, #tpu.memory_space<semaphore_mem>>
        %dma_start3A = tpu.memref_slice %arg5[%add3A_29] : memref<20480xf32, #tpu.memory_space<hbm>> -> memref<2048xf32, #tpu.memory_space<hbm>>
        %dma_start3A_30 = tpu.memref_slice %arg5[%add3A_29] : memref<20480xf32, #tpu.memory_space<hbm>> -> memref<2048xf32, #tpu.memory_space<hbm>>
        tpu.enqueue_dma source(%arg9 : memref<2048xf32, #tpu.memory_space<vmem>>) target(%dma_start3A_30 : memref<2048xf32, #tpu.memory_space<hbm>>) target_semaphore(%run_scoped3A : memref<!tpu.dma_semaphore, #tpu.memory_space<semaphore_mem>>)
        %dma_wait3A = tpu.memref_slice %arg5[%add3A_29] : memref<20480xf32, #tpu.memory_space<hbm>> -> memref<2048xf32, #tpu.memory_space<hbm>>
        %dma_wait3A_31 = tpu.memref_slice %arg5[%add3A_29] : memref<20480xf32, #tpu.memory_space<hbm>> -> memref<2048xf32, #tpu.memory_space<hbm>>
        tpu.wait_dma2 semaphore(%run_scoped3A : memref<!tpu.dma_semaphore, #tpu.memory_space<semaphore_mem>>) src(%arg9 : memref<2048xf32, #tpu.memory_space<vmem>>) dst(%dma_wait3A_31 : memref<2048xf32, #tpu.memory_space<hbm>>)
        tpu.yield
      }) : () -> ()
    } else {
    }
    return
  }
}

#map = affine_map<(d0, d1) -> (0, 0)>
#map1 = affine_map<(d0, d1) -> (0)>
module attributes {stable_mosaic.version = 14 : i64} {
  func.func @agg_kernel(%arg0: i32, %arg1: i32, %arg2: memref<10000x128xf32, #tpu.memory_space<hbm>>, %arg3: memref<320000xi32, #tpu.memory_space<hbm>>, %arg4: memref<320000xi32, #tpu.memory_space<hbm>>, %arg5: memref<80x128xf32, #tpu.memory_space<hbm>>, %arg6: memref<20000x128xf32, #tpu.memory_space<hbm>>, %arg7: memref<10000x128xf32, #tpu.memory_space<vmem_shared>>, %arg8: memref<128xi32, #tpu.memory_space<vmem>>, %arg9: memref<128xi32, #tpu.memory_space<vmem>>, %arg10: memref<128x128xf32, #tpu.memory_space<vmem>>, %arg11: memref<80x128xf32, #tpu.memory_space<vmem>>, %arg12: memref<128xi32, #tpu.memory_space<vmem>>, %arg13: memref<128xi32, #tpu.memory_space<vmem>>, %arg14: memref<128x128xf32, #tpu.memory_space<vmem>>, %arg15: memref<!tpu.dma_semaphore, #tpu.memory_space<semaphore_mem>>, %arg16: memref<!tpu.dma_semaphore, #tpu.memory_space<semaphore_mem>>) attributes {dimension_semantics = [#tpu.dimension_semantics<core_parallel>, #tpu.dimension_semantics<subcore_parallel>], iteration_bounds = array<i64: 2, 16>, scalar_prefetch = 0 : i64, scratch_operands = 10 : i64, tpu.core_type = #tpu.core_type<sc_vector_subcore>, window_params = [{transform_indices = #map}, {transform_indices = #map1}, {transform_indices = #map1}, {transform_indices = #map}, {transform_indices = #map}]} {
    %mul3A = arith.constant 2 : i32
    %mul3A_0 = arith.muli %arg1, %mul3A : i32
    %add3A = arith.addi %mul3A_0, %arg0 : i32
    %lt3A = arith.constant 13 : i32
    %lt3A_1 = arith.cmpi slt, %arg1, %lt3A : i32
    %jit3A = arith.constant 1 : i32
    %jit3A_2 = arith.constant 0 : i32
    %select_n3A = arith.select %lt3A_1, %jit3A, %jit3A_2 : i32
    %add3A_3 = arith.constant 7 : i32
    %add3A_4 = arith.addi %add3A_3, %select_n3A : i32
    %lt3A_5 = arith.constant 4 : i32
    %lt3A_6 = arith.cmpi slt, %add3A, %lt3A_5 : i32
    %jit3A_7 = arith.constant 1 : i32
    %jit3A_8 = arith.constant 0 : i32
    %select_n3A_9 = arith.select %lt3A_6, %jit3A_7, %jit3A_8 : i32
    %add3A_10 = arith.constant 78 : i32
    %add3A_11 = arith.addi %add3A_10, %select_n3A_9 : i32
    %mul3A_12 = arith.constant 128 : i32
    %mul3A_13 = arith.muli %add3A, %mul3A_12 : i32
    "tpu.region"() ({
      %run_scoped3A = tpu.sem_alloc : memref<!tpu.dma_semaphore, #tpu.memory_space<semaphore_mem>>
      %dma_start3A_46 = tpu.memref_slice %arg3[%mul3A_13] : memref<320000xi32, #tpu.memory_space<hbm>> -> memref<128xi32, #tpu.memory_space<hbm>>
      %dma_start3A_47 = tpu.memref_slice %arg3[%mul3A_13] : memref<320000xi32, #tpu.memory_space<hbm>> -> memref<128xi32, #tpu.memory_space<hbm>>
      tpu.enqueue_dma source(%dma_start3A_47 : memref<128xi32, #tpu.memory_space<hbm>>) target(%arg8 : memref<128xi32, #tpu.memory_space<vmem>>) target_semaphore(%run_scoped3A : memref<!tpu.dma_semaphore, #tpu.memory_space<semaphore_mem>>)
      %dma_wait3A = tpu.memref_slice %arg3[%mul3A_13] : memref<320000xi32, #tpu.memory_space<hbm>> -> memref<128xi32, #tpu.memory_space<hbm>>
      %dma_wait3A_48 = tpu.memref_slice %arg3[%mul3A_13] : memref<320000xi32, #tpu.memory_space<hbm>> -> memref<128xi32, #tpu.memory_space<hbm>>
      tpu.wait_dma2 semaphore(%run_scoped3A : memref<!tpu.dma_semaphore, #tpu.memory_space<semaphore_mem>>) src(%dma_wait3A_48 : memref<128xi32, #tpu.memory_space<hbm>>) dst(%arg8 : memref<128xi32, #tpu.memory_space<vmem>>)
      tpu.yield
    }) : () -> ()
    "tpu.region"() ({
      %run_scoped3A = tpu.sem_alloc : memref<!tpu.dma_semaphore, #tpu.memory_space<semaphore_mem>>
      %dma_start3A_46 = tpu.memref_slice %arg4[%mul3A_13] : memref<320000xi32, #tpu.memory_space<hbm>> -> memref<128xi32, #tpu.memory_space<hbm>>
      %dma_start3A_47 = tpu.memref_slice %arg4[%mul3A_13] : memref<320000xi32, #tpu.memory_space<hbm>> -> memref<128xi32, #tpu.memory_space<hbm>>
      tpu.enqueue_dma source(%dma_start3A_47 : memref<128xi32, #tpu.memory_space<hbm>>) target(%arg9 : memref<128xi32, #tpu.memory_space<vmem>>) target_semaphore(%run_scoped3A : memref<!tpu.dma_semaphore, #tpu.memory_space<semaphore_mem>>)
      %dma_wait3A = tpu.memref_slice %arg4[%mul3A_13] : memref<320000xi32, #tpu.memory_space<hbm>> -> memref<128xi32, #tpu.memory_space<hbm>>
      %dma_wait3A_48 = tpu.memref_slice %arg4[%mul3A_13] : memref<320000xi32, #tpu.memory_space<hbm>> -> memref<128xi32, #tpu.memory_space<hbm>>
      tpu.wait_dma2 semaphore(%run_scoped3A : memref<!tpu.dma_semaphore, #tpu.memory_space<semaphore_mem>>) src(%dma_wait3A_48 : memref<128xi32, #tpu.memory_space<hbm>>) dst(%arg9 : memref<128xi32, #tpu.memory_space<vmem>>)
      tpu.yield
    }) : () -> ()
    %dma_start3A = arith.constant 0 : i32
    %dma_start3A_14 = arith.constant 0 : i32
    %dma_start3A_15 = tpu.memref_slice %arg2[%dma_start3A, %dma_start3A_14] : memref<10000x128xf32, #tpu.memory_space<hbm>> -> memref<10000x128xf32, #tpu.memory_space<hbm>>
    tpu.enqueue_indirect_dma source(%dma_start3A_15 : memref<10000x128xf32, #tpu.memory_space<hbm>>) target(%arg10 : memref<128x128xf32, #tpu.memory_space<vmem>>) offsets(%arg8 : memref<128xi32, #tpu.memory_space<vmem>>) semaphore(%arg15 : memref<!tpu.dma_semaphore, #tpu.memory_space<semaphore_mem>>)
    "tpu.region"() ({
      %run_scoped3A = tpu.sem_alloc : memref<!tpu.dma_semaphore, #tpu.memory_space<semaphore_mem>>
      tpu.enqueue_dma source(%arg5 : memref<80x128xf32, #tpu.memory_space<hbm>>) target(%arg11 : memref<80x128xf32, #tpu.memory_space<vmem>>) target_semaphore(%run_scoped3A : memref<!tpu.dma_semaphore, #tpu.memory_space<semaphore_mem>>)
      tpu.wait_dma2 semaphore(%run_scoped3A : memref<!tpu.dma_semaphore, #tpu.memory_space<semaphore_mem>>) src(%arg5 : memref<80x128xf32, #tpu.memory_space<hbm>>) dst(%arg11 : memref<80x128xf32, #tpu.memory_space<vmem>>)
      tpu.yield
    }) : () -> ()
    %while3A = arith.constant 0 : i32
    %while3A_16 = arith.constant 0 : i32
    %while3A_17 = arith.subi %add3A_4, %while3A_16 : i32
    %while3A_18 = arith.addi %while3A_16, %while3A_17 : i32
    %while3A_19 = arith.constant 1 : i32
    %while3A_20 = arith.divsi %while3A_17, %while3A_19 : i32
    %while3A_21 = arith.muli %while3A_20, %while3A_19 : i32
    %while3A_22 = arith.addi %while3A_16, %while3A_21 : i32
    %while3A_23 = arith.constant 1 : i32
    scf.for %while3A_46 = %while3A_16 to %while3A_22 step %while3A_23  : i32 {
      %mul3A_47 = arith.constant 16 : i32
      %mul3A_48 = arith.muli %while3A_46, %mul3A_47 : i32
      %add3A_49 = arith.addi %mul3A_48, %arg1 : i32
      %mul3A_50 = arith.constant 80 : i32
      %mul3A_51 = arith.muli %add3A_49, %mul3A_50 : i32
      "tpu.region"() ({
        %run_scoped3A = tpu.sem_alloc : memref<!tpu.dma_semaphore, #tpu.memory_space<semaphore_mem>>
        %dma_start3A_52 = arith.constant 0 : i32
        %dma_start3A_53 = tpu.memref_slice %arg7[%mul3A_51, %dma_start3A_52] : memref<10000x128xf32, #tpu.memory_space<vmem_shared>> -> memref<80x128xf32, #tpu.memory_space<vmem_shared>>
        %dma_start3A_54 = arith.constant 0 : i32
        %dma_start3A_55 = tpu.memref_slice %arg7[%mul3A_51, %dma_start3A_54] : memref<10000x128xf32, #tpu.memory_space<vmem_shared>> -> memref<80x128xf32, #tpu.memory_space<vmem_shared>>
        tpu.enqueue_dma source(%arg11 : memref<80x128xf32, #tpu.memory_space<vmem>>) target(%dma_start3A_55 : memref<80x128xf32, #tpu.memory_space<vmem_shared>>) target_semaphore(%run_scoped3A : memref<!tpu.dma_semaphore, #tpu.memory_space<semaphore_mem>>)
        %dma_wait3A = arith.constant 0 : i32
        %dma_wait3A_56 = tpu.memref_slice %arg7[%mul3A_51, %dma_wait3A] : memref<10000x128xf32, #tpu.memory_space<vmem_shared>> -> memref<80x128xf32, #tpu.memory_space<vmem_shared>>
        %dma_wait3A_57 = arith.constant 0 : i32
        %dma_wait3A_58 = tpu.memref_slice %arg7[%mul3A_51, %dma_wait3A_57] : memref<10000x128xf32, #tpu.memory_space<vmem_shared>> -> memref<80x128xf32, #tpu.memory_space<vmem_shared>>
        tpu.wait_dma2 semaphore(%run_scoped3A : memref<!tpu.dma_semaphore, #tpu.memory_space<semaphore_mem>>) src(%arg11 : memref<80x128xf32, #tpu.memory_space<vmem>>) dst(%dma_wait3A_58 : memref<80x128xf32, #tpu.memory_space<vmem_shared>>)
        tpu.yield
      }) : () -> ()
    }
    %while3A_24 = arith.constant 1 : i32
    scf.for %while3A_46 = %while3A_22 to %while3A_18 step %while3A_24  : i32 {
      %mul3A_47 = arith.constant 16 : i32
      %mul3A_48 = arith.muli %while3A_46, %mul3A_47 : i32
      %add3A_49 = arith.addi %mul3A_48, %arg1 : i32
      %mul3A_50 = arith.constant 80 : i32
      %mul3A_51 = arith.muli %add3A_49, %mul3A_50 : i32
      "tpu.region"() ({
        %run_scoped3A = tpu.sem_alloc : memref<!tpu.dma_semaphore, #tpu.memory_space<semaphore_mem>>
        %dma_start3A_52 = arith.constant 0 : i32
        %dma_start3A_53 = tpu.memref_slice %arg7[%mul3A_51, %dma_start3A_52] : memref<10000x128xf32, #tpu.memory_space<vmem_shared>> -> memref<80x128xf32, #tpu.memory_space<vmem_shared>>
        %dma_start3A_54 = arith.constant 0 : i32
        %dma_start3A_55 = tpu.memref_slice %arg7[%mul3A_51, %dma_start3A_54] : memref<10000x128xf32, #tpu.memory_space<vmem_shared>> -> memref<80x128xf32, #tpu.memory_space<vmem_shared>>
        tpu.enqueue_dma source(%arg11 : memref<80x128xf32, #tpu.memory_space<vmem>>) target(%dma_start3A_55 : memref<80x128xf32, #tpu.memory_space<vmem_shared>>) target_semaphore(%run_scoped3A : memref<!tpu.dma_semaphore, #tpu.memory_space<semaphore_mem>>)
        %dma_wait3A = arith.constant 0 : i32
        %dma_wait3A_56 = tpu.memref_slice %arg7[%mul3A_51, %dma_wait3A] : memref<10000x128xf32, #tpu.memory_space<vmem_shared>> -> memref<80x128xf32, #tpu.memory_space<vmem_shared>>
        %dma_wait3A_57 = arith.constant 0 : i32
        %dma_wait3A_58 = tpu.memref_slice %arg7[%mul3A_51, %dma_wait3A_57] : memref<10000x128xf32, #tpu.memory_space<vmem_shared>> -> memref<80x128xf32, #tpu.memory_space<vmem_shared>>
        tpu.wait_dma2 semaphore(%run_scoped3A : memref<!tpu.dma_semaphore, #tpu.memory_space<semaphore_mem>>) src(%arg11 : memref<80x128xf32, #tpu.memory_space<vmem>>) dst(%dma_wait3A_58 : memref<80x128xf32, #tpu.memory_space<vmem_shared>>)
        tpu.yield
      }) : () -> ()
    }
    %barrier3A = arith.constant 0 : index
    tpu.barrier barrier_id(%barrier3A)
    %while3A_25 = arith.constant 0 : i32
    %while3A_26 = arith.constant 0 : i32
    %while3A_27 = arith.subi %add3A_11, %while3A_26 : i32
    %while3A_28 = arith.addi %while3A_26, %while3A_27 : i32
    %while3A_29 = arith.constant 1 : i32
    %while3A_30 = arith.divsi %while3A_27, %while3A_29 : i32
    %while3A_31 = arith.muli %while3A_30, %while3A_29 : i32
    %while3A_32 = arith.addi %while3A_26, %while3A_31 : i32
    %while3A_33 = arith.constant 1 : i32
    scf.for %while3A_46 = %while3A_26 to %while3A_32 step %while3A_33  : i32 {
      %add3A_47 = arith.constant 1 : i32
      %add3A_48 = arith.addi %while3A_46, %add3A_47 : i32
      %lt3A_49 = arith.cmpi slt, %add3A_48, %add3A_11 : i32
      %jit3A_50 = arith.constant 2 : i32
      %eq3A = arith.constant 0 : i32
      %eq3A_51 = arith.cmpi eq, %jit3A_50, %eq3A : i32
      %jit3A_52 = arith.constant 1 : i32
      %select_n3A_53 = arith.select %eq3A_51, %jit3A_52, %jit3A_50 : i32
      %rem3A = arith.remsi %add3A_48, %select_n3A_53 : i32
      %ne3A = arith.constant 0 : i32
      %ne3A_54 = arith.cmpi ne, %rem3A, %ne3A : i32
      %lt3A_55 = arith.constant 0 : i32
      %lt3A_56 = arith.cmpi slt, %rem3A, %lt3A_55 : i32
      %lt3A_57 = arith.constant 0 : i32
      %lt3A_58 = arith.cmpi slt, %select_n3A_53, %lt3A_57 : i32
      %ne3A_59 = arith.xori %lt3A_56, %lt3A_58 : i1
      %and3A = arith.andi %ne3A_59, %ne3A_54 : i1
      %add3A_60 = arith.addi %rem3A, %select_n3A_53 : i32
      %select_n3A_61 = arith.select %and3A, %add3A_60, %rem3A : i32
      %eq3A_62 = arith.constant 1 : i32
      %eq3A_63 = arith.cmpi eq, %select_n3A_61, %eq3A_62 : i32
      %and3A_64 = arith.andi %lt3A_49, %eq3A_63 : i1
      %convert_element_type3A = arith.extui %and3A_64 : i1 to i32
      %cond3A = arith.constant 0 : i32
      %cond3A_65 = arith.cmpi ne, %convert_element_type3A, %cond3A : i32
      scf.if %cond3A_65 {
        %mul3A_130 = arith.constant 32 : i32
        %mul3A_131 = arith.muli %add3A_48, %mul3A_130 : i32
        %add3A_132 = arith.addi %mul3A_131, %add3A : i32
        %mul3A_133 = arith.constant 128 : i32
        %mul3A_134 = arith.muli %add3A_132, %mul3A_133 : i32
        "tpu.region"() ({
          %run_scoped3A = tpu.sem_alloc : memref<!tpu.dma_semaphore, #tpu.memory_space<semaphore_mem>>
          %dma_start3A_138 = tpu.memref_slice %arg3[%mul3A_134] : memref<320000xi32, #tpu.memory_space<hbm>> -> memref<128xi32, #tpu.memory_space<hbm>>
          %dma_start3A_139 = tpu.memref_slice %arg3[%mul3A_134] : memref<320000xi32, #tpu.memory_space<hbm>> -> memref<128xi32, #tpu.memory_space<hbm>>
          tpu.enqueue_dma source(%dma_start3A_139 : memref<128xi32, #tpu.memory_space<hbm>>) target(%arg12 : memref<128xi32, #tpu.memory_space<vmem>>) target_semaphore(%run_scoped3A : memref<!tpu.dma_semaphore, #tpu.memory_space<semaphore_mem>>)
          %dma_wait3A = tpu.memref_slice %arg3[%mul3A_134] : memref<320000xi32, #tpu.memory_space<hbm>> -> memref<128xi32, #tpu.memory_space<hbm>>
          %dma_wait3A_140 = tpu.memref_slice %arg3[%mul3A_134] : memref<320000xi32, #tpu.memory_space<hbm>> -> memref<128xi32, #tpu.memory_space<hbm>>
          tpu.wait_dma2 semaphore(%run_scoped3A : memref<!tpu.dma_semaphore, #tpu.memory_space<semaphore_mem>>) src(%dma_wait3A_140 : memref<128xi32, #tpu.memory_space<hbm>>) dst(%arg12 : memref<128xi32, #tpu.memory_space<vmem>>)
          tpu.yield
        }) : () -> ()
        "tpu.region"() ({
          %run_scoped3A = tpu.sem_alloc : memref<!tpu.dma_semaphore, #tpu.memory_space<semaphore_mem>>
          %dma_start3A_138 = tpu.memref_slice %arg4[%mul3A_134] : memref<320000xi32, #tpu.memory_space<hbm>> -> memref<128xi32, #tpu.memory_space<hbm>>
          %dma_start3A_139 = tpu.memref_slice %arg4[%mul3A_134] : memref<320000xi32, #tpu.memory_space<hbm>> -> memref<128xi32, #tpu.memory_space<hbm>>
          tpu.enqueue_dma source(%dma_start3A_139 : memref<128xi32, #tpu.memory_space<hbm>>) target(%arg13 : memref<128xi32, #tpu.memory_space<vmem>>) target_semaphore(%run_scoped3A : memref<!tpu.dma_semaphore, #tpu.memory_space<semaphore_mem>>)
          %dma_wait3A = tpu.memref_slice %arg4[%mul3A_134] : memref<320000xi32, #tpu.memory_space<hbm>> -> memref<128xi32, #tpu.memory_space<hbm>>
          %dma_wait3A_140 = tpu.memref_slice %arg4[%mul3A_134] : memref<320000xi32, #tpu.memory_space<hbm>> -> memref<128xi32, #tpu.memory_space<hbm>>
          tpu.wait_dma2 semaphore(%run_scoped3A : memref<!tpu.dma_semaphore, #tpu.memory_space<semaphore_mem>>) src(%dma_wait3A_140 : memref<128xi32, #tpu.memory_space<hbm>>) dst(%arg13 : memref<128xi32, #tpu.memory_space<vmem>>)
          tpu.yield
        }) : () -> ()
        %dma_start3A_135 = arith.constant 0 : i32
        %dma_start3A_136 = arith.constant 0 : i32
        %dma_start3A_137 = tpu.memref_slice %arg2[%dma_start3A_135, %dma_start3A_136] : memref<10000x128xf32, #tpu.memory_space<hbm>> -> memref<10000x128xf32, #tpu.memory_space<hbm>>
        tpu.enqueue_indirect_dma source(%dma_start3A_137 : memref<10000x128xf32, #tpu.memory_space<hbm>>) target(%arg14 : memref<128x128xf32, #tpu.memory_space<vmem>>) offsets(%arg12 : memref<128xi32, #tpu.memory_space<vmem>>) semaphore(%arg16 : memref<!tpu.dma_semaphore, #tpu.memory_space<semaphore_mem>>)
      } else {
      }
      %jit3A_66 = arith.constant 2 : i32
      %eq3A_67 = arith.constant 0 : i32
      %eq3A_68 = arith.cmpi eq, %jit3A_66, %eq3A_67 : i32
      %jit3A_69 = arith.constant 1 : i32
      %select_n3A_70 = arith.select %eq3A_68, %jit3A_69, %jit3A_66 : i32
      %rem3A_71 = arith.remsi %add3A_48, %select_n3A_70 : i32
      %ne3A_72 = arith.constant 0 : i32
      %ne3A_73 = arith.cmpi ne, %rem3A_71, %ne3A_72 : i32
      %lt3A_74 = arith.constant 0 : i32
      %lt3A_75 = arith.cmpi slt, %rem3A_71, %lt3A_74 : i32
      %lt3A_76 = arith.constant 0 : i32
      %lt3A_77 = arith.cmpi slt, %select_n3A_70, %lt3A_76 : i32
      %ne3A_78 = arith.xori %lt3A_75, %lt3A_77 : i1
      %and3A_79 = arith.andi %ne3A_78, %ne3A_73 : i1
      %add3A_80 = arith.addi %rem3A_71, %select_n3A_70 : i32
      %select_n3A_81 = arith.select %and3A_79, %add3A_80, %rem3A_71 : i32
      %eq3A_82 = arith.constant 0 : i32
      %eq3A_83 = arith.cmpi eq, %select_n3A_81, %eq3A_82 : i32
      %and3A_84 = arith.andi %lt3A_49, %eq3A_83 : i1
      %convert_element_type3A_85 = arith.extui %and3A_84 : i1 to i32
      %cond3A_86 = arith.constant 0 : i32
      %cond3A_87 = arith.cmpi ne, %convert_element_type3A_85, %cond3A_86 : i32
      scf.if %cond3A_87 {
        %mul3A_130 = arith.constant 32 : i32
        %mul3A_131 = arith.muli %add3A_48, %mul3A_130 : i32
        %add3A_132 = arith.addi %mul3A_131, %add3A : i32
        %mul3A_133 = arith.constant 128 : i32
        %mul3A_134 = arith.muli %add3A_132, %mul3A_133 : i32
        "tpu.region"() ({
          %run_scoped3A = tpu.sem_alloc : memref<!tpu.dma_semaphore, #tpu.memory_space<semaphore_mem>>
          %dma_start3A_138 = tpu.memref_slice %arg3[%mul3A_134] : memref<320000xi32, #tpu.memory_space<hbm>> -> memref<128xi32, #tpu.memory_space<hbm>>
          %dma_start3A_139 = tpu.memref_slice %arg3[%mul3A_134] : memref<320000xi32, #tpu.memory_space<hbm>> -> memref<128xi32, #tpu.memory_space<hbm>>
          tpu.enqueue_dma source(%dma_start3A_139 : memref<128xi32, #tpu.memory_space<hbm>>) target(%arg8 : memref<128xi32, #tpu.memory_space<vmem>>) target_semaphore(%run_scoped3A : memref<!tpu.dma_semaphore, #tpu.memory_space<semaphore_mem>>)
          %dma_wait3A = tpu.memref_slice %arg3[%mul3A_134] : memref<320000xi32, #tpu.memory_space<hbm>> -> memref<128xi32, #tpu.memory_space<hbm>>
          %dma_wait3A_140 = tpu.memref_slice %arg3[%mul3A_134] : memref<320000xi32, #tpu.memory_space<hbm>> -> memref<128xi32, #tpu.memory_space<hbm>>
          tpu.wait_dma2 semaphore(%run_scoped3A : memref<!tpu.dma_semaphore, #tpu.memory_space<semaphore_mem>>) src(%dma_wait3A_140 : memref<128xi32, #tpu.memory_space<hbm>>) dst(%arg8 : memref<128xi32, #tpu.memory_space<vmem>>)
          tpu.yield
        }) : () -> ()
        "tpu.region"() ({
          %run_scoped3A = tpu.sem_alloc : memref<!tpu.dma_semaphore, #tpu.memory_space<semaphore_mem>>
          %dma_start3A_138 = tpu.memref_slice %arg4[%mul3A_134] : memref<320000xi32, #tpu.memory_space<hbm>> -> memref<128xi32, #tpu.memory_space<hbm>>
          %dma_start3A_139 = tpu.memref_slice %arg4[%mul3A_134] : memref<320000xi32, #tpu.memory_space<hbm>> -> memref<128xi32, #tpu.memory_space<hbm>>
          tpu.enqueue_dma source(%dma_start3A_139 : memref<128xi32, #tpu.memory_space<hbm>>) target(%arg9 : memref<128xi32, #tpu.memory_space<vmem>>) target_semaphore(%run_scoped3A : memref<!tpu.dma_semaphore, #tpu.memory_space<semaphore_mem>>)
          %dma_wait3A = tpu.memref_slice %arg4[%mul3A_134] : memref<320000xi32, #tpu.memory_space<hbm>> -> memref<128xi32, #tpu.memory_space<hbm>>
          %dma_wait3A_140 = tpu.memref_slice %arg4[%mul3A_134] : memref<320000xi32, #tpu.memory_space<hbm>> -> memref<128xi32, #tpu.memory_space<hbm>>
          tpu.wait_dma2 semaphore(%run_scoped3A : memref<!tpu.dma_semaphore, #tpu.memory_space<semaphore_mem>>) src(%dma_wait3A_140 : memref<128xi32, #tpu.memory_space<hbm>>) dst(%arg9 : memref<128xi32, #tpu.memory_space<vmem>>)
          tpu.yield
        }) : () -> ()
        %dma_start3A_135 = arith.constant 0 : i32
        %dma_start3A_136 = arith.constant 0 : i32
        %dma_start3A_137 = tpu.memref_slice %arg2[%dma_start3A_135, %dma_start3A_136] : memref<10000x128xf32, #tpu.memory_space<hbm>> -> memref<10000x128xf32, #tpu.memory_space<hbm>>
        tpu.enqueue_indirect_dma source(%dma_start3A_137 : memref<10000x128xf32, #tpu.memory_space<hbm>>) target(%arg10 : memref<128x128xf32, #tpu.memory_space<vmem>>) offsets(%arg8 : memref<128xi32, #tpu.memory_space<vmem>>) semaphore(%arg15 : memref<!tpu.dma_semaphore, #tpu.memory_space<semaphore_mem>>)
      } else {
      }
      %jit3A_88 = arith.constant 2 : i32
      %eq3A_89 = arith.constant 0 : i32
      %eq3A_90 = arith.cmpi eq, %jit3A_88, %eq3A_89 : i32
      %jit3A_91 = arith.constant 1 : i32
      %select_n3A_92 = arith.select %eq3A_90, %jit3A_91, %jit3A_88 : i32
      %rem3A_93 = arith.remsi %while3A_46, %select_n3A_92 : i32
      %ne3A_94 = arith.constant 0 : i32
      %ne3A_95 = arith.cmpi ne, %rem3A_93, %ne3A_94 : i32
      %lt3A_96 = arith.constant 0 : i32
      %lt3A_97 = arith.cmpi slt, %rem3A_93, %lt3A_96 : i32
      %lt3A_98 = arith.constant 0 : i32
      %lt3A_99 = arith.cmpi slt, %select_n3A_92, %lt3A_98 : i32
      %ne3A_100 = arith.xori %lt3A_97, %lt3A_99 : i1
      %and3A_101 = arith.andi %ne3A_100, %ne3A_95 : i1
      %add3A_102 = arith.addi %rem3A_93, %select_n3A_92 : i32
      %select_n3A_103 = arith.select %and3A_101, %add3A_102, %rem3A_93 : i32
      %eq3A_104 = arith.constant 0 : i32
      %eq3A_105 = arith.cmpi eq, %select_n3A_103, %eq3A_104 : i32
      %convert_element_type3A_106 = arith.extui %eq3A_105 : i1 to i32
      %cond3A_107 = arith.constant 0 : i32
      %cond3A_108 = arith.cmpi ne, %convert_element_type3A_106, %cond3A_107 : i32
      scf.if %cond3A_108 {
        %dma_wait3A = arith.constant 0 : i32
        %dma_wait3A_130 = arith.constant 0 : i32
        %dma_wait3A_131 = tpu.memref_slice %arg2[%dma_wait3A, %dma_wait3A_130] : memref<10000x128xf32, #tpu.memory_space<hbm>> -> memref<128x128xf32, #tpu.memory_space<hbm>>
        %dma_wait3A_132 = arith.constant 0 : i32
        %dma_wait3A_133 = arith.constant 0 : i32
        %dma_wait3A_134 = tpu.memref_slice %arg2[%dma_wait3A_132, %dma_wait3A_133] : memref<10000x128xf32, #tpu.memory_space<hbm>> -> memref<128x128xf32, #tpu.memory_space<hbm>>
        tpu.wait_dma2 semaphore(%arg15 : memref<!tpu.dma_semaphore, #tpu.memory_space<semaphore_mem>>) src(%dma_wait3A_134 : memref<128x128xf32, #tpu.memory_space<hbm>>) dst(%arg10 : memref<128x128xf32, #tpu.memory_space<vmem>>)
        "tpu.region"() ({
          %run_scoped3A = tpu.sem_alloc : memref<!tpu.dma_semaphore, #tpu.memory_space<semaphore_mem>>
          %dma_start3A_135 = arith.constant 0 : i32
          %dma_start3A_136 = arith.constant 0 : i32
          %dma_start3A_137 = tpu.memref_slice %arg7[%dma_start3A_135, %dma_start3A_136] : memref<10000x128xf32, #tpu.memory_space<vmem_shared>> -> memref<10000x128xf32, #tpu.memory_space<vmem_shared>>
          tpu.enqueue_indirect_dma source(%arg10 : memref<128x128xf32, #tpu.memory_space<vmem>>) target(%dma_start3A_137 : memref<10000x128xf32, #tpu.memory_space<vmem_shared>>) offsets(%arg9 : memref<128xi32, #tpu.memory_space<vmem>>) semaphore(%run_scoped3A : memref<!tpu.dma_semaphore, #tpu.memory_space<semaphore_mem>>) {add = true}
          %dma_wait3A_138 = arith.constant 0 : i32
          %dma_wait3A_139 = arith.constant 0 : i32
          %dma_wait3A_140 = tpu.memref_slice %arg7[%dma_wait3A_138, %dma_wait3A_139] : memref<10000x128xf32, #tpu.memory_space<vmem_shared>> -> memref<10000x128xf32, #tpu.memory_space<vmem_shared>>
          tpu.wait_indirect_dma semaphore(%run_scoped3A : memref<!tpu.dma_semaphore, #tpu.memory_space<semaphore_mem>>) src(%arg10 : memref<128x128xf32, #tpu.memory_space<vmem>>) dst(%dma_wait3A_140 : memref<10000x128xf32, #tpu.memory_space<vmem_shared>>)
          tpu.yield
        }) : () -> ()
      } else {
      }
      %jit3A_109 = arith.constant 2 : i32
      %eq3A_110 = arith.constant 0 : i32
      %eq3A_111 = arith.cmpi eq, %jit3A_109, %eq3A_110 : i32
      %jit3A_112 = arith.constant 1 : i32
      %select_n3A_113 = arith.select %eq3A_111, %jit3A_112, %jit3A_109 : i32
      %rem3A_114 = arith.remsi %while3A_46, %select_n3A_113 : i32
      %ne3A_115 = arith.constant 0 : i32
      %ne3A_116 = arith.cmpi ne, %rem3A_114, %ne3A_115 : i32
      %lt3A_117 = arith.constant 0 : i32
      %lt3A_118 = arith.cmpi slt, %rem3A_114, %lt3A_117 : i32
      %lt3A_119 = arith.constant 0 : i32
      %lt3A_120 = arith.cmpi slt, %select_n3A_113, %lt3A_119 : i32
      %ne3A_121 = arith.xori %lt3A_118, %lt3A_120 : i1
      %and3A_122 = arith.andi %ne3A_121, %ne3A_116 : i1
      %add3A_123 = arith.addi %rem3A_114, %select_n3A_113 : i32
      %select_n3A_124 = arith.select %and3A_122, %add3A_123, %rem3A_114 : i32
      %eq3A_125 = arith.constant 1 : i32
      %eq3A_126 = arith.cmpi eq, %select_n3A_124, %eq3A_125 : i32
      %convert_element_type3A_127 = arith.extui %eq3A_126 : i1 to i32
      %cond3A_128 = arith.constant 0 : i32
      %cond3A_129 = arith.cmpi ne, %convert_element_type3A_127, %cond3A_128 : i32
      scf.if %cond3A_129 {
        %dma_wait3A = arith.constant 0 : i32
        %dma_wait3A_130 = arith.constant 0 : i32
        %dma_wait3A_131 = tpu.memref_slice %arg2[%dma_wait3A, %dma_wait3A_130] : memref<10000x128xf32, #tpu.memory_space<hbm>> -> memref<128x128xf32, #tpu.memory_space<hbm>>
        %dma_wait3A_132 = arith.constant 0 : i32
        %dma_wait3A_133 = arith.constant 0 : i32
        %dma_wait3A_134 = tpu.memref_slice %arg2[%dma_wait3A_132, %dma_wait3A_133] : memref<10000x128xf32, #tpu.memory_space<hbm>> -> memref<128x128xf32, #tpu.memory_space<hbm>>
        tpu.wait_dma2 semaphore(%arg16 : memref<!tpu.dma_semaphore, #tpu.memory_space<semaphore_mem>>) src(%dma_wait3A_134 : memref<128x128xf32, #tpu.memory_space<hbm>>) dst(%arg14 : memref<128x128xf32, #tpu.memory_space<vmem>>)
        "tpu.region"() ({
          %run_scoped3A = tpu.sem_alloc : memref<!tpu.dma_semaphore, #tpu.memory_space<semaphore_mem>>
          %dma_start3A_135 = arith.constant 0 : i32
          %dma_start3A_136 = arith.constant 0 : i32
          %dma_start3A_137 = tpu.memref_slice %arg7[%dma_start3A_135, %dma_start3A_136] : memref<10000x128xf32, #tpu.memory_space<vmem_shared>> -> memref<10000x128xf32, #tpu.memory_space<vmem_shared>>
          tpu.enqueue_indirect_dma source(%arg14 : memref<128x128xf32, #tpu.memory_space<vmem>>) target(%dma_start3A_137 : memref<10000x128xf32, #tpu.memory_space<vmem_shared>>) offsets(%arg13 : memref<128xi32, #tpu.memory_space<vmem>>) semaphore(%run_scoped3A : memref<!tpu.dma_semaphore, #tpu.memory_space<semaphore_mem>>) {add = true}
          %dma_wait3A_138 = arith.constant 0 : i32
          %dma_wait3A_139 = arith.constant 0 : i32
          %dma_wait3A_140 = tpu.memref_slice %arg7[%dma_wait3A_138, %dma_wait3A_139] : memref<10000x128xf32, #tpu.memory_space<vmem_shared>> -> memref<10000x128xf32, #tpu.memory_space<vmem_shared>>
          tpu.wait_indirect_dma semaphore(%run_scoped3A : memref<!tpu.dma_semaphore, #tpu.memory_space<semaphore_mem>>) src(%arg14 : memref<128x128xf32, #tpu.memory_space<vmem>>) dst(%dma_wait3A_140 : memref<10000x128xf32, #tpu.memory_space<vmem_shared>>)
          tpu.yield
        }) : () -> ()
      } else {
      }
    }
    %while3A_34 = arith.constant 1 : i32
    scf.for %while3A_46 = %while3A_32 to %while3A_28 step %while3A_34  : i32 {
      %add3A_47 = arith.constant 1 : i32
      %add3A_48 = arith.addi %while3A_46, %add3A_47 : i32
      %lt3A_49 = arith.cmpi slt, %add3A_48, %add3A_11 : i32
      %jit3A_50 = arith.constant 2 : i32
      %eq3A = arith.constant 0 : i32
      %eq3A_51 = arith.cmpi eq, %jit3A_50, %eq3A : i32
      %jit3A_52 = arith.constant 1 : i32
      %select_n3A_53 = arith.select %eq3A_51, %jit3A_52, %jit3A_50 : i32
      %rem3A = arith.remsi %add3A_48, %select_n3A_53 : i32
      %ne3A = arith.constant 0 : i32
      %ne3A_54 = arith.cmpi ne, %rem3A, %ne3A : i32
      %lt3A_55 = arith.constant 0 : i32
      %lt3A_56 = arith.cmpi slt, %rem3A, %lt3A_55 : i32
      %lt3A_57 = arith.constant 0 : i32
      %lt3A_58 = arith.cmpi slt, %select_n3A_53, %lt3A_57 : i32
      %ne3A_59 = arith.xori %lt3A_56, %lt3A_58 : i1
      %and3A = arith.andi %ne3A_59, %ne3A_54 : i1
      %add3A_60 = arith.addi %rem3A, %select_n3A_53 : i32
      %select_n3A_61 = arith.select %and3A, %add3A_60, %rem3A : i32
      %eq3A_62 = arith.constant 1 : i32
      %eq3A_63 = arith.cmpi eq, %select_n3A_61, %eq3A_62 : i32
      %and3A_64 = arith.andi %lt3A_49, %eq3A_63 : i1
      %convert_element_type3A = arith.extui %and3A_64 : i1 to i32
      %cond3A = arith.constant 0 : i32
      %cond3A_65 = arith.cmpi ne, %convert_element_type3A, %cond3A : i32
      scf.if %cond3A_65 {
        %mul3A_130 = arith.constant 32 : i32
        %mul3A_131 = arith.muli %add3A_48, %mul3A_130 : i32
        %add3A_132 = arith.addi %mul3A_131, %add3A : i32
        %mul3A_133 = arith.constant 128 : i32
        %mul3A_134 = arith.muli %add3A_132, %mul3A_133 : i32
        "tpu.region"() ({
          %run_scoped3A = tpu.sem_alloc : memref<!tpu.dma_semaphore, #tpu.memory_space<semaphore_mem>>
          %dma_start3A_138 = tpu.memref_slice %arg3[%mul3A_134] : memref<320000xi32, #tpu.memory_space<hbm>> -> memref<128xi32, #tpu.memory_space<hbm>>
          %dma_start3A_139 = tpu.memref_slice %arg3[%mul3A_134] : memref<320000xi32, #tpu.memory_space<hbm>> -> memref<128xi32, #tpu.memory_space<hbm>>
          tpu.enqueue_dma source(%dma_start3A_139 : memref<128xi32, #tpu.memory_space<hbm>>) target(%arg12 : memref<128xi32, #tpu.memory_space<vmem>>) target_semaphore(%run_scoped3A : memref<!tpu.dma_semaphore, #tpu.memory_space<semaphore_mem>>)
          %dma_wait3A = tpu.memref_slice %arg3[%mul3A_134] : memref<320000xi32, #tpu.memory_space<hbm>> -> memref<128xi32, #tpu.memory_space<hbm>>
          %dma_wait3A_140 = tpu.memref_slice %arg3[%mul3A_134] : memref<320000xi32, #tpu.memory_space<hbm>> -> memref<128xi32, #tpu.memory_space<hbm>>
          tpu.wait_dma2 semaphore(%run_scoped3A : memref<!tpu.dma_semaphore, #tpu.memory_space<semaphore_mem>>) src(%dma_wait3A_140 : memref<128xi32, #tpu.memory_space<hbm>>) dst(%arg12 : memref<128xi32, #tpu.memory_space<vmem>>)
          tpu.yield
        }) : () -> ()
        "tpu.region"() ({
          %run_scoped3A = tpu.sem_alloc : memref<!tpu.dma_semaphore, #tpu.memory_space<semaphore_mem>>
          %dma_start3A_138 = tpu.memref_slice %arg4[%mul3A_134] : memref<320000xi32, #tpu.memory_space<hbm>> -> memref<128xi32, #tpu.memory_space<hbm>>
          %dma_start3A_139 = tpu.memref_slice %arg4[%mul3A_134] : memref<320000xi32, #tpu.memory_space<hbm>> -> memref<128xi32, #tpu.memory_space<hbm>>
          tpu.enqueue_dma source(%dma_start3A_139 : memref<128xi32, #tpu.memory_space<hbm>>) target(%arg13 : memref<128xi32, #tpu.memory_space<vmem>>) target_semaphore(%run_scoped3A : memref<!tpu.dma_semaphore, #tpu.memory_space<semaphore_mem>>)
          %dma_wait3A = tpu.memref_slice %arg4[%mul3A_134] : memref<320000xi32, #tpu.memory_space<hbm>> -> memref<128xi32, #tpu.memory_space<hbm>>
          %dma_wait3A_140 = tpu.memref_slice %arg4[%mul3A_134] : memref<320000xi32, #tpu.memory_space<hbm>> -> memref<128xi32, #tpu.memory_space<hbm>>
          tpu.wait_dma2 semaphore(%run_scoped3A : memref<!tpu.dma_semaphore, #tpu.memory_space<semaphore_mem>>) src(%dma_wait3A_140 : memref<128xi32, #tpu.memory_space<hbm>>) dst(%arg13 : memref<128xi32, #tpu.memory_space<vmem>>)
          tpu.yield
        }) : () -> ()
        %dma_start3A_135 = arith.constant 0 : i32
        %dma_start3A_136 = arith.constant 0 : i32
        %dma_start3A_137 = tpu.memref_slice %arg2[%dma_start3A_135, %dma_start3A_136] : memref<10000x128xf32, #tpu.memory_space<hbm>> -> memref<10000x128xf32, #tpu.memory_space<hbm>>
        tpu.enqueue_indirect_dma source(%dma_start3A_137 : memref<10000x128xf32, #tpu.memory_space<hbm>>) target(%arg14 : memref<128x128xf32, #tpu.memory_space<vmem>>) offsets(%arg12 : memref<128xi32, #tpu.memory_space<vmem>>) semaphore(%arg16 : memref<!tpu.dma_semaphore, #tpu.memory_space<semaphore_mem>>)
      } else {
      }
      %jit3A_66 = arith.constant 2 : i32
      %eq3A_67 = arith.constant 0 : i32
      %eq3A_68 = arith.cmpi eq, %jit3A_66, %eq3A_67 : i32
      %jit3A_69 = arith.constant 1 : i32
      %select_n3A_70 = arith.select %eq3A_68, %jit3A_69, %jit3A_66 : i32
      %rem3A_71 = arith.remsi %add3A_48, %select_n3A_70 : i32
      %ne3A_72 = arith.constant 0 : i32
      %ne3A_73 = arith.cmpi ne, %rem3A_71, %ne3A_72 : i32
      %lt3A_74 = arith.constant 0 : i32
      %lt3A_75 = arith.cmpi slt, %rem3A_71, %lt3A_74 : i32
      %lt3A_76 = arith.constant 0 : i32
      %lt3A_77 = arith.cmpi slt, %select_n3A_70, %lt3A_76 : i32
      %ne3A_78 = arith.xori %lt3A_75, %lt3A_77 : i1
      %and3A_79 = arith.andi %ne3A_78, %ne3A_73 : i1
      %add3A_80 = arith.addi %rem3A_71, %select_n3A_70 : i32
      %select_n3A_81 = arith.select %and3A_79, %add3A_80, %rem3A_71 : i32
      %eq3A_82 = arith.constant 0 : i32
      %eq3A_83 = arith.cmpi eq, %select_n3A_81, %eq3A_82 : i32
      %and3A_84 = arith.andi %lt3A_49, %eq3A_83 : i1
      %convert_element_type3A_85 = arith.extui %and3A_84 : i1 to i32
      %cond3A_86 = arith.constant 0 : i32
      %cond3A_87 = arith.cmpi ne, %convert_element_type3A_85, %cond3A_86 : i32
      scf.if %cond3A_87 {
        %mul3A_130 = arith.constant 32 : i32
        %mul3A_131 = arith.muli %add3A_48, %mul3A_130 : i32
        %add3A_132 = arith.addi %mul3A_131, %add3A : i32
        %mul3A_133 = arith.constant 128 : i32
        %mul3A_134 = arith.muli %add3A_132, %mul3A_133 : i32
        "tpu.region"() ({
          %run_scoped3A = tpu.sem_alloc : memref<!tpu.dma_semaphore, #tpu.memory_space<semaphore_mem>>
          %dma_start3A_138 = tpu.memref_slice %arg3[%mul3A_134] : memref<320000xi32, #tpu.memory_space<hbm>> -> memref<128xi32, #tpu.memory_space<hbm>>
          %dma_start3A_139 = tpu.memref_slice %arg3[%mul3A_134] : memref<320000xi32, #tpu.memory_space<hbm>> -> memref<128xi32, #tpu.memory_space<hbm>>
          tpu.enqueue_dma source(%dma_start3A_139 : memref<128xi32, #tpu.memory_space<hbm>>) target(%arg8 : memref<128xi32, #tpu.memory_space<vmem>>) target_semaphore(%run_scoped3A : memref<!tpu.dma_semaphore, #tpu.memory_space<semaphore_mem>>)
          %dma_wait3A = tpu.memref_slice %arg3[%mul3A_134] : memref<320000xi32, #tpu.memory_space<hbm>> -> memref<128xi32, #tpu.memory_space<hbm>>
          %dma_wait3A_140 = tpu.memref_slice %arg3[%mul3A_134] : memref<320000xi32, #tpu.memory_space<hbm>> -> memref<128xi32, #tpu.memory_space<hbm>>
          tpu.wait_dma2 semaphore(%run_scoped3A : memref<!tpu.dma_semaphore, #tpu.memory_space<semaphore_mem>>) src(%dma_wait3A_140 : memref<128xi32, #tpu.memory_space<hbm>>) dst(%arg8 : memref<128xi32, #tpu.memory_space<vmem>>)
          tpu.yield
        }) : () -> ()
        "tpu.region"() ({
          %run_scoped3A = tpu.sem_alloc : memref<!tpu.dma_semaphore, #tpu.memory_space<semaphore_mem>>
          %dma_start3A_138 = tpu.memref_slice %arg4[%mul3A_134] : memref<320000xi32, #tpu.memory_space<hbm>> -> memref<128xi32, #tpu.memory_space<hbm>>
          %dma_start3A_139 = tpu.memref_slice %arg4[%mul3A_134] : memref<320000xi32, #tpu.memory_space<hbm>> -> memref<128xi32, #tpu.memory_space<hbm>>
          tpu.enqueue_dma source(%dma_start3A_139 : memref<128xi32, #tpu.memory_space<hbm>>) target(%arg9 : memref<128xi32, #tpu.memory_space<vmem>>) target_semaphore(%run_scoped3A : memref<!tpu.dma_semaphore, #tpu.memory_space<semaphore_mem>>)
          %dma_wait3A = tpu.memref_slice %arg4[%mul3A_134] : memref<320000xi32, #tpu.memory_space<hbm>> -> memref<128xi32, #tpu.memory_space<hbm>>
          %dma_wait3A_140 = tpu.memref_slice %arg4[%mul3A_134] : memref<320000xi32, #tpu.memory_space<hbm>> -> memref<128xi32, #tpu.memory_space<hbm>>
          tpu.wait_dma2 semaphore(%run_scoped3A : memref<!tpu.dma_semaphore, #tpu.memory_space<semaphore_mem>>) src(%dma_wait3A_140 : memref<128xi32, #tpu.memory_space<hbm>>) dst(%arg9 : memref<128xi32, #tpu.memory_space<vmem>>)
          tpu.yield
        }) : () -> ()
        %dma_start3A_135 = arith.constant 0 : i32
        %dma_start3A_136 = arith.constant 0 : i32
        %dma_start3A_137 = tpu.memref_slice %arg2[%dma_start3A_135, %dma_start3A_136] : memref<10000x128xf32, #tpu.memory_space<hbm>> -> memref<10000x128xf32, #tpu.memory_space<hbm>>
        tpu.enqueue_indirect_dma source(%dma_start3A_137 : memref<10000x128xf32, #tpu.memory_space<hbm>>) target(%arg10 : memref<128x128xf32, #tpu.memory_space<vmem>>) offsets(%arg8 : memref<128xi32, #tpu.memory_space<vmem>>) semaphore(%arg15 : memref<!tpu.dma_semaphore, #tpu.memory_space<semaphore_mem>>)
      } else {
      }
      %jit3A_88 = arith.constant 2 : i32
      %eq3A_89 = arith.constant 0 : i32
      %eq3A_90 = arith.cmpi eq, %jit3A_88, %eq3A_89 : i32
      %jit3A_91 = arith.constant 1 : i32
      %select_n3A_92 = arith.select %eq3A_90, %jit3A_91, %jit3A_88 : i32
      %rem3A_93 = arith.remsi %while3A_46, %select_n3A_92 : i32
      %ne3A_94 = arith.constant 0 : i32
      %ne3A_95 = arith.cmpi ne, %rem3A_93, %ne3A_94 : i32
      %lt3A_96 = arith.constant 0 : i32
      %lt3A_97 = arith.cmpi slt, %rem3A_93, %lt3A_96 : i32
      %lt3A_98 = arith.constant 0 : i32
      %lt3A_99 = arith.cmpi slt, %select_n3A_92, %lt3A_98 : i32
      %ne3A_100 = arith.xori %lt3A_97, %lt3A_99 : i1
      %and3A_101 = arith.andi %ne3A_100, %ne3A_95 : i1
      %add3A_102 = arith.addi %rem3A_93, %select_n3A_92 : i32
      %select_n3A_103 = arith.select %and3A_101, %add3A_102, %rem3A_93 : i32
      %eq3A_104 = arith.constant 0 : i32
      %eq3A_105 = arith.cmpi eq, %select_n3A_103, %eq3A_104 : i32
      %convert_element_type3A_106 = arith.extui %eq3A_105 : i1 to i32
      %cond3A_107 = arith.constant 0 : i32
      %cond3A_108 = arith.cmpi ne, %convert_element_type3A_106, %cond3A_107 : i32
      scf.if %cond3A_108 {
        %dma_wait3A = arith.constant 0 : i32
        %dma_wait3A_130 = arith.constant 0 : i32
        %dma_wait3A_131 = tpu.memref_slice %arg2[%dma_wait3A, %dma_wait3A_130] : memref<10000x128xf32, #tpu.memory_space<hbm>> -> memref<128x128xf32, #tpu.memory_space<hbm>>
        %dma_wait3A_132 = arith.constant 0 : i32
        %dma_wait3A_133 = arith.constant 0 : i32
        %dma_wait3A_134 = tpu.memref_slice %arg2[%dma_wait3A_132, %dma_wait3A_133] : memref<10000x128xf32, #tpu.memory_space<hbm>> -> memref<128x128xf32, #tpu.memory_space<hbm>>
        tpu.wait_dma2 semaphore(%arg15 : memref<!tpu.dma_semaphore, #tpu.memory_space<semaphore_mem>>) src(%dma_wait3A_134 : memref<128x128xf32, #tpu.memory_space<hbm>>) dst(%arg10 : memref<128x128xf32, #tpu.memory_space<vmem>>)
        "tpu.region"() ({
          %run_scoped3A = tpu.sem_alloc : memref<!tpu.dma_semaphore, #tpu.memory_space<semaphore_mem>>
          %dma_start3A_135 = arith.constant 0 : i32
          %dma_start3A_136 = arith.constant 0 : i32
          %dma_start3A_137 = tpu.memref_slice %arg7[%dma_start3A_135, %dma_start3A_136] : memref<10000x128xf32, #tpu.memory_space<vmem_shared>> -> memref<10000x128xf32, #tpu.memory_space<vmem_shared>>
          tpu.enqueue_indirect_dma source(%arg10 : memref<128x128xf32, #tpu.memory_space<vmem>>) target(%dma_start3A_137 : memref<10000x128xf32, #tpu.memory_space<vmem_shared>>) offsets(%arg9 : memref<128xi32, #tpu.memory_space<vmem>>) semaphore(%run_scoped3A : memref<!tpu.dma_semaphore, #tpu.memory_space<semaphore_mem>>) {add = true}
          %dma_wait3A_138 = arith.constant 0 : i32
          %dma_wait3A_139 = arith.constant 0 : i32
          %dma_wait3A_140 = tpu.memref_slice %arg7[%dma_wait3A_138, %dma_wait3A_139] : memref<10000x128xf32, #tpu.memory_space<vmem_shared>> -> memref<10000x128xf32, #tpu.memory_space<vmem_shared>>
          tpu.wait_indirect_dma semaphore(%run_scoped3A : memref<!tpu.dma_semaphore, #tpu.memory_space<semaphore_mem>>) src(%arg10 : memref<128x128xf32, #tpu.memory_space<vmem>>) dst(%dma_wait3A_140 : memref<10000x128xf32, #tpu.memory_space<vmem_shared>>)
          tpu.yield
        }) : () -> ()
      } else {
      }
      %jit3A_109 = arith.constant 2 : i32
      %eq3A_110 = arith.constant 0 : i32
      %eq3A_111 = arith.cmpi eq, %jit3A_109, %eq3A_110 : i32
      %jit3A_112 = arith.constant 1 : i32
      %select_n3A_113 = arith.select %eq3A_111, %jit3A_112, %jit3A_109 : i32
      %rem3A_114 = arith.remsi %while3A_46, %select_n3A_113 : i32
      %ne3A_115 = arith.constant 0 : i32
      %ne3A_116 = arith.cmpi ne, %rem3A_114, %ne3A_115 : i32
      %lt3A_117 = arith.constant 0 : i32
      %lt3A_118 = arith.cmpi slt, %rem3A_114, %lt3A_117 : i32
      %lt3A_119 = arith.constant 0 : i32
      %lt3A_120 = arith.cmpi slt, %select_n3A_113, %lt3A_119 : i32
      %ne3A_121 = arith.xori %lt3A_118, %lt3A_120 : i1
      %and3A_122 = arith.andi %ne3A_121, %ne3A_116 : i1
      %add3A_123 = arith.addi %rem3A_114, %select_n3A_113 : i32
      %select_n3A_124 = arith.select %and3A_122, %add3A_123, %rem3A_114 : i32
      %eq3A_125 = arith.constant 1 : i32
      %eq3A_126 = arith.cmpi eq, %select_n3A_124, %eq3A_125 : i32
      %convert_element_type3A_127 = arith.extui %eq3A_126 : i1 to i32
      %cond3A_128 = arith.constant 0 : i32
      %cond3A_129 = arith.cmpi ne, %convert_element_type3A_127, %cond3A_128 : i32
      scf.if %cond3A_129 {
        %dma_wait3A = arith.constant 0 : i32
        %dma_wait3A_130 = arith.constant 0 : i32
        %dma_wait3A_131 = tpu.memref_slice %arg2[%dma_wait3A, %dma_wait3A_130] : memref<10000x128xf32, #tpu.memory_space<hbm>> -> memref<128x128xf32, #tpu.memory_space<hbm>>
        %dma_wait3A_132 = arith.constant 0 : i32
        %dma_wait3A_133 = arith.constant 0 : i32
        %dma_wait3A_134 = tpu.memref_slice %arg2[%dma_wait3A_132, %dma_wait3A_133] : memref<10000x128xf32, #tpu.memory_space<hbm>> -> memref<128x128xf32, #tpu.memory_space<hbm>>
        tpu.wait_dma2 semaphore(%arg16 : memref<!tpu.dma_semaphore, #tpu.memory_space<semaphore_mem>>) src(%dma_wait3A_134 : memref<128x128xf32, #tpu.memory_space<hbm>>) dst(%arg14 : memref<128x128xf32, #tpu.memory_space<vmem>>)
        "tpu.region"() ({
          %run_scoped3A = tpu.sem_alloc : memref<!tpu.dma_semaphore, #tpu.memory_space<semaphore_mem>>
          %dma_start3A_135 = arith.constant 0 : i32
          %dma_start3A_136 = arith.constant 0 : i32
          %dma_start3A_137 = tpu.memref_slice %arg7[%dma_start3A_135, %dma_start3A_136] : memref<10000x128xf32, #tpu.memory_space<vmem_shared>> -> memref<10000x128xf32, #tpu.memory_space<vmem_shared>>
          tpu.enqueue_indirect_dma source(%arg14 : memref<128x128xf32, #tpu.memory_space<vmem>>) target(%dma_start3A_137 : memref<10000x128xf32, #tpu.memory_space<vmem_shared>>) offsets(%arg13 : memref<128xi32, #tpu.memory_space<vmem>>) semaphore(%run_scoped3A : memref<!tpu.dma_semaphore, #tpu.memory_space<semaphore_mem>>) {add = true}
          %dma_wait3A_138 = arith.constant 0 : i32
          %dma_wait3A_139 = arith.constant 0 : i32
          %dma_wait3A_140 = tpu.memref_slice %arg7[%dma_wait3A_138, %dma_wait3A_139] : memref<10000x128xf32, #tpu.memory_space<vmem_shared>> -> memref<10000x128xf32, #tpu.memory_space<vmem_shared>>
          tpu.wait_indirect_dma semaphore(%run_scoped3A : memref<!tpu.dma_semaphore, #tpu.memory_space<semaphore_mem>>) src(%arg14 : memref<128x128xf32, #tpu.memory_space<vmem>>) dst(%dma_wait3A_140 : memref<10000x128xf32, #tpu.memory_space<vmem_shared>>)
          tpu.yield
        }) : () -> ()
      } else {
      }
    }
    %barrier3A_35 = arith.constant 0 : index
    tpu.barrier barrier_id(%barrier3A_35)
    %while3A_36 = arith.constant 0 : i32
    %while3A_37 = arith.constant 0 : i32
    %while3A_38 = arith.subi %add3A_4, %while3A_37 : i32
    %while3A_39 = arith.addi %while3A_37, %while3A_38 : i32
    %while3A_40 = arith.constant 1 : i32
    %while3A_41 = arith.divsi %while3A_38, %while3A_40 : i32
    %while3A_42 = arith.muli %while3A_41, %while3A_40 : i32
    %while3A_43 = arith.addi %while3A_37, %while3A_42 : i32
    %while3A_44 = arith.constant 1 : i32
    scf.for %while3A_46 = %while3A_37 to %while3A_43 step %while3A_44  : i32 {
      %mul3A_47 = arith.constant 16 : i32
      %mul3A_48 = arith.muli %while3A_46, %mul3A_47 : i32
      %add3A_49 = arith.addi %mul3A_48, %arg1 : i32
      %mul3A_50 = arith.constant 80 : i32
      %mul3A_51 = arith.muli %add3A_49, %mul3A_50 : i32
      "tpu.region"() ({
        %run_scoped3A = tpu.sem_alloc : memref<!tpu.dma_semaphore, #tpu.memory_space<semaphore_mem>>
        %dma_start3A_55 = arith.constant 0 : i32
        %dma_start3A_56 = tpu.memref_slice %arg7[%mul3A_51, %dma_start3A_55] : memref<10000x128xf32, #tpu.memory_space<vmem_shared>> -> memref<80x128xf32, #tpu.memory_space<vmem_shared>>
        %dma_start3A_57 = arith.constant 0 : i32
        %dma_start3A_58 = tpu.memref_slice %arg7[%mul3A_51, %dma_start3A_57] : memref<10000x128xf32, #tpu.memory_space<vmem_shared>> -> memref<80x128xf32, #tpu.memory_space<vmem_shared>>
        tpu.enqueue_dma source(%dma_start3A_58 : memref<80x128xf32, #tpu.memory_space<vmem_shared>>) target(%arg11 : memref<80x128xf32, #tpu.memory_space<vmem>>) target_semaphore(%run_scoped3A : memref<!tpu.dma_semaphore, #tpu.memory_space<semaphore_mem>>)
        %dma_wait3A = arith.constant 0 : i32
        %dma_wait3A_59 = tpu.memref_slice %arg7[%mul3A_51, %dma_wait3A] : memref<10000x128xf32, #tpu.memory_space<vmem_shared>> -> memref<80x128xf32, #tpu.memory_space<vmem_shared>>
        %dma_wait3A_60 = arith.constant 0 : i32
        %dma_wait3A_61 = tpu.memref_slice %arg7[%mul3A_51, %dma_wait3A_60] : memref<10000x128xf32, #tpu.memory_space<vmem_shared>> -> memref<80x128xf32, #tpu.memory_space<vmem_shared>>
        tpu.wait_dma2 semaphore(%run_scoped3A : memref<!tpu.dma_semaphore, #tpu.memory_space<semaphore_mem>>) src(%dma_wait3A_61 : memref<80x128xf32, #tpu.memory_space<vmem_shared>>) dst(%arg11 : memref<80x128xf32, #tpu.memory_space<vmem>>)
        tpu.yield
      }) : () -> ()
      %mul3A_52 = arith.constant 10000 : i32
      %mul3A_53 = arith.muli %arg0, %mul3A_52 : i32
      %add3A_54 = arith.addi %mul3A_53, %mul3A_51 : i32
      "tpu.region"() ({
        %run_scoped3A = tpu.sem_alloc : memref<!tpu.dma_semaphore, #tpu.memory_space<semaphore_mem>>
        %dma_start3A_55 = arith.constant 0 : i32
        %dma_start3A_56 = tpu.memref_slice %arg6[%add3A_54, %dma_start3A_55] : memref<20000x128xf32, #tpu.memory_space<hbm>> -> memref<80x128xf32, #tpu.memory_space<hbm>>
        %dma_start3A_57 = arith.constant 0 : i32
        %dma_start3A_58 = tpu.memref_slice %arg6[%add3A_54, %dma_start3A_57] : memref<20000x128xf32, #tpu.memory_space<hbm>> -> memref<80x128xf32, #tpu.memory_space<hbm>>
        tpu.enqueue_dma source(%arg11 : memref<80x128xf32, #tpu.memory_space<vmem>>) target(%dma_start3A_58 : memref<80x128xf32, #tpu.memory_space<hbm>>) target_semaphore(%run_scoped3A : memref<!tpu.dma_semaphore, #tpu.memory_space<semaphore_mem>>)
        %dma_wait3A = arith.constant 0 : i32
        %dma_wait3A_59 = tpu.memref_slice %arg6[%add3A_54, %dma_wait3A] : memref<20000x128xf32, #tpu.memory_space<hbm>> -> memref<80x128xf32, #tpu.memory_space<hbm>>
        %dma_wait3A_60 = arith.constant 0 : i32
        %dma_wait3A_61 = tpu.memref_slice %arg6[%add3A_54, %dma_wait3A_60] : memref<20000x128xf32, #tpu.memory_space<hbm>> -> memref<80x128xf32, #tpu.memory_space<hbm>>
        tpu.wait_dma2 semaphore(%run_scoped3A : memref<!tpu.dma_semaphore, #tpu.memory_space<semaphore_mem>>) src(%arg11 : memref<80x128xf32, #tpu.memory_space<vmem>>) dst(%dma_wait3A_61 : memref<80x128xf32, #tpu.memory_space<hbm>>)
        tpu.yield
      }) : () -> ()
    }
    %while3A_45 = arith.constant 1 : i32
    scf.for %while3A_46 = %while3A_43 to %while3A_39 step %while3A_45  : i32 {
      %mul3A_47 = arith.constant 16 : i32
      %mul3A_48 = arith.muli %while3A_46, %mul3A_47 : i32
      %add3A_49 = arith.addi %mul3A_48, %arg1 : i32
      %mul3A_50 = arith.constant 80 : i32
      %mul3A_51 = arith.muli %add3A_49, %mul3A_50 : i32
      "tpu.region"() ({
        %run_scoped3A = tpu.sem_alloc : memref<!tpu.dma_semaphore, #tpu.memory_space<semaphore_mem>>
        %dma_start3A_55 = arith.constant 0 : i32
        %dma_start3A_56 = tpu.memref_slice %arg7[%mul3A_51, %dma_start3A_55] : memref<10000x128xf32, #tpu.memory_space<vmem_shared>> -> memref<80x128xf32, #tpu.memory_space<vmem_shared>>
        %dma_start3A_57 = arith.constant 0 : i32
        %dma_start3A_58 = tpu.memref_slice %arg7[%mul3A_51, %dma_start3A_57] : memref<10000x128xf32, #tpu.memory_space<vmem_shared>> -> memref<80x128xf32, #tpu.memory_space<vmem_shared>>
        tpu.enqueue_dma source(%dma_start3A_58 : memref<80x128xf32, #tpu.memory_space<vmem_shared>>) target(%arg11 : memref<80x128xf32, #tpu.memory_space<vmem>>) target_semaphore(%run_scoped3A : memref<!tpu.dma_semaphore, #tpu.memory_space<semaphore_mem>>)
        %dma_wait3A = arith.constant 0 : i32
        %dma_wait3A_59 = tpu.memref_slice %arg7[%mul3A_51, %dma_wait3A] : memref<10000x128xf32, #tpu.memory_space<vmem_shared>> -> memref<80x128xf32, #tpu.memory_space<vmem_shared>>
        %dma_wait3A_60 = arith.constant 0 : i32
        %dma_wait3A_61 = tpu.memref_slice %arg7[%mul3A_51, %dma_wait3A_60] : memref<10000x128xf32, #tpu.memory_space<vmem_shared>> -> memref<80x128xf32, #tpu.memory_space<vmem_shared>>
        tpu.wait_dma2 semaphore(%run_scoped3A : memref<!tpu.dma_semaphore, #tpu.memory_space<semaphore_mem>>) src(%dma_wait3A_61 : memref<80x128xf32, #tpu.memory_space<vmem_shared>>) dst(%arg11 : memref<80x128xf32, #tpu.memory_space<vmem>>)
        tpu.yield
      }) : () -> ()
      %mul3A_52 = arith.constant 10000 : i32
      %mul3A_53 = arith.muli %arg0, %mul3A_52 : i32
      %add3A_54 = arith.addi %mul3A_53, %mul3A_51 : i32
      "tpu.region"() ({
        %run_scoped3A = tpu.sem_alloc : memref<!tpu.dma_semaphore, #tpu.memory_space<semaphore_mem>>
        %dma_start3A_55 = arith.constant 0 : i32
        %dma_start3A_56 = tpu.memref_slice %arg6[%add3A_54, %dma_start3A_55] : memref<20000x128xf32, #tpu.memory_space<hbm>> -> memref<80x128xf32, #tpu.memory_space<hbm>>
        %dma_start3A_57 = arith.constant 0 : i32
        %dma_start3A_58 = tpu.memref_slice %arg6[%add3A_54, %dma_start3A_57] : memref<20000x128xf32, #tpu.memory_space<hbm>> -> memref<80x128xf32, #tpu.memory_space<hbm>>
        tpu.enqueue_dma source(%arg11 : memref<80x128xf32, #tpu.memory_space<vmem>>) target(%dma_start3A_58 : memref<80x128xf32, #tpu.memory_space<hbm>>) target_semaphore(%run_scoped3A : memref<!tpu.dma_semaphore, #tpu.memory_space<semaphore_mem>>)
        %dma_wait3A = arith.constant 0 : i32
        %dma_wait3A_59 = tpu.memref_slice %arg6[%add3A_54, %dma_wait3A] : memref<20000x128xf32, #tpu.memory_space<hbm>> -> memref<80x128xf32, #tpu.memory_space<hbm>>
        %dma_wait3A_60 = arith.constant 0 : i32
        %dma_wait3A_61 = tpu.memref_slice %arg6[%add3A_54, %dma_wait3A_60] : memref<20000x128xf32, #tpu.memory_space<hbm>> -> memref<80x128xf32, #tpu.memory_space<hbm>>
        tpu.wait_dma2 semaphore(%run_scoped3A : memref<!tpu.dma_semaphore, #tpu.memory_space<semaphore_mem>>) src(%arg11 : memref<80x128xf32, #tpu.memory_space<vmem>>) dst(%dma_wait3A_61 : memref<80x128xf32, #tpu.memory_space<hbm>>)
        tpu.yield
      }) : () -> ()
    }
    return
  }
}

#map = affine_map<(d0, d1) -> (0, 0)>
#map1 = affine_map<(d0, d1) -> (0)>
module attributes {stable_mosaic.version = 14 : i64} {
  func.func @agg_kernel(%arg0: i32, %arg1: i32, %arg2: memref<10000x128xf32, #tpu.memory_space<hbm>>, %arg3: memref<320000xi32, #tpu.memory_space<hbm>>, %arg4: memref<320000xi32, #tpu.memory_space<hbm>>, %arg5: memref<80x128xf32, #tpu.memory_space<hbm>>, %arg6: memref<20000x128xf32, #tpu.memory_space<hbm>>, %arg7: memref<10000x128xf32, #tpu.memory_space<vmem_shared>>, %arg8: memref<128xi32, #tpu.memory_space<vmem>>, %arg9: memref<128xi32, #tpu.memory_space<vmem>>, %arg10: memref<128x128xf32, #tpu.memory_space<vmem>>, %arg11: memref<80x128xf32, #tpu.memory_space<vmem>>, %arg12: memref<128xi32, #tpu.memory_space<vmem>>, %arg13: memref<128xi32, #tpu.memory_space<vmem>>, %arg14: memref<128x128xf32, #tpu.memory_space<vmem>>, %arg15: memref<!tpu.dma_semaphore, #tpu.memory_space<semaphore_mem>>, %arg16: memref<!tpu.dma_semaphore, #tpu.memory_space<semaphore_mem>>) attributes {dimension_semantics = [#tpu.dimension_semantics<core_parallel>, #tpu.dimension_semantics<subcore_parallel>], iteration_bounds = array<i64: 2, 16>, scalar_prefetch = 0 : i64, scratch_operands = 10 : i64, tpu.core_type = #tpu.core_type<sc_vector_subcore>, window_params = [{transform_indices = #map}, {transform_indices = #map1}, {transform_indices = #map1}, {transform_indices = #map}, {transform_indices = #map}]} {
    %mul3A = arith.constant 2 : i32
    %mul3A_0 = arith.muli %arg1, %mul3A : i32
    %add3A = arith.addi %mul3A_0, %arg0 : i32
    %lt3A = arith.constant 13 : i32
    %lt3A_1 = arith.cmpi slt, %arg1, %lt3A : i32
    %jit3A = arith.constant 1 : i32
    %jit3A_2 = arith.constant 0 : i32
    %select_n3A = arith.select %lt3A_1, %jit3A, %jit3A_2 : i32
    %add3A_3 = arith.constant 7 : i32
    %add3A_4 = arith.addi %add3A_3, %select_n3A : i32
    %lt3A_5 = arith.constant 4 : i32
    %lt3A_6 = arith.cmpi slt, %add3A, %lt3A_5 : i32
    %jit3A_7 = arith.constant 1 : i32
    %jit3A_8 = arith.constant 0 : i32
    %select_n3A_9 = arith.select %lt3A_6, %jit3A_7, %jit3A_8 : i32
    %add3A_10 = arith.constant 78 : i32
    %add3A_11 = arith.addi %add3A_10, %select_n3A_9 : i32
    %mul3A_12 = arith.constant 128 : i32
    %mul3A_13 = arith.muli %add3A, %mul3A_12 : i32
    "tpu.region"() ({
      %run_scoped3A = tpu.sem_alloc : memref<!tpu.dma_semaphore, #tpu.memory_space<semaphore_mem>>
      %dma_start3A_46 = tpu.memref_slice %arg3[%mul3A_13] : memref<320000xi32, #tpu.memory_space<hbm>> -> memref<128xi32, #tpu.memory_space<hbm>>
      %dma_start3A_47 = tpu.memref_slice %arg3[%mul3A_13] : memref<320000xi32, #tpu.memory_space<hbm>> -> memref<128xi32, #tpu.memory_space<hbm>>
      tpu.enqueue_dma source(%dma_start3A_47 : memref<128xi32, #tpu.memory_space<hbm>>) target(%arg8 : memref<128xi32, #tpu.memory_space<vmem>>) target_semaphore(%run_scoped3A : memref<!tpu.dma_semaphore, #tpu.memory_space<semaphore_mem>>)
      %dma_wait3A = tpu.memref_slice %arg3[%mul3A_13] : memref<320000xi32, #tpu.memory_space<hbm>> -> memref<128xi32, #tpu.memory_space<hbm>>
      %dma_wait3A_48 = tpu.memref_slice %arg3[%mul3A_13] : memref<320000xi32, #tpu.memory_space<hbm>> -> memref<128xi32, #tpu.memory_space<hbm>>
      tpu.wait_dma2 semaphore(%run_scoped3A : memref<!tpu.dma_semaphore, #tpu.memory_space<semaphore_mem>>) src(%dma_wait3A_48 : memref<128xi32, #tpu.memory_space<hbm>>) dst(%arg8 : memref<128xi32, #tpu.memory_space<vmem>>)
      tpu.yield
    }) : () -> ()
    "tpu.region"() ({
      %run_scoped3A = tpu.sem_alloc : memref<!tpu.dma_semaphore, #tpu.memory_space<semaphore_mem>>
      %dma_start3A_46 = tpu.memref_slice %arg4[%mul3A_13] : memref<320000xi32, #tpu.memory_space<hbm>> -> memref<128xi32, #tpu.memory_space<hbm>>
      %dma_start3A_47 = tpu.memref_slice %arg4[%mul3A_13] : memref<320000xi32, #tpu.memory_space<hbm>> -> memref<128xi32, #tpu.memory_space<hbm>>
      tpu.enqueue_dma source(%dma_start3A_47 : memref<128xi32, #tpu.memory_space<hbm>>) target(%arg9 : memref<128xi32, #tpu.memory_space<vmem>>) target_semaphore(%run_scoped3A : memref<!tpu.dma_semaphore, #tpu.memory_space<semaphore_mem>>)
      %dma_wait3A = tpu.memref_slice %arg4[%mul3A_13] : memref<320000xi32, #tpu.memory_space<hbm>> -> memref<128xi32, #tpu.memory_space<hbm>>
      %dma_wait3A_48 = tpu.memref_slice %arg4[%mul3A_13] : memref<320000xi32, #tpu.memory_space<hbm>> -> memref<128xi32, #tpu.memory_space<hbm>>
      tpu.wait_dma2 semaphore(%run_scoped3A : memref<!tpu.dma_semaphore, #tpu.memory_space<semaphore_mem>>) src(%dma_wait3A_48 : memref<128xi32, #tpu.memory_space<hbm>>) dst(%arg9 : memref<128xi32, #tpu.memory_space<vmem>>)
      tpu.yield
    }) : () -> ()
    %dma_start3A = arith.constant 0 : i32
    %dma_start3A_14 = arith.constant 0 : i32
    %dma_start3A_15 = tpu.memref_slice %arg2[%dma_start3A, %dma_start3A_14] : memref<10000x128xf32, #tpu.memory_space<hbm>> -> memref<10000x128xf32, #tpu.memory_space<hbm>>
    tpu.enqueue_indirect_dma source(%dma_start3A_15 : memref<10000x128xf32, #tpu.memory_space<hbm>>) target(%arg10 : memref<128x128xf32, #tpu.memory_space<vmem>>) offsets(%arg8 : memref<128xi32, #tpu.memory_space<vmem>>) semaphore(%arg15 : memref<!tpu.dma_semaphore, #tpu.memory_space<semaphore_mem>>)
    "tpu.region"() ({
      %run_scoped3A = tpu.sem_alloc : memref<!tpu.dma_semaphore, #tpu.memory_space<semaphore_mem>>
      tpu.enqueue_dma source(%arg5 : memref<80x128xf32, #tpu.memory_space<hbm>>) target(%arg11 : memref<80x128xf32, #tpu.memory_space<vmem>>) target_semaphore(%run_scoped3A : memref<!tpu.dma_semaphore, #tpu.memory_space<semaphore_mem>>)
      tpu.wait_dma2 semaphore(%run_scoped3A : memref<!tpu.dma_semaphore, #tpu.memory_space<semaphore_mem>>) src(%arg5 : memref<80x128xf32, #tpu.memory_space<hbm>>) dst(%arg11 : memref<80x128xf32, #tpu.memory_space<vmem>>)
      tpu.yield
    }) : () -> ()
    %while3A = arith.constant 0 : i32
    %while3A_16 = arith.constant 0 : i32
    %while3A_17 = arith.subi %add3A_4, %while3A_16 : i32
    %while3A_18 = arith.addi %while3A_16, %while3A_17 : i32
    %while3A_19 = arith.constant 1 : i32
    %while3A_20 = arith.divsi %while3A_17, %while3A_19 : i32
    %while3A_21 = arith.muli %while3A_20, %while3A_19 : i32
    %while3A_22 = arith.addi %while3A_16, %while3A_21 : i32
    %while3A_23 = arith.constant 1 : i32
    scf.for %while3A_46 = %while3A_16 to %while3A_22 step %while3A_23  : i32 {
      %mul3A_47 = arith.constant 16 : i32
      %mul3A_48 = arith.muli %while3A_46, %mul3A_47 : i32
      %add3A_49 = arith.addi %mul3A_48, %arg1 : i32
      %mul3A_50 = arith.constant 80 : i32
      %mul3A_51 = arith.muli %add3A_49, %mul3A_50 : i32
      "tpu.region"() ({
        %run_scoped3A = tpu.sem_alloc : memref<!tpu.dma_semaphore, #tpu.memory_space<semaphore_mem>>
        %dma_start3A_52 = arith.constant 0 : i32
        %dma_start3A_53 = tpu.memref_slice %arg7[%mul3A_51, %dma_start3A_52] : memref<10000x128xf32, #tpu.memory_space<vmem_shared>> -> memref<80x128xf32, #tpu.memory_space<vmem_shared>>
        %dma_start3A_54 = arith.constant 0 : i32
        %dma_start3A_55 = tpu.memref_slice %arg7[%mul3A_51, %dma_start3A_54] : memref<10000x128xf32, #tpu.memory_space<vmem_shared>> -> memref<80x128xf32, #tpu.memory_space<vmem_shared>>
        tpu.enqueue_dma source(%arg11 : memref<80x128xf32, #tpu.memory_space<vmem>>) target(%dma_start3A_55 : memref<80x128xf32, #tpu.memory_space<vmem_shared>>) target_semaphore(%run_scoped3A : memref<!tpu.dma_semaphore, #tpu.memory_space<semaphore_mem>>)
        %dma_wait3A = arith.constant 0 : i32
        %dma_wait3A_56 = tpu.memref_slice %arg7[%mul3A_51, %dma_wait3A] : memref<10000x128xf32, #tpu.memory_space<vmem_shared>> -> memref<80x128xf32, #tpu.memory_space<vmem_shared>>
        %dma_wait3A_57 = arith.constant 0 : i32
        %dma_wait3A_58 = tpu.memref_slice %arg7[%mul3A_51, %dma_wait3A_57] : memref<10000x128xf32, #tpu.memory_space<vmem_shared>> -> memref<80x128xf32, #tpu.memory_space<vmem_shared>>
        tpu.wait_dma2 semaphore(%run_scoped3A : memref<!tpu.dma_semaphore, #tpu.memory_space<semaphore_mem>>) src(%arg11 : memref<80x128xf32, #tpu.memory_space<vmem>>) dst(%dma_wait3A_58 : memref<80x128xf32, #tpu.memory_space<vmem_shared>>)
        tpu.yield
      }) : () -> ()
    }
    %while3A_24 = arith.constant 1 : i32
    scf.for %while3A_46 = %while3A_22 to %while3A_18 step %while3A_24  : i32 {
      %mul3A_47 = arith.constant 16 : i32
      %mul3A_48 = arith.muli %while3A_46, %mul3A_47 : i32
      %add3A_49 = arith.addi %mul3A_48, %arg1 : i32
      %mul3A_50 = arith.constant 80 : i32
      %mul3A_51 = arith.muli %add3A_49, %mul3A_50 : i32
      "tpu.region"() ({
        %run_scoped3A = tpu.sem_alloc : memref<!tpu.dma_semaphore, #tpu.memory_space<semaphore_mem>>
        %dma_start3A_52 = arith.constant 0 : i32
        %dma_start3A_53 = tpu.memref_slice %arg7[%mul3A_51, %dma_start3A_52] : memref<10000x128xf32, #tpu.memory_space<vmem_shared>> -> memref<80x128xf32, #tpu.memory_space<vmem_shared>>
        %dma_start3A_54 = arith.constant 0 : i32
        %dma_start3A_55 = tpu.memref_slice %arg7[%mul3A_51, %dma_start3A_54] : memref<10000x128xf32, #tpu.memory_space<vmem_shared>> -> memref<80x128xf32, #tpu.memory_space<vmem_shared>>
        tpu.enqueue_dma source(%arg11 : memref<80x128xf32, #tpu.memory_space<vmem>>) target(%dma_start3A_55 : memref<80x128xf32, #tpu.memory_space<vmem_shared>>) target_semaphore(%run_scoped3A : memref<!tpu.dma_semaphore, #tpu.memory_space<semaphore_mem>>)
        %dma_wait3A = arith.constant 0 : i32
        %dma_wait3A_56 = tpu.memref_slice %arg7[%mul3A_51, %dma_wait3A] : memref<10000x128xf32, #tpu.memory_space<vmem_shared>> -> memref<80x128xf32, #tpu.memory_space<vmem_shared>>
        %dma_wait3A_57 = arith.constant 0 : i32
        %dma_wait3A_58 = tpu.memref_slice %arg7[%mul3A_51, %dma_wait3A_57] : memref<10000x128xf32, #tpu.memory_space<vmem_shared>> -> memref<80x128xf32, #tpu.memory_space<vmem_shared>>
        tpu.wait_dma2 semaphore(%run_scoped3A : memref<!tpu.dma_semaphore, #tpu.memory_space<semaphore_mem>>) src(%arg11 : memref<80x128xf32, #tpu.memory_space<vmem>>) dst(%dma_wait3A_58 : memref<80x128xf32, #tpu.memory_space<vmem_shared>>)
        tpu.yield
      }) : () -> ()
    }
    %barrier3A = arith.constant 0 : index
    tpu.barrier barrier_id(%barrier3A)
    %while3A_25 = arith.constant 0 : i32
    %while3A_26 = arith.constant 0 : i32
    %while3A_27 = arith.subi %add3A_11, %while3A_26 : i32
    %while3A_28 = arith.addi %while3A_26, %while3A_27 : i32
    %while3A_29 = arith.constant 1 : i32
    %while3A_30 = arith.divsi %while3A_27, %while3A_29 : i32
    %while3A_31 = arith.muli %while3A_30, %while3A_29 : i32
    %while3A_32 = arith.addi %while3A_26, %while3A_31 : i32
    %while3A_33 = arith.constant 1 : i32
    scf.for %while3A_46 = %while3A_26 to %while3A_32 step %while3A_33  : i32 {
      %add3A_47 = arith.constant 1 : i32
      %add3A_48 = arith.addi %while3A_46, %add3A_47 : i32
      %lt3A_49 = arith.cmpi slt, %add3A_48, %add3A_11 : i32
      %jit3A_50 = arith.constant 2 : i32
      %eq3A = arith.constant 0 : i32
      %eq3A_51 = arith.cmpi eq, %jit3A_50, %eq3A : i32
      %jit3A_52 = arith.constant 1 : i32
      %select_n3A_53 = arith.select %eq3A_51, %jit3A_52, %jit3A_50 : i32
      %rem3A = arith.remsi %add3A_48, %select_n3A_53 : i32
      %ne3A = arith.constant 0 : i32
      %ne3A_54 = arith.cmpi ne, %rem3A, %ne3A : i32
      %lt3A_55 = arith.constant 0 : i32
      %lt3A_56 = arith.cmpi slt, %rem3A, %lt3A_55 : i32
      %lt3A_57 = arith.constant 0 : i32
      %lt3A_58 = arith.cmpi slt, %select_n3A_53, %lt3A_57 : i32
      %ne3A_59 = arith.xori %lt3A_56, %lt3A_58 : i1
      %and3A = arith.andi %ne3A_59, %ne3A_54 : i1
      %add3A_60 = arith.addi %rem3A, %select_n3A_53 : i32
      %select_n3A_61 = arith.select %and3A, %add3A_60, %rem3A : i32
      %eq3A_62 = arith.constant 1 : i32
      %eq3A_63 = arith.cmpi eq, %select_n3A_61, %eq3A_62 : i32
      %and3A_64 = arith.andi %lt3A_49, %eq3A_63 : i1
      %convert_element_type3A = arith.extui %and3A_64 : i1 to i32
      %cond3A = arith.constant 0 : i32
      %cond3A_65 = arith.cmpi ne, %convert_element_type3A, %cond3A : i32
      scf.if %cond3A_65 {
        %mul3A_130 = arith.constant 32 : i32
        %mul3A_131 = arith.muli %add3A_48, %mul3A_130 : i32
        %add3A_132 = arith.addi %mul3A_131, %add3A : i32
        %mul3A_133 = arith.constant 128 : i32
        %mul3A_134 = arith.muli %add3A_132, %mul3A_133 : i32
        "tpu.region"() ({
          %run_scoped3A = tpu.sem_alloc : memref<!tpu.dma_semaphore, #tpu.memory_space<semaphore_mem>>
          %dma_start3A_138 = tpu.memref_slice %arg3[%mul3A_134] : memref<320000xi32, #tpu.memory_space<hbm>> -> memref<128xi32, #tpu.memory_space<hbm>>
          %dma_start3A_139 = tpu.memref_slice %arg3[%mul3A_134] : memref<320000xi32, #tpu.memory_space<hbm>> -> memref<128xi32, #tpu.memory_space<hbm>>
          tpu.enqueue_dma source(%dma_start3A_139 : memref<128xi32, #tpu.memory_space<hbm>>) target(%arg12 : memref<128xi32, #tpu.memory_space<vmem>>) target_semaphore(%run_scoped3A : memref<!tpu.dma_semaphore, #tpu.memory_space<semaphore_mem>>)
          %dma_wait3A = tpu.memref_slice %arg3[%mul3A_134] : memref<320000xi32, #tpu.memory_space<hbm>> -> memref<128xi32, #tpu.memory_space<hbm>>
          %dma_wait3A_140 = tpu.memref_slice %arg3[%mul3A_134] : memref<320000xi32, #tpu.memory_space<hbm>> -> memref<128xi32, #tpu.memory_space<hbm>>
          tpu.wait_dma2 semaphore(%run_scoped3A : memref<!tpu.dma_semaphore, #tpu.memory_space<semaphore_mem>>) src(%dma_wait3A_140 : memref<128xi32, #tpu.memory_space<hbm>>) dst(%arg12 : memref<128xi32, #tpu.memory_space<vmem>>)
          tpu.yield
        }) : () -> ()
        "tpu.region"() ({
          %run_scoped3A = tpu.sem_alloc : memref<!tpu.dma_semaphore, #tpu.memory_space<semaphore_mem>>
          %dma_start3A_138 = tpu.memref_slice %arg4[%mul3A_134] : memref<320000xi32, #tpu.memory_space<hbm>> -> memref<128xi32, #tpu.memory_space<hbm>>
          %dma_start3A_139 = tpu.memref_slice %arg4[%mul3A_134] : memref<320000xi32, #tpu.memory_space<hbm>> -> memref<128xi32, #tpu.memory_space<hbm>>
          tpu.enqueue_dma source(%dma_start3A_139 : memref<128xi32, #tpu.memory_space<hbm>>) target(%arg13 : memref<128xi32, #tpu.memory_space<vmem>>) target_semaphore(%run_scoped3A : memref<!tpu.dma_semaphore, #tpu.memory_space<semaphore_mem>>)
          %dma_wait3A = tpu.memref_slice %arg4[%mul3A_134] : memref<320000xi32, #tpu.memory_space<hbm>> -> memref<128xi32, #tpu.memory_space<hbm>>
          %dma_wait3A_140 = tpu.memref_slice %arg4[%mul3A_134] : memref<320000xi32, #tpu.memory_space<hbm>> -> memref<128xi32, #tpu.memory_space<hbm>>
          tpu.wait_dma2 semaphore(%run_scoped3A : memref<!tpu.dma_semaphore, #tpu.memory_space<semaphore_mem>>) src(%dma_wait3A_140 : memref<128xi32, #tpu.memory_space<hbm>>) dst(%arg13 : memref<128xi32, #tpu.memory_space<vmem>>)
          tpu.yield
        }) : () -> ()
        %dma_start3A_135 = arith.constant 0 : i32
        %dma_start3A_136 = arith.constant 0 : i32
        %dma_start3A_137 = tpu.memref_slice %arg2[%dma_start3A_135, %dma_start3A_136] : memref<10000x128xf32, #tpu.memory_space<hbm>> -> memref<10000x128xf32, #tpu.memory_space<hbm>>
        tpu.enqueue_indirect_dma source(%dma_start3A_137 : memref<10000x128xf32, #tpu.memory_space<hbm>>) target(%arg14 : memref<128x128xf32, #tpu.memory_space<vmem>>) offsets(%arg12 : memref<128xi32, #tpu.memory_space<vmem>>) semaphore(%arg16 : memref<!tpu.dma_semaphore, #tpu.memory_space<semaphore_mem>>)
      } else {
      }
      %jit3A_66 = arith.constant 2 : i32
      %eq3A_67 = arith.constant 0 : i32
      %eq3A_68 = arith.cmpi eq, %jit3A_66, %eq3A_67 : i32
      %jit3A_69 = arith.constant 1 : i32
      %select_n3A_70 = arith.select %eq3A_68, %jit3A_69, %jit3A_66 : i32
      %rem3A_71 = arith.remsi %add3A_48, %select_n3A_70 : i32
      %ne3A_72 = arith.constant 0 : i32
      %ne3A_73 = arith.cmpi ne, %rem3A_71, %ne3A_72 : i32
      %lt3A_74 = arith.constant 0 : i32
      %lt3A_75 = arith.cmpi slt, %rem3A_71, %lt3A_74 : i32
      %lt3A_76 = arith.constant 0 : i32
      %lt3A_77 = arith.cmpi slt, %select_n3A_70, %lt3A_76 : i32
      %ne3A_78 = arith.xori %lt3A_75, %lt3A_77 : i1
      %and3A_79 = arith.andi %ne3A_78, %ne3A_73 : i1
      %add3A_80 = arith.addi %rem3A_71, %select_n3A_70 : i32
      %select_n3A_81 = arith.select %and3A_79, %add3A_80, %rem3A_71 : i32
      %eq3A_82 = arith.constant 0 : i32
      %eq3A_83 = arith.cmpi eq, %select_n3A_81, %eq3A_82 : i32
      %and3A_84 = arith.andi %lt3A_49, %eq3A_83 : i1
      %convert_element_type3A_85 = arith.extui %and3A_84 : i1 to i32
      %cond3A_86 = arith.constant 0 : i32
      %cond3A_87 = arith.cmpi ne, %convert_element_type3A_85, %cond3A_86 : i32
      scf.if %cond3A_87 {
        %mul3A_130 = arith.constant 32 : i32
        %mul3A_131 = arith.muli %add3A_48, %mul3A_130 : i32
        %add3A_132 = arith.addi %mul3A_131, %add3A : i32
        %mul3A_133 = arith.constant 128 : i32
        %mul3A_134 = arith.muli %add3A_132, %mul3A_133 : i32
        "tpu.region"() ({
          %run_scoped3A = tpu.sem_alloc : memref<!tpu.dma_semaphore, #tpu.memory_space<semaphore_mem>>
          %dma_start3A_138 = tpu.memref_slice %arg3[%mul3A_134] : memref<320000xi32, #tpu.memory_space<hbm>> -> memref<128xi32, #tpu.memory_space<hbm>>
          %dma_start3A_139 = tpu.memref_slice %arg3[%mul3A_134] : memref<320000xi32, #tpu.memory_space<hbm>> -> memref<128xi32, #tpu.memory_space<hbm>>
          tpu.enqueue_dma source(%dma_start3A_139 : memref<128xi32, #tpu.memory_space<hbm>>) target(%arg8 : memref<128xi32, #tpu.memory_space<vmem>>) target_semaphore(%run_scoped3A : memref<!tpu.dma_semaphore, #tpu.memory_space<semaphore_mem>>)
          %dma_wait3A = tpu.memref_slice %arg3[%mul3A_134] : memref<320000xi32, #tpu.memory_space<hbm>> -> memref<128xi32, #tpu.memory_space<hbm>>
          %dma_wait3A_140 = tpu.memref_slice %arg3[%mul3A_134] : memref<320000xi32, #tpu.memory_space<hbm>> -> memref<128xi32, #tpu.memory_space<hbm>>
          tpu.wait_dma2 semaphore(%run_scoped3A : memref<!tpu.dma_semaphore, #tpu.memory_space<semaphore_mem>>) src(%dma_wait3A_140 : memref<128xi32, #tpu.memory_space<hbm>>) dst(%arg8 : memref<128xi32, #tpu.memory_space<vmem>>)
          tpu.yield
        }) : () -> ()
        "tpu.region"() ({
          %run_scoped3A = tpu.sem_alloc : memref<!tpu.dma_semaphore, #tpu.memory_space<semaphore_mem>>
          %dma_start3A_138 = tpu.memref_slice %arg4[%mul3A_134] : memref<320000xi32, #tpu.memory_space<hbm>> -> memref<128xi32, #tpu.memory_space<hbm>>
          %dma_start3A_139 = tpu.memref_slice %arg4[%mul3A_134] : memref<320000xi32, #tpu.memory_space<hbm>> -> memref<128xi32, #tpu.memory_space<hbm>>
          tpu.enqueue_dma source(%dma_start3A_139 : memref<128xi32, #tpu.memory_space<hbm>>) target(%arg9 : memref<128xi32, #tpu.memory_space<vmem>>) target_semaphore(%run_scoped3A : memref<!tpu.dma_semaphore, #tpu.memory_space<semaphore_mem>>)
          %dma_wait3A = tpu.memref_slice %arg4[%mul3A_134] : memref<320000xi32, #tpu.memory_space<hbm>> -> memref<128xi32, #tpu.memory_space<hbm>>
          %dma_wait3A_140 = tpu.memref_slice %arg4[%mul3A_134] : memref<320000xi32, #tpu.memory_space<hbm>> -> memref<128xi32, #tpu.memory_space<hbm>>
          tpu.wait_dma2 semaphore(%run_scoped3A : memref<!tpu.dma_semaphore, #tpu.memory_space<semaphore_mem>>) src(%dma_wait3A_140 : memref<128xi32, #tpu.memory_space<hbm>>) dst(%arg9 : memref<128xi32, #tpu.memory_space<vmem>>)
          tpu.yield
        }) : () -> ()
        %dma_start3A_135 = arith.constant 0 : i32
        %dma_start3A_136 = arith.constant 0 : i32
        %dma_start3A_137 = tpu.memref_slice %arg2[%dma_start3A_135, %dma_start3A_136] : memref<10000x128xf32, #tpu.memory_space<hbm>> -> memref<10000x128xf32, #tpu.memory_space<hbm>>
        tpu.enqueue_indirect_dma source(%dma_start3A_137 : memref<10000x128xf32, #tpu.memory_space<hbm>>) target(%arg10 : memref<128x128xf32, #tpu.memory_space<vmem>>) offsets(%arg8 : memref<128xi32, #tpu.memory_space<vmem>>) semaphore(%arg15 : memref<!tpu.dma_semaphore, #tpu.memory_space<semaphore_mem>>)
      } else {
      }
      %jit3A_88 = arith.constant 2 : i32
      %eq3A_89 = arith.constant 0 : i32
      %eq3A_90 = arith.cmpi eq, %jit3A_88, %eq3A_89 : i32
      %jit3A_91 = arith.constant 1 : i32
      %select_n3A_92 = arith.select %eq3A_90, %jit3A_91, %jit3A_88 : i32
      %rem3A_93 = arith.remsi %while3A_46, %select_n3A_92 : i32
      %ne3A_94 = arith.constant 0 : i32
      %ne3A_95 = arith.cmpi ne, %rem3A_93, %ne3A_94 : i32
      %lt3A_96 = arith.constant 0 : i32
      %lt3A_97 = arith.cmpi slt, %rem3A_93, %lt3A_96 : i32
      %lt3A_98 = arith.constant 0 : i32
      %lt3A_99 = arith.cmpi slt, %select_n3A_92, %lt3A_98 : i32
      %ne3A_100 = arith.xori %lt3A_97, %lt3A_99 : i1
      %and3A_101 = arith.andi %ne3A_100, %ne3A_95 : i1
      %add3A_102 = arith.addi %rem3A_93, %select_n3A_92 : i32
      %select_n3A_103 = arith.select %and3A_101, %add3A_102, %rem3A_93 : i32
      %eq3A_104 = arith.constant 0 : i32
      %eq3A_105 = arith.cmpi eq, %select_n3A_103, %eq3A_104 : i32
      %convert_element_type3A_106 = arith.extui %eq3A_105 : i1 to i32
      %cond3A_107 = arith.constant 0 : i32
      %cond3A_108 = arith.cmpi ne, %convert_element_type3A_106, %cond3A_107 : i32
      scf.if %cond3A_108 {
        %dma_wait3A = arith.constant 0 : i32
        %dma_wait3A_130 = arith.constant 0 : i32
        %dma_wait3A_131 = tpu.memref_slice %arg2[%dma_wait3A, %dma_wait3A_130] : memref<10000x128xf32, #tpu.memory_space<hbm>> -> memref<128x128xf32, #tpu.memory_space<hbm>>
        %dma_wait3A_132 = arith.constant 0 : i32
        %dma_wait3A_133 = arith.constant 0 : i32
        %dma_wait3A_134 = tpu.memref_slice %arg2[%dma_wait3A_132, %dma_wait3A_133] : memref<10000x128xf32, #tpu.memory_space<hbm>> -> memref<128x128xf32, #tpu.memory_space<hbm>>
        tpu.wait_dma2 semaphore(%arg15 : memref<!tpu.dma_semaphore, #tpu.memory_space<semaphore_mem>>) src(%dma_wait3A_134 : memref<128x128xf32, #tpu.memory_space<hbm>>) dst(%arg10 : memref<128x128xf32, #tpu.memory_space<vmem>>)
        "tpu.region"() ({
          %run_scoped3A = tpu.sem_alloc : memref<!tpu.dma_semaphore, #tpu.memory_space<semaphore_mem>>
          %dma_start3A_135 = arith.constant 0 : i32
          %dma_start3A_136 = arith.constant 0 : i32
          %dma_start3A_137 = tpu.memref_slice %arg7[%dma_start3A_135, %dma_start3A_136] : memref<10000x128xf32, #tpu.memory_space<vmem_shared>> -> memref<10000x128xf32, #tpu.memory_space<vmem_shared>>
          tpu.enqueue_indirect_dma source(%arg10 : memref<128x128xf32, #tpu.memory_space<vmem>>) target(%dma_start3A_137 : memref<10000x128xf32, #tpu.memory_space<vmem_shared>>) offsets(%arg9 : memref<128xi32, #tpu.memory_space<vmem>>) semaphore(%run_scoped3A : memref<!tpu.dma_semaphore, #tpu.memory_space<semaphore_mem>>) {add = true}
          %dma_wait3A_138 = arith.constant 0 : i32
          %dma_wait3A_139 = arith.constant 0 : i32
          %dma_wait3A_140 = tpu.memref_slice %arg7[%dma_wait3A_138, %dma_wait3A_139] : memref<10000x128xf32, #tpu.memory_space<vmem_shared>> -> memref<10000x128xf32, #tpu.memory_space<vmem_shared>>
          tpu.wait_indirect_dma semaphore(%run_scoped3A : memref<!tpu.dma_semaphore, #tpu.memory_space<semaphore_mem>>) src(%arg10 : memref<128x128xf32, #tpu.memory_space<vmem>>) dst(%dma_wait3A_140 : memref<10000x128xf32, #tpu.memory_space<vmem_shared>>)
          tpu.yield
        }) : () -> ()
      } else {
      }
      %jit3A_109 = arith.constant 2 : i32
      %eq3A_110 = arith.constant 0 : i32
      %eq3A_111 = arith.cmpi eq, %jit3A_109, %eq3A_110 : i32
      %jit3A_112 = arith.constant 1 : i32
      %select_n3A_113 = arith.select %eq3A_111, %jit3A_112, %jit3A_109 : i32
      %rem3A_114 = arith.remsi %while3A_46, %select_n3A_113 : i32
      %ne3A_115 = arith.constant 0 : i32
      %ne3A_116 = arith.cmpi ne, %rem3A_114, %ne3A_115 : i32
      %lt3A_117 = arith.constant 0 : i32
      %lt3A_118 = arith.cmpi slt, %rem3A_114, %lt3A_117 : i32
      %lt3A_119 = arith.constant 0 : i32
      %lt3A_120 = arith.cmpi slt, %select_n3A_113, %lt3A_119 : i32
      %ne3A_121 = arith.xori %lt3A_118, %lt3A_120 : i1
      %and3A_122 = arith.andi %ne3A_121, %ne3A_116 : i1
      %add3A_123 = arith.addi %rem3A_114, %select_n3A_113 : i32
      %select_n3A_124 = arith.select %and3A_122, %add3A_123, %rem3A_114 : i32
      %eq3A_125 = arith.constant 1 : i32
      %eq3A_126 = arith.cmpi eq, %select_n3A_124, %eq3A_125 : i32
      %convert_element_type3A_127 = arith.extui %eq3A_126 : i1 to i32
      %cond3A_128 = arith.constant 0 : i32
      %cond3A_129 = arith.cmpi ne, %convert_element_type3A_127, %cond3A_128 : i32
      scf.if %cond3A_129 {
        %dma_wait3A = arith.constant 0 : i32
        %dma_wait3A_130 = arith.constant 0 : i32
        %dma_wait3A_131 = tpu.memref_slice %arg2[%dma_wait3A, %dma_wait3A_130] : memref<10000x128xf32, #tpu.memory_space<hbm>> -> memref<128x128xf32, #tpu.memory_space<hbm>>
        %dma_wait3A_132 = arith.constant 0 : i32
        %dma_wait3A_133 = arith.constant 0 : i32
        %dma_wait3A_134 = tpu.memref_slice %arg2[%dma_wait3A_132, %dma_wait3A_133] : memref<10000x128xf32, #tpu.memory_space<hbm>> -> memref<128x128xf32, #tpu.memory_space<hbm>>
        tpu.wait_dma2 semaphore(%arg16 : memref<!tpu.dma_semaphore, #tpu.memory_space<semaphore_mem>>) src(%dma_wait3A_134 : memref<128x128xf32, #tpu.memory_space<hbm>>) dst(%arg14 : memref<128x128xf32, #tpu.memory_space<vmem>>)
        "tpu.region"() ({
          %run_scoped3A = tpu.sem_alloc : memref<!tpu.dma_semaphore, #tpu.memory_space<semaphore_mem>>
          %dma_start3A_135 = arith.constant 0 : i32
          %dma_start3A_136 = arith.constant 0 : i32
          %dma_start3A_137 = tpu.memref_slice %arg7[%dma_start3A_135, %dma_start3A_136] : memref<10000x128xf32, #tpu.memory_space<vmem_shared>> -> memref<10000x128xf32, #tpu.memory_space<vmem_shared>>
          tpu.enqueue_indirect_dma source(%arg14 : memref<128x128xf32, #tpu.memory_space<vmem>>) target(%dma_start3A_137 : memref<10000x128xf32, #tpu.memory_space<vmem_shared>>) offsets(%arg13 : memref<128xi32, #tpu.memory_space<vmem>>) semaphore(%run_scoped3A : memref<!tpu.dma_semaphore, #tpu.memory_space<semaphore_mem>>) {add = true}
          %dma_wait3A_138 = arith.constant 0 : i32
          %dma_wait3A_139 = arith.constant 0 : i32
          %dma_wait3A_140 = tpu.memref_slice %arg7[%dma_wait3A_138, %dma_wait3A_139] : memref<10000x128xf32, #tpu.memory_space<vmem_shared>> -> memref<10000x128xf32, #tpu.memory_space<vmem_shared>>
          tpu.wait_indirect_dma semaphore(%run_scoped3A : memref<!tpu.dma_semaphore, #tpu.memory_space<semaphore_mem>>) src(%arg14 : memref<128x128xf32, #tpu.memory_space<vmem>>) dst(%dma_wait3A_140 : memref<10000x128xf32, #tpu.memory_space<vmem_shared>>)
          tpu.yield
        }) : () -> ()
      } else {
      }
    }
    %while3A_34 = arith.constant 1 : i32
    scf.for %while3A_46 = %while3A_32 to %while3A_28 step %while3A_34  : i32 {
      %add3A_47 = arith.constant 1 : i32
      %add3A_48 = arith.addi %while3A_46, %add3A_47 : i32
      %lt3A_49 = arith.cmpi slt, %add3A_48, %add3A_11 : i32
      %jit3A_50 = arith.constant 2 : i32
      %eq3A = arith.constant 0 : i32
      %eq3A_51 = arith.cmpi eq, %jit3A_50, %eq3A : i32
      %jit3A_52 = arith.constant 1 : i32
      %select_n3A_53 = arith.select %eq3A_51, %jit3A_52, %jit3A_50 : i32
      %rem3A = arith.remsi %add3A_48, %select_n3A_53 : i32
      %ne3A = arith.constant 0 : i32
      %ne3A_54 = arith.cmpi ne, %rem3A, %ne3A : i32
      %lt3A_55 = arith.constant 0 : i32
      %lt3A_56 = arith.cmpi slt, %rem3A, %lt3A_55 : i32
      %lt3A_57 = arith.constant 0 : i32
      %lt3A_58 = arith.cmpi slt, %select_n3A_53, %lt3A_57 : i32
      %ne3A_59 = arith.xori %lt3A_56, %lt3A_58 : i1
      %and3A = arith.andi %ne3A_59, %ne3A_54 : i1
      %add3A_60 = arith.addi %rem3A, %select_n3A_53 : i32
      %select_n3A_61 = arith.select %and3A, %add3A_60, %rem3A : i32
      %eq3A_62 = arith.constant 1 : i32
      %eq3A_63 = arith.cmpi eq, %select_n3A_61, %eq3A_62 : i32
      %and3A_64 = arith.andi %lt3A_49, %eq3A_63 : i1
      %convert_element_type3A = arith.extui %and3A_64 : i1 to i32
      %cond3A = arith.constant 0 : i32
      %cond3A_65 = arith.cmpi ne, %convert_element_type3A, %cond3A : i32
      scf.if %cond3A_65 {
        %mul3A_130 = arith.constant 32 : i32
        %mul3A_131 = arith.muli %add3A_48, %mul3A_130 : i32
        %add3A_132 = arith.addi %mul3A_131, %add3A : i32
        %mul3A_133 = arith.constant 128 : i32
        %mul3A_134 = arith.muli %add3A_132, %mul3A_133 : i32
        "tpu.region"() ({
          %run_scoped3A = tpu.sem_alloc : memref<!tpu.dma_semaphore, #tpu.memory_space<semaphore_mem>>
          %dma_start3A_138 = tpu.memref_slice %arg3[%mul3A_134] : memref<320000xi32, #tpu.memory_space<hbm>> -> memref<128xi32, #tpu.memory_space<hbm>>
          %dma_start3A_139 = tpu.memref_slice %arg3[%mul3A_134] : memref<320000xi32, #tpu.memory_space<hbm>> -> memref<128xi32, #tpu.memory_space<hbm>>
          tpu.enqueue_dma source(%dma_start3A_139 : memref<128xi32, #tpu.memory_space<hbm>>) target(%arg12 : memref<128xi32, #tpu.memory_space<vmem>>) target_semaphore(%run_scoped3A : memref<!tpu.dma_semaphore, #tpu.memory_space<semaphore_mem>>)
          %dma_wait3A = tpu.memref_slice %arg3[%mul3A_134] : memref<320000xi32, #tpu.memory_space<hbm>> -> memref<128xi32, #tpu.memory_space<hbm>>
          %dma_wait3A_140 = tpu.memref_slice %arg3[%mul3A_134] : memref<320000xi32, #tpu.memory_space<hbm>> -> memref<128xi32, #tpu.memory_space<hbm>>
          tpu.wait_dma2 semaphore(%run_scoped3A : memref<!tpu.dma_semaphore, #tpu.memory_space<semaphore_mem>>) src(%dma_wait3A_140 : memref<128xi32, #tpu.memory_space<hbm>>) dst(%arg12 : memref<128xi32, #tpu.memory_space<vmem>>)
          tpu.yield
        }) : () -> ()
        "tpu.region"() ({
          %run_scoped3A = tpu.sem_alloc : memref<!tpu.dma_semaphore, #tpu.memory_space<semaphore_mem>>
          %dma_start3A_138 = tpu.memref_slice %arg4[%mul3A_134] : memref<320000xi32, #tpu.memory_space<hbm>> -> memref<128xi32, #tpu.memory_space<hbm>>
          %dma_start3A_139 = tpu.memref_slice %arg4[%mul3A_134] : memref<320000xi32, #tpu.memory_space<hbm>> -> memref<128xi32, #tpu.memory_space<hbm>>
          tpu.enqueue_dma source(%dma_start3A_139 : memref<128xi32, #tpu.memory_space<hbm>>) target(%arg13 : memref<128xi32, #tpu.memory_space<vmem>>) target_semaphore(%run_scoped3A : memref<!tpu.dma_semaphore, #tpu.memory_space<semaphore_mem>>)
          %dma_wait3A = tpu.memref_slice %arg4[%mul3A_134] : memref<320000xi32, #tpu.memory_space<hbm>> -> memref<128xi32, #tpu.memory_space<hbm>>
          %dma_wait3A_140 = tpu.memref_slice %arg4[%mul3A_134] : memref<320000xi32, #tpu.memory_space<hbm>> -> memref<128xi32, #tpu.memory_space<hbm>>
          tpu.wait_dma2 semaphore(%run_scoped3A : memref<!tpu.dma_semaphore, #tpu.memory_space<semaphore_mem>>) src(%dma_wait3A_140 : memref<128xi32, #tpu.memory_space<hbm>>) dst(%arg13 : memref<128xi32, #tpu.memory_space<vmem>>)
          tpu.yield
        }) : () -> ()
        %dma_start3A_135 = arith.constant 0 : i32
        %dma_start3A_136 = arith.constant 0 : i32
        %dma_start3A_137 = tpu.memref_slice %arg2[%dma_start3A_135, %dma_start3A_136] : memref<10000x128xf32, #tpu.memory_space<hbm>> -> memref<10000x128xf32, #tpu.memory_space<hbm>>
        tpu.enqueue_indirect_dma source(%dma_start3A_137 : memref<10000x128xf32, #tpu.memory_space<hbm>>) target(%arg14 : memref<128x128xf32, #tpu.memory_space<vmem>>) offsets(%arg12 : memref<128xi32, #tpu.memory_space<vmem>>) semaphore(%arg16 : memref<!tpu.dma_semaphore, #tpu.memory_space<semaphore_mem>>)
      } else {
      }
      %jit3A_66 = arith.constant 2 : i32
      %eq3A_67 = arith.constant 0 : i32
      %eq3A_68 = arith.cmpi eq, %jit3A_66, %eq3A_67 : i32
      %jit3A_69 = arith.constant 1 : i32
      %select_n3A_70 = arith.select %eq3A_68, %jit3A_69, %jit3A_66 : i32
      %rem3A_71 = arith.remsi %add3A_48, %select_n3A_70 : i32
      %ne3A_72 = arith.constant 0 : i32
      %ne3A_73 = arith.cmpi ne, %rem3A_71, %ne3A_72 : i32
      %lt3A_74 = arith.constant 0 : i32
      %lt3A_75 = arith.cmpi slt, %rem3A_71, %lt3A_74 : i32
      %lt3A_76 = arith.constant 0 : i32
      %lt3A_77 = arith.cmpi slt, %select_n3A_70, %lt3A_76 : i32
      %ne3A_78 = arith.xori %lt3A_75, %lt3A_77 : i1
      %and3A_79 = arith.andi %ne3A_78, %ne3A_73 : i1
      %add3A_80 = arith.addi %rem3A_71, %select_n3A_70 : i32
      %select_n3A_81 = arith.select %and3A_79, %add3A_80, %rem3A_71 : i32
      %eq3A_82 = arith.constant 0 : i32
      %eq3A_83 = arith.cmpi eq, %select_n3A_81, %eq3A_82 : i32
      %and3A_84 = arith.andi %lt3A_49, %eq3A_83 : i1
      %convert_element_type3A_85 = arith.extui %and3A_84 : i1 to i32
      %cond3A_86 = arith.constant 0 : i32
      %cond3A_87 = arith.cmpi ne, %convert_element_type3A_85, %cond3A_86 : i32
      scf.if %cond3A_87 {
        %mul3A_130 = arith.constant 32 : i32
        %mul3A_131 = arith.muli %add3A_48, %mul3A_130 : i32
        %add3A_132 = arith.addi %mul3A_131, %add3A : i32
        %mul3A_133 = arith.constant 128 : i32
        %mul3A_134 = arith.muli %add3A_132, %mul3A_133 : i32
        "tpu.region"() ({
          %run_scoped3A = tpu.sem_alloc : memref<!tpu.dma_semaphore, #tpu.memory_space<semaphore_mem>>
          %dma_start3A_138 = tpu.memref_slice %arg3[%mul3A_134] : memref<320000xi32, #tpu.memory_space<hbm>> -> memref<128xi32, #tpu.memory_space<hbm>>
          %dma_start3A_139 = tpu.memref_slice %arg3[%mul3A_134] : memref<320000xi32, #tpu.memory_space<hbm>> -> memref<128xi32, #tpu.memory_space<hbm>>
          tpu.enqueue_dma source(%dma_start3A_139 : memref<128xi32, #tpu.memory_space<hbm>>) target(%arg8 : memref<128xi32, #tpu.memory_space<vmem>>) target_semaphore(%run_scoped3A : memref<!tpu.dma_semaphore, #tpu.memory_space<semaphore_mem>>)
          %dma_wait3A = tpu.memref_slice %arg3[%mul3A_134] : memref<320000xi32, #tpu.memory_space<hbm>> -> memref<128xi32, #tpu.memory_space<hbm>>
          %dma_wait3A_140 = tpu.memref_slice %arg3[%mul3A_134] : memref<320000xi32, #tpu.memory_space<hbm>> -> memref<128xi32, #tpu.memory_space<hbm>>
          tpu.wait_dma2 semaphore(%run_scoped3A : memref<!tpu.dma_semaphore, #tpu.memory_space<semaphore_mem>>) src(%dma_wait3A_140 : memref<128xi32, #tpu.memory_space<hbm>>) dst(%arg8 : memref<128xi32, #tpu.memory_space<vmem>>)
          tpu.yield
        }) : () -> ()
        "tpu.region"() ({
          %run_scoped3A = tpu.sem_alloc : memref<!tpu.dma_semaphore, #tpu.memory_space<semaphore_mem>>
          %dma_start3A_138 = tpu.memref_slice %arg4[%mul3A_134] : memref<320000xi32, #tpu.memory_space<hbm>> -> memref<128xi32, #tpu.memory_space<hbm>>
          %dma_start3A_139 = tpu.memref_slice %arg4[%mul3A_134] : memref<320000xi32, #tpu.memory_space<hbm>> -> memref<128xi32, #tpu.memory_space<hbm>>
          tpu.enqueue_dma source(%dma_start3A_139 : memref<128xi32, #tpu.memory_space<hbm>>) target(%arg9 : memref<128xi32, #tpu.memory_space<vmem>>) target_semaphore(%run_scoped3A : memref<!tpu.dma_semaphore, #tpu.memory_space<semaphore_mem>>)
          %dma_wait3A = tpu.memref_slice %arg4[%mul3A_134] : memref<320000xi32, #tpu.memory_space<hbm>> -> memref<128xi32, #tpu.memory_space<hbm>>
          %dma_wait3A_140 = tpu.memref_slice %arg4[%mul3A_134] : memref<320000xi32, #tpu.memory_space<hbm>> -> memref<128xi32, #tpu.memory_space<hbm>>
          tpu.wait_dma2 semaphore(%run_scoped3A : memref<!tpu.dma_semaphore, #tpu.memory_space<semaphore_mem>>) src(%dma_wait3A_140 : memref<128xi32, #tpu.memory_space<hbm>>) dst(%arg9 : memref<128xi32, #tpu.memory_space<vmem>>)
          tpu.yield
        }) : () -> ()
        %dma_start3A_135 = arith.constant 0 : i32
        %dma_start3A_136 = arith.constant 0 : i32
        %dma_start3A_137 = tpu.memref_slice %arg2[%dma_start3A_135, %dma_start3A_136] : memref<10000x128xf32, #tpu.memory_space<hbm>> -> memref<10000x128xf32, #tpu.memory_space<hbm>>
        tpu.enqueue_indirect_dma source(%dma_start3A_137 : memref<10000x128xf32, #tpu.memory_space<hbm>>) target(%arg10 : memref<128x128xf32, #tpu.memory_space<vmem>>) offsets(%arg8 : memref<128xi32, #tpu.memory_space<vmem>>) semaphore(%arg15 : memref<!tpu.dma_semaphore, #tpu.memory_space<semaphore_mem>>)
      } else {
      }
      %jit3A_88 = arith.constant 2 : i32
      %eq3A_89 = arith.constant 0 : i32
      %eq3A_90 = arith.cmpi eq, %jit3A_88, %eq3A_89 : i32
      %jit3A_91 = arith.constant 1 : i32
      %select_n3A_92 = arith.select %eq3A_90, %jit3A_91, %jit3A_88 : i32
      %rem3A_93 = arith.remsi %while3A_46, %select_n3A_92 : i32
      %ne3A_94 = arith.constant 0 : i32
      %ne3A_95 = arith.cmpi ne, %rem3A_93, %ne3A_94 : i32
      %lt3A_96 = arith.constant 0 : i32
      %lt3A_97 = arith.cmpi slt, %rem3A_93, %lt3A_96 : i32
      %lt3A_98 = arith.constant 0 : i32
      %lt3A_99 = arith.cmpi slt, %select_n3A_92, %lt3A_98 : i32
      %ne3A_100 = arith.xori %lt3A_97, %lt3A_99 : i1
      %and3A_101 = arith.andi %ne3A_100, %ne3A_95 : i1
      %add3A_102 = arith.addi %rem3A_93, %select_n3A_92 : i32
      %select_n3A_103 = arith.select %and3A_101, %add3A_102, %rem3A_93 : i32
      %eq3A_104 = arith.constant 0 : i32
      %eq3A_105 = arith.cmpi eq, %select_n3A_103, %eq3A_104 : i32
      %convert_element_type3A_106 = arith.extui %eq3A_105 : i1 to i32
      %cond3A_107 = arith.constant 0 : i32
      %cond3A_108 = arith.cmpi ne, %convert_element_type3A_106, %cond3A_107 : i32
      scf.if %cond3A_108 {
        %dma_wait3A = arith.constant 0 : i32
        %dma_wait3A_130 = arith.constant 0 : i32
        %dma_wait3A_131 = tpu.memref_slice %arg2[%dma_wait3A, %dma_wait3A_130] : memref<10000x128xf32, #tpu.memory_space<hbm>> -> memref<128x128xf32, #tpu.memory_space<hbm>>
        %dma_wait3A_132 = arith.constant 0 : i32
        %dma_wait3A_133 = arith.constant 0 : i32
        %dma_wait3A_134 = tpu.memref_slice %arg2[%dma_wait3A_132, %dma_wait3A_133] : memref<10000x128xf32, #tpu.memory_space<hbm>> -> memref<128x128xf32, #tpu.memory_space<hbm>>
        tpu.wait_dma2 semaphore(%arg15 : memref<!tpu.dma_semaphore, #tpu.memory_space<semaphore_mem>>) src(%dma_wait3A_134 : memref<128x128xf32, #tpu.memory_space<hbm>>) dst(%arg10 : memref<128x128xf32, #tpu.memory_space<vmem>>)
        "tpu.region"() ({
          %run_scoped3A = tpu.sem_alloc : memref<!tpu.dma_semaphore, #tpu.memory_space<semaphore_mem>>
          %dma_start3A_135 = arith.constant 0 : i32
          %dma_start3A_136 = arith.constant 0 : i32
          %dma_start3A_137 = tpu.memref_slice %arg7[%dma_start3A_135, %dma_start3A_136] : memref<10000x128xf32, #tpu.memory_space<vmem_shared>> -> memref<10000x128xf32, #tpu.memory_space<vmem_shared>>
          tpu.enqueue_indirect_dma source(%arg10 : memref<128x128xf32, #tpu.memory_space<vmem>>) target(%dma_start3A_137 : memref<10000x128xf32, #tpu.memory_space<vmem_shared>>) offsets(%arg9 : memref<128xi32, #tpu.memory_space<vmem>>) semaphore(%run_scoped3A : memref<!tpu.dma_semaphore, #tpu.memory_space<semaphore_mem>>) {add = true}
          %dma_wait3A_138 = arith.constant 0 : i32
          %dma_wait3A_139 = arith.constant 0 : i32
          %dma_wait3A_140 = tpu.memref_slice %arg7[%dma_wait3A_138, %dma_wait3A_139] : memref<10000x128xf32, #tpu.memory_space<vmem_shared>> -> memref<10000x128xf32, #tpu.memory_space<vmem_shared>>
          tpu.wait_indirect_dma semaphore(%run_scoped3A : memref<!tpu.dma_semaphore, #tpu.memory_space<semaphore_mem>>) src(%arg10 : memref<128x128xf32, #tpu.memory_space<vmem>>) dst(%dma_wait3A_140 : memref<10000x128xf32, #tpu.memory_space<vmem_shared>>)
          tpu.yield
        }) : () -> ()
      } else {
      }
      %jit3A_109 = arith.constant 2 : i32
      %eq3A_110 = arith.constant 0 : i32
      %eq3A_111 = arith.cmpi eq, %jit3A_109, %eq3A_110 : i32
      %jit3A_112 = arith.constant 1 : i32
      %select_n3A_113 = arith.select %eq3A_111, %jit3A_112, %jit3A_109 : i32
      %rem3A_114 = arith.remsi %while3A_46, %select_n3A_113 : i32
      %ne3A_115 = arith.constant 0 : i32
      %ne3A_116 = arith.cmpi ne, %rem3A_114, %ne3A_115 : i32
      %lt3A_117 = arith.constant 0 : i32
      %lt3A_118 = arith.cmpi slt, %rem3A_114, %lt3A_117 : i32
      %lt3A_119 = arith.constant 0 : i32
      %lt3A_120 = arith.cmpi slt, %select_n3A_113, %lt3A_119 : i32
      %ne3A_121 = arith.xori %lt3A_118, %lt3A_120 : i1
      %and3A_122 = arith.andi %ne3A_121, %ne3A_116 : i1
      %add3A_123 = arith.addi %rem3A_114, %select_n3A_113 : i32
      %select_n3A_124 = arith.select %and3A_122, %add3A_123, %rem3A_114 : i32
      %eq3A_125 = arith.constant 1 : i32
      %eq3A_126 = arith.cmpi eq, %select_n3A_124, %eq3A_125 : i32
      %convert_element_type3A_127 = arith.extui %eq3A_126 : i1 to i32
      %cond3A_128 = arith.constant 0 : i32
      %cond3A_129 = arith.cmpi ne, %convert_element_type3A_127, %cond3A_128 : i32
      scf.if %cond3A_129 {
        %dma_wait3A = arith.constant 0 : i32
        %dma_wait3A_130 = arith.constant 0 : i32
        %dma_wait3A_131 = tpu.memref_slice %arg2[%dma_wait3A, %dma_wait3A_130] : memref<10000x128xf32, #tpu.memory_space<hbm>> -> memref<128x128xf32, #tpu.memory_space<hbm>>
        %dma_wait3A_132 = arith.constant 0 : i32
        %dma_wait3A_133 = arith.constant 0 : i32
        %dma_wait3A_134 = tpu.memref_slice %arg2[%dma_wait3A_132, %dma_wait3A_133] : memref<10000x128xf32, #tpu.memory_space<hbm>> -> memref<128x128xf32, #tpu.memory_space<hbm>>
        tpu.wait_dma2 semaphore(%arg16 : memref<!tpu.dma_semaphore, #tpu.memory_space<semaphore_mem>>) src(%dma_wait3A_134 : memref<128x128xf32, #tpu.memory_space<hbm>>) dst(%arg14 : memref<128x128xf32, #tpu.memory_space<vmem>>)
        "tpu.region"() ({
          %run_scoped3A = tpu.sem_alloc : memref<!tpu.dma_semaphore, #tpu.memory_space<semaphore_mem>>
          %dma_start3A_135 = arith.constant 0 : i32
          %dma_start3A_136 = arith.constant 0 : i32
          %dma_start3A_137 = tpu.memref_slice %arg7[%dma_start3A_135, %dma_start3A_136] : memref<10000x128xf32, #tpu.memory_space<vmem_shared>> -> memref<10000x128xf32, #tpu.memory_space<vmem_shared>>
          tpu.enqueue_indirect_dma source(%arg14 : memref<128x128xf32, #tpu.memory_space<vmem>>) target(%dma_start3A_137 : memref<10000x128xf32, #tpu.memory_space<vmem_shared>>) offsets(%arg13 : memref<128xi32, #tpu.memory_space<vmem>>) semaphore(%run_scoped3A : memref<!tpu.dma_semaphore, #tpu.memory_space<semaphore_mem>>) {add = true}
          %dma_wait3A_138 = arith.constant 0 : i32
          %dma_wait3A_139 = arith.constant 0 : i32
          %dma_wait3A_140 = tpu.memref_slice %arg7[%dma_wait3A_138, %dma_wait3A_139] : memref<10000x128xf32, #tpu.memory_space<vmem_shared>> -> memref<10000x128xf32, #tpu.memory_space<vmem_shared>>
          tpu.wait_indirect_dma semaphore(%run_scoped3A : memref<!tpu.dma_semaphore, #tpu.memory_space<semaphore_mem>>) src(%arg14 : memref<128x128xf32, #tpu.memory_space<vmem>>) dst(%dma_wait3A_140 : memref<10000x128xf32, #tpu.memory_space<vmem_shared>>)
          tpu.yield
        }) : () -> ()
      } else {
      }
    }
    %barrier3A_35 = arith.constant 0 : index
    tpu.barrier barrier_id(%barrier3A_35)
    %while3A_36 = arith.constant 0 : i32
    %while3A_37 = arith.constant 0 : i32
    %while3A_38 = arith.subi %add3A_4, %while3A_37 : i32
    %while3A_39 = arith.addi %while3A_37, %while3A_38 : i32
    %while3A_40 = arith.constant 1 : i32
    %while3A_41 = arith.divsi %while3A_38, %while3A_40 : i32
    %while3A_42 = arith.muli %while3A_41, %while3A_40 : i32
    %while3A_43 = arith.addi %while3A_37, %while3A_42 : i32
    %while3A_44 = arith.constant 1 : i32
    scf.for %while3A_46 = %while3A_37 to %while3A_43 step %while3A_44  : i32 {
      %mul3A_47 = arith.constant 16 : i32
      %mul3A_48 = arith.muli %while3A_46, %mul3A_47 : i32
      %add3A_49 = arith.addi %mul3A_48, %arg1 : i32
      %mul3A_50 = arith.constant 80 : i32
      %mul3A_51 = arith.muli %add3A_49, %mul3A_50 : i32
      "tpu.region"() ({
        %run_scoped3A = tpu.sem_alloc : memref<!tpu.dma_semaphore, #tpu.memory_space<semaphore_mem>>
        %dma_start3A_55 = arith.constant 0 : i32
        %dma_start3A_56 = tpu.memref_slice %arg7[%mul3A_51, %dma_start3A_55] : memref<10000x128xf32, #tpu.memory_space<vmem_shared>> -> memref<80x128xf32, #tpu.memory_space<vmem_shared>>
        %dma_start3A_57 = arith.constant 0 : i32
        %dma_start3A_58 = tpu.memref_slice %arg7[%mul3A_51, %dma_start3A_57] : memref<10000x128xf32, #tpu.memory_space<vmem_shared>> -> memref<80x128xf32, #tpu.memory_space<vmem_shared>>
        tpu.enqueue_dma source(%dma_start3A_58 : memref<80x128xf32, #tpu.memory_space<vmem_shared>>) target(%arg11 : memref<80x128xf32, #tpu.memory_space<vmem>>) target_semaphore(%run_scoped3A : memref<!tpu.dma_semaphore, #tpu.memory_space<semaphore_mem>>)
        %dma_wait3A = arith.constant 0 : i32
        %dma_wait3A_59 = tpu.memref_slice %arg7[%mul3A_51, %dma_wait3A] : memref<10000x128xf32, #tpu.memory_space<vmem_shared>> -> memref<80x128xf32, #tpu.memory_space<vmem_shared>>
        %dma_wait3A_60 = arith.constant 0 : i32
        %dma_wait3A_61 = tpu.memref_slice %arg7[%mul3A_51, %dma_wait3A_60] : memref<10000x128xf32, #tpu.memory_space<vmem_shared>> -> memref<80x128xf32, #tpu.memory_space<vmem_shared>>
        tpu.wait_dma2 semaphore(%run_scoped3A : memref<!tpu.dma_semaphore, #tpu.memory_space<semaphore_mem>>) src(%dma_wait3A_61 : memref<80x128xf32, #tpu.memory_space<vmem_shared>>) dst(%arg11 : memref<80x128xf32, #tpu.memory_space<vmem>>)
        tpu.yield
      }) : () -> ()
      %mul3A_52 = arith.constant 10000 : i32
      %mul3A_53 = arith.muli %arg0, %mul3A_52 : i32
      %add3A_54 = arith.addi %mul3A_53, %mul3A_51 : i32
      "tpu.region"() ({
        %run_scoped3A = tpu.sem_alloc : memref<!tpu.dma_semaphore, #tpu.memory_space<semaphore_mem>>
        %dma_start3A_55 = arith.constant 0 : i32
        %dma_start3A_56 = tpu.memref_slice %arg6[%add3A_54, %dma_start3A_55] : memref<20000x128xf32, #tpu.memory_space<hbm>> -> memref<80x128xf32, #tpu.memory_space<hbm>>
        %dma_start3A_57 = arith.constant 0 : i32
        %dma_start3A_58 = tpu.memref_slice %arg6[%add3A_54, %dma_start3A_57] : memref<20000x128xf32, #tpu.memory_space<hbm>> -> memref<80x128xf32, #tpu.memory_space<hbm>>
        tpu.enqueue_dma source(%arg11 : memref<80x128xf32, #tpu.memory_space<vmem>>) target(%dma_start3A_58 : memref<80x128xf32, #tpu.memory_space<hbm>>) target_semaphore(%run_scoped3A : memref<!tpu.dma_semaphore, #tpu.memory_space<semaphore_mem>>)
        %dma_wait3A = arith.constant 0 : i32
        %dma_wait3A_59 = tpu.memref_slice %arg6[%add3A_54, %dma_wait3A] : memref<20000x128xf32, #tpu.memory_space<hbm>> -> memref<80x128xf32, #tpu.memory_space<hbm>>
        %dma_wait3A_60 = arith.constant 0 : i32
        %dma_wait3A_61 = tpu.memref_slice %arg6[%add3A_54, %dma_wait3A_60] : memref<20000x128xf32, #tpu.memory_space<hbm>> -> memref<80x128xf32, #tpu.memory_space<hbm>>
        tpu.wait_dma2 semaphore(%run_scoped3A : memref<!tpu.dma_semaphore, #tpu.memory_space<semaphore_mem>>) src(%arg11 : memref<80x128xf32, #tpu.memory_space<vmem>>) dst(%dma_wait3A_61 : memref<80x128xf32, #tpu.memory_space<hbm>>)
        tpu.yield
      }) : () -> ()
    }
    %while3A_45 = arith.constant 1 : i32
    scf.for %while3A_46 = %while3A_43 to %while3A_39 step %while3A_45  : i32 {
      %mul3A_47 = arith.constant 16 : i32
      %mul3A_48 = arith.muli %while3A_46, %mul3A_47 : i32
      %add3A_49 = arith.addi %mul3A_48, %arg1 : i32
      %mul3A_50 = arith.constant 80 : i32
      %mul3A_51 = arith.muli %add3A_49, %mul3A_50 : i32
      "tpu.region"() ({
        %run_scoped3A = tpu.sem_alloc : memref<!tpu.dma_semaphore, #tpu.memory_space<semaphore_mem>>
        %dma_start3A_55 = arith.constant 0 : i32
        %dma_start3A_56 = tpu.memref_slice %arg7[%mul3A_51, %dma_start3A_55] : memref<10000x128xf32, #tpu.memory_space<vmem_shared>> -> memref<80x128xf32, #tpu.memory_space<vmem_shared>>
        %dma_start3A_57 = arith.constant 0 : i32
        %dma_start3A_58 = tpu.memref_slice %arg7[%mul3A_51, %dma_start3A_57] : memref<10000x128xf32, #tpu.memory_space<vmem_shared>> -> memref<80x128xf32, #tpu.memory_space<vmem_shared>>
        tpu.enqueue_dma source(%dma_start3A_58 : memref<80x128xf32, #tpu.memory_space<vmem_shared>>) target(%arg11 : memref<80x128xf32, #tpu.memory_space<vmem>>) target_semaphore(%run_scoped3A : memref<!tpu.dma_semaphore, #tpu.memory_space<semaphore_mem>>)
        %dma_wait3A = arith.constant 0 : i32
        %dma_wait3A_59 = tpu.memref_slice %arg7[%mul3A_51, %dma_wait3A] : memref<10000x128xf32, #tpu.memory_space<vmem_shared>> -> memref<80x128xf32, #tpu.memory_space<vmem_shared>>
        %dma_wait3A_60 = arith.constant 0 : i32
        %dma_wait3A_61 = tpu.memref_slice %arg7[%mul3A_51, %dma_wait3A_60] : memref<10000x128xf32, #tpu.memory_space<vmem_shared>> -> memref<80x128xf32, #tpu.memory_space<vmem_shared>>
        tpu.wait_dma2 semaphore(%run_scoped3A : memref<!tpu.dma_semaphore, #tpu.memory_space<semaphore_mem>>) src(%dma_wait3A_61 : memref<80x128xf32, #tpu.memory_space<vmem_shared>>) dst(%arg11 : memref<80x128xf32, #tpu.memory_space<vmem>>)
        tpu.yield
      }) : () -> ()
      %mul3A_52 = arith.constant 10000 : i32
      %mul3A_53 = arith.muli %arg0, %mul3A_52 : i32
      %add3A_54 = arith.addi %mul3A_53, %mul3A_51 : i32
      "tpu.region"() ({
        %run_scoped3A = tpu.sem_alloc : memref<!tpu.dma_semaphore, #tpu.memory_space<semaphore_mem>>
        %dma_start3A_55 = arith.constant 0 : i32
        %dma_start3A_56 = tpu.memref_slice %arg6[%add3A_54, %dma_start3A_55] : memref<20000x128xf32, #tpu.memory_space<hbm>> -> memref<80x128xf32, #tpu.memory_space<hbm>>
        %dma_start3A_57 = arith.constant 0 : i32
        %dma_start3A_58 = tpu.memref_slice %arg6[%add3A_54, %dma_start3A_57] : memref<20000x128xf32, #tpu.memory_space<hbm>> -> memref<80x128xf32, #tpu.memory_space<hbm>>
        tpu.enqueue_dma source(%arg11 : memref<80x128xf32, #tpu.memory_space<vmem>>) target(%dma_start3A_58 : memref<80x128xf32, #tpu.memory_space<hbm>>) target_semaphore(%run_scoped3A : memref<!tpu.dma_semaphore, #tpu.memory_space<semaphore_mem>>)
        %dma_wait3A = arith.constant 0 : i32
        %dma_wait3A_59 = tpu.memref_slice %arg6[%add3A_54, %dma_wait3A] : memref<20000x128xf32, #tpu.memory_space<hbm>> -> memref<80x128xf32, #tpu.memory_space<hbm>>
        %dma_wait3A_60 = arith.constant 0 : i32
        %dma_wait3A_61 = tpu.memref_slice %arg6[%add3A_54, %dma_wait3A_60] : memref<20000x128xf32, #tpu.memory_space<hbm>> -> memref<80x128xf32, #tpu.memory_space<hbm>>
        tpu.wait_dma2 semaphore(%run_scoped3A : memref<!tpu.dma_semaphore, #tpu.memory_space<semaphore_mem>>) src(%arg11 : memref<80x128xf32, #tpu.memory_space<vmem>>) dst(%dma_wait3A_61 : memref<80x128xf32, #tpu.memory_space<hbm>>)
        tpu.yield
      }) : () -> ()
    }
    return
  }
}

module attributes {stable_mosaic.version = 14 : i64} {
  func.func @_tc1_body(%arg0: i32, %arg1: memref<2000x128xf32, #tpu.memory_space<vmem>>, %arg2: memref<128x128xf32, #tpu.memory_space<vmem>>, %arg3: memref<2000x2xf32, #tpu.memory_space<vmem>>, %arg4: memref<2000x128xf32, #tpu.memory_space<vmem>>, %arg5: memref<2000x1xf32, #tpu.memory_space<vmem>>) attributes {dimension_semantics = [#tpu.dimension_semantics<arbitrary>], iteration_bounds = array<i64: 5>, scalar_prefetch = 0 : i64, scratch_operands = 0 : i64, tpu.core_type = #tpu.core_type<tc>, window_params = [{transform_indices = @transform_0, window_bounds = array<i64: 2000, 128>}, {pipeline_mode = #tpu.pipeline_mode<synchronous>, transform_indices = @transform_1, window_bounds = array<i64: 128, 128>}, {transform_indices = @transform_2, window_bounds = array<i64: 2000, 2>}, {transform_indices = @transform_3, window_bounds = array<i64: 2000, 128>}, {transform_indices = @transform_4, window_bounds = array<i64: 2000, 1>}]} {
    %get3A = arith.constant 0 : index
    %get3A_0 = arith.constant 0 : index
    %get3A_1 = vector.load %arg3[%get3A, %get3A_0] : memref<2000x2xf32, #tpu.memory_space<vmem>>, vector<2000x1xf32>
    %get3A_2 = arith.constant 0 : index
    %get3A_3 = arith.constant 1 : index
    %get3A_4 = vector.load %arg3[%get3A_2, %get3A_3] : memref<2000x2xf32, #tpu.memory_space<vmem>>, vector<2000x1xf32>
    %add3A = arith.addf %get3A_1, %get3A_4 : vector<2000x1xf32>
    %add3A_5 = arith.constant 1.000000e+00 : f32
    %add3A_6 = vector.broadcast %add3A_5 : f32 to vector<2000x1xf32>
    %add3A_7 = arith.addf %add3A, %add3A_6 : vector<2000x1xf32>
    %rsqrt3A = math.rsqrt %add3A_7 : vector<2000x1xf32>
    %get3A_8 = arith.constant 0 : index
    %get3A_9 = arith.constant 0 : index
    %get3A_10 = vector.load %arg1[%get3A_8, %get3A_9] : memref<2000x128xf32, #tpu.memory_space<vmem>>, vector<2000x128xf32>
    %get3A_11 = arith.constant 0 : index
    %get3A_12 = arith.constant 0 : index
    %get3A_13 = vector.load %arg2[%get3A_11, %get3A_12] : memref<128x128xf32, #tpu.memory_space<vmem>>, vector<128x128xf32>
    %dot_general3A = arith.constant dense<0.000000e+00> : vector<2000x128xf32>
    %dot_general3A_14 = tpu.matmul %get3A_10, %get3A_13, %dot_general3A {dimension_numbers = #tpu.dot_dimension_numbers<[1], [0], [0], [1], [0, 0, 1, 1], [], []>, transpose_lhs_hint = false} : vector<2000x128xf32>, vector<128x128xf32>, vector<2000x128xf32> -> vector<2000x128xf32>
    %mul3A = vector.broadcast %rsqrt3A : vector<2000x1xf32> to vector<2000x128xf32>
    %mul3A_15 = arith.mulf %mul3A, %dot_general3A_14 : vector<2000x128xf32>
    %swap3A = arith.constant 0 : index
    %swap3A_16 = arith.constant 0 : index
    %swap3A_17 = vector.load %arg4[%swap3A, %swap3A_16] : memref<2000x128xf32, #tpu.memory_space<vmem>>, vector<2000x128xf32>
    tpu.vector_store %arg4[%swap3A, %swap3A_16], %mul3A_15 {strides = array<i32>} : memref<2000x128xf32, #tpu.memory_space<vmem>>, vector<2000x128xf32>,
    %swap3A_18 = arith.constant 0 : index
    %swap3A_19 = arith.constant 0 : index
    %swap3A_20 = vector.load %arg5[%swap3A_18, %swap3A_19] : memref<2000x1xf32, #tpu.memory_space<vmem>>, vector<2000x1xf32>
    tpu.vector_store %arg5[%swap3A_18, %swap3A_19], %rsqrt3A {strides = array<i32>} : memref<2000x1xf32, #tpu.memory_space<vmem>>, vector<2000x1xf32>,
    return
  }
  func.func @transform_0(%arg0: i32) -> (i32, i32) {
    %c0_i32 = arith.constant 0 : i32
    %c0_i32_0 = arith.constant 0 : i32
    return %arg0, %c0_i32 : i32, i32
  }
  func.func @transform_1(%arg0: i32) -> (i32, i32) {
    %c0_i32 = arith.constant 0 : i32
    %c0_i32_0 = arith.constant 0 : i32
    %c0_i32_1 = arith.constant 0 : i32
    return %c0_i32, %c0_i32_0 : i32, i32
  }
  func.func @transform_2(%arg0: i32) -> (i32, i32) {
    %c0_i32 = arith.constant 0 : i32
    %c0_i32_0 = arith.constant 0 : i32
    return %arg0, %c0_i32 : i32, i32
  }
  func.func @transform_3(%arg0: i32) -> (i32, i32) {
    %c0_i32 = arith.constant 0 : i32
    %c0_i32_0 = arith.constant 0 : i32
    return %arg0, %c0_i32 : i32, i32
  }
  func.func @transform_4(%arg0: i32) -> (i32, i32) {
    %c0_i32 = arith.constant 0 : i32
    %c0_i32_0 = arith.constant 0 : i32
    return %arg0, %c0_i32 : i32, i32
  }
}

module attributes {stable_mosaic.version = 14 : i64} {
  func.func @_tc2_body(%arg0: i32, %arg1: memref<2x2000x128xf32, #tpu.memory_space<vmem>>, %arg2: memref<2000x128xf32, #tpu.memory_space<vmem>>, %arg3: memref<2000x1xf32, #tpu.memory_space<vmem>>, %arg4: memref<128x128xf32, #tpu.memory_space<vmem>>, %arg5: memref<1x128xf32, #tpu.memory_space<vmem>>, %arg6: memref<2000x128xf32, #tpu.memory_space<vmem>>) attributes {dimension_semantics = [#tpu.dimension_semantics<arbitrary>], iteration_bounds = array<i64: 5>, scalar_prefetch = 0 : i64, scratch_operands = 0 : i64, tpu.core_type = #tpu.core_type<tc>, window_params = [{transform_indices = @transform_0, window_bounds = array<i64: 2, 2000, 128>}, {transform_indices = @transform_1, window_bounds = array<i64: 2000, 128>}, {transform_indices = @transform_2, window_bounds = array<i64: 2000, 1>}, {pipeline_mode = #tpu.pipeline_mode<synchronous>, transform_indices = @transform_3, window_bounds = array<i64: 128, 128>}, {pipeline_mode = #tpu.pipeline_mode<synchronous>, transform_indices = @transform_4, window_bounds = array<i64: 1, 128>}, {transform_indices = @transform_5, window_bounds = array<i64: 2000, 128>}]} {
    %get3A = arith.constant 0 : index
    %get3A_0 = arith.constant 0 : index
    %get3A_1 = vector.load %arg3[%get3A, %get3A_0] : memref<2000x1xf32, #tpu.memory_space<vmem>>, vector<2000x1xf32>
    %get3A_2 = arith.constant 0 : index
    %get3A_3 = arith.constant 0 : index
    %get3A_4 = arith.constant 0 : index
    %get3A_5 = vector.load %arg1[%get3A_2, %get3A_3, %get3A_4] : memref<2x2000x128xf32, #tpu.memory_space<vmem>>, vector<1x2000x128xf32>
    %get3A_6 = vector.shape_cast %get3A_5 : vector<1x2000x128xf32> to vector<2000x128xf32>
    %get3A_7 = arith.constant 1 : index
    %get3A_8 = arith.constant 0 : index
    %get3A_9 = arith.constant 0 : index
    %get3A_10 = vector.load %arg1[%get3A_7, %get3A_8, %get3A_9] : memref<2x2000x128xf32, #tpu.memory_space<vmem>>, vector<1x2000x128xf32>
    %get3A_11 = vector.shape_cast %get3A_10 : vector<1x2000x128xf32> to vector<2000x128xf32>
    %add3A = arith.addf %get3A_6, %get3A_11 : vector<2000x128xf32>
    %get3A_12 = arith.constant 0 : index
    %get3A_13 = arith.constant 0 : index
    %get3A_14 = vector.load %arg2[%get3A_12, %get3A_13] : memref<2000x128xf32, #tpu.memory_space<vmem>>, vector<2000x128xf32>
    %add3A_15 = arith.addf %add3A, %get3A_14 : vector<2000x128xf32>
    %mul3A = vector.broadcast %get3A_1 : vector<2000x1xf32> to vector<2000x128xf32>
    %mul3A_16 = arith.mulf %mul3A, %add3A_15 : vector<2000x128xf32>
    %get3A_17 = arith.constant 0 : index
    %get3A_18 = arith.constant 0 : index
    %get3A_19 = vector.load %arg5[%get3A_17, %get3A_18] : memref<1x128xf32, #tpu.memory_space<vmem>>, vector<1x128xf32>
    %add3A_20 = vector.broadcast %get3A_19 : vector<1x128xf32> to vector<2000x128xf32>
    %add3A_21 = arith.addf %mul3A_16, %add3A_20 : vector<2000x128xf32>
    %max3A = arith.constant 0.000000e+00 : f32
    %max3A_22 = vector.broadcast %max3A : f32 to vector<2000x128xf32>
    %max3A_23 = arith.maximumf %add3A_21, %max3A_22 : vector<2000x128xf32>
    %get3A_24 = arith.constant 0 : index
    %get3A_25 = arith.constant 0 : index
    %get3A_26 = vector.load %arg4[%get3A_24, %get3A_25] : memref<128x128xf32, #tpu.memory_space<vmem>>, vector<128x128xf32>
    %dot_general3A = arith.constant dense<0.000000e+00> : vector<2000x128xf32>
    %dot_general3A_27 = tpu.matmul %max3A_23, %get3A_26, %dot_general3A {dimension_numbers = #tpu.dot_dimension_numbers<[1], [0], [0], [1], [0, 0, 1, 1], [], []>, transpose_lhs_hint = false} : vector<2000x128xf32>, vector<128x128xf32>, vector<2000x128xf32> -> vector<2000x128xf32>
    %mul3A_28 = vector.broadcast %get3A_1 : vector<2000x1xf32> to vector<2000x128xf32>
    %mul3A_29 = arith.mulf %mul3A_28, %dot_general3A_27 : vector<2000x128xf32>
    %swap3A = arith.constant 0 : index
    %swap3A_30 = arith.constant 0 : index
    %swap3A_31 = vector.load %arg6[%swap3A, %swap3A_30] : memref<2000x128xf32, #tpu.memory_space<vmem>>, vector<2000x128xf32>
    tpu.vector_store %arg6[%swap3A, %swap3A_30], %mul3A_29 {strides = array<i32>} : memref<2000x128xf32, #tpu.memory_space<vmem>>, vector<2000x128xf32>,
    return
  }
  func.func @transform_0(%arg0: i32) -> (i32, i32, i32) {
    %c0_i32 = arith.constant 0 : i32
    %c0_i32_0 = arith.constant 0 : i32
    %c0_i32_1 = arith.constant 0 : i32
    return %c0_i32, %arg0, %c0_i32_0 : i32, i32, i32
  }
  func.func @transform_1(%arg0: i32) -> (i32, i32) {
    %c0_i32 = arith.constant 0 : i32
    %c0_i32_0 = arith.constant 0 : i32
    return %arg0, %c0_i32 : i32, i32
  }
  func.func @transform_2(%arg0: i32) -> (i32, i32) {
    %c0_i32 = arith.constant 0 : i32
    %c0_i32_0 = arith.constant 0 : i32
    return %arg0, %c0_i32 : i32, i32
  }
  func.func @transform_3(%arg0: i32) -> (i32, i32) {
    %c0_i32 = arith.constant 0 : i32
    %c0_i32_0 = arith.constant 0 : i32
    %c0_i32_1 = arith.constant 0 : i32
    return %c0_i32, %c0_i32_0 : i32, i32
  }
  func.func @transform_4(%arg0: i32) -> (i32, i32) {
    %c0_i32 = arith.constant 0 : i32
    %c0_i32_0 = arith.constant 0 : i32
    %c0_i32_1 = arith.constant 0 : i32
    return %c0_i32, %c0_i32_0 : i32, i32
  }
  func.func @transform_5(%arg0: i32) -> (i32, i32) {
    %c0_i32 = arith.constant 0 : i32
    %c0_i32_0 = arith.constant 0 : i32
    return %arg0, %c0_i32 : i32, i32
  }
}

module attributes {stable_mosaic.version = 14 : i64} {
  func.func @body(%arg0: i32, %arg1: memref<2x2000x128xf32, #tpu.memory_space<vmem>>, %arg2: memref<2000x128xf32, #tpu.memory_space<vmem>>, %arg3: memref<2000x1xf32, #tpu.memory_space<vmem>>, %arg4: memref<1x128xf32, #tpu.memory_space<vmem>>, %arg5: memref<2000x1xi32, #tpu.memory_space<vmem>>, %arg6: memref<128x64xf32, #tpu.memory_space<vmem>>, %arg7: memref<1x64xf32, #tpu.memory_space<vmem>>, %arg8: memref<64x10xf32, #tpu.memory_space<vmem>>, %arg9: memref<1x10xf32, #tpu.memory_space<vmem>>, %arg10: memref<64x10xf32, #tpu.memory_space<vmem>>, %arg11: memref<64x128xf32, #tpu.memory_space<vmem>>, %arg12: memref<64x128xf32, #tpu.memory_space<vmem>>) attributes {dimension_semantics = [#tpu.dimension_semantics<arbitrary>], iteration_bounds = array<i64: 5>, scalar_prefetch = 0 : i64, scratch_operands = 2 : i64, tpu.core_type = #tpu.core_type<tc>, window_params = [{transform_indices = @transform_0, window_bounds = array<i64: 2, 2000, 128>}, {transform_indices = @transform_1, window_bounds = array<i64: 2000, 128>}, {transform_indices = @transform_2, window_bounds = array<i64: 2000, 1>}, {pipeline_mode = #tpu.pipeline_mode<synchronous>, transform_indices = @transform_3, window_bounds = array<i64: 1, 128>}, {transform_indices = @transform_4, window_bounds = array<i64: 2000, 1>}, {pipeline_mode = #tpu.pipeline_mode<synchronous>, transform_indices = @transform_5, window_bounds = array<i64: 128, 64>}, {pipeline_mode = #tpu.pipeline_mode<synchronous>, transform_indices = @transform_6, window_bounds = array<i64: 1, 64>}, {pipeline_mode = #tpu.pipeline_mode<synchronous>, transform_indices = @transform_7, window_bounds = array<i64: 64, 10>}, {pipeline_mode = #tpu.pipeline_mode<synchronous>, transform_indices = @transform_8, window_bounds = array<i64: 1, 10>}, {pipeline_mode = #tpu.pipeline_mode<synchronous>, transform_indices = @transform_9, window_bounds = array<i64: 64, 10>}]} {
    %eq3A = arith.constant 0 : i32
    %eq3A_0 = arith.cmpi eq, %arg0, %eq3A : i32
    %convert_element_type3A = arith.extui %eq3A_0 : i1 to i32
    %cond3A = arith.constant 0 : i32
    %cond3A_1 = arith.cmpi ne, %convert_element_type3A, %cond3A : i32
    scf.if %cond3A_1 {
      %broadcast_in_dim3A_56 = arith.constant 0.000000e+00 : f32
      %broadcast_in_dim3A_57 = vector.broadcast %broadcast_in_dim3A_56 : f32 to vector<64x128xf32>
      %swap3A_58 = arith.constant 0 : index
      %swap3A_59 = arith.constant 0 : index
      %swap3A_60 = vector.load %arg11[%swap3A_58, %swap3A_59] : memref<64x128xf32, #tpu.memory_space<vmem>>, vector<64x128xf32>
      tpu.vector_store %arg11[%swap3A_58, %swap3A_59], %broadcast_in_dim3A_57 {strides = array<i32>} : memref<64x128xf32, #tpu.memory_space<vmem>>, vector<64x128xf32>,
      %broadcast_in_dim3A_61 = arith.constant 0.000000e+00 : f32
      %broadcast_in_dim3A_62 = vector.broadcast %broadcast_in_dim3A_61 : f32 to vector<64x128xf32>
      %swap3A_63 = arith.constant 0 : index
      %swap3A_64 = arith.constant 0 : index
      %swap3A_65 = vector.load %arg12[%swap3A_63, %swap3A_64] : memref<64x128xf32, #tpu.memory_space<vmem>>, vector<64x128xf32>
      tpu.vector_store %arg12[%swap3A_63, %swap3A_64], %broadcast_in_dim3A_62 {strides = array<i32>} : memref<64x128xf32, #tpu.memory_space<vmem>>, vector<64x128xf32>,
    } else {
    }
    %get3A = arith.constant 0 : index
    %get3A_2 = arith.constant 0 : index
    %get3A_3 = vector.load %arg3[%get3A, %get3A_2] : memref<2000x1xf32, #tpu.memory_space<vmem>>, vector<2000x1xf32>
    %get3A_4 = arith.constant 0 : index
    %get3A_5 = arith.constant 0 : index
    %get3A_6 = arith.constant 0 : index
    %get3A_7 = vector.load %arg1[%get3A_4, %get3A_5, %get3A_6] : memref<2x2000x128xf32, #tpu.memory_space<vmem>>, vector<1x2000x128xf32>
    %get3A_8 = vector.shape_cast %get3A_7 : vector<1x2000x128xf32> to vector<2000x128xf32>
    %get3A_9 = arith.constant 1 : index
    %get3A_10 = arith.constant 0 : index
    %get3A_11 = arith.constant 0 : index
    %get3A_12 = vector.load %arg1[%get3A_9, %get3A_10, %get3A_11] : memref<2x2000x128xf32, #tpu.memory_space<vmem>>, vector<1x2000x128xf32>
    %get3A_13 = vector.shape_cast %get3A_12 : vector<1x2000x128xf32> to vector<2000x128xf32>
    %add3A = arith.addf %get3A_8, %get3A_13 : vector<2000x128xf32>
    %get3A_14 = arith.constant 0 : index
    %get3A_15 = arith.constant 0 : index
    %get3A_16 = vector.load %arg2[%get3A_14, %get3A_15] : memref<2000x128xf32, #tpu.memory_space<vmem>>, vector<2000x128xf32>
    %add3A_17 = arith.addf %add3A, %get3A_16 : vector<2000x128xf32>
    %mul3A = vector.broadcast %get3A_3 : vector<2000x1xf32> to vector<2000x128xf32>
    %mul3A_18 = arith.mulf %mul3A, %add3A_17 : vector<2000x128xf32>
    %get3A_19 = arith.constant 0 : index
    %get3A_20 = arith.constant 0 : index
    %get3A_21 = vector.load %arg4[%get3A_19, %get3A_20] : memref<1x128xf32, #tpu.memory_space<vmem>>, vector<1x128xf32>
    %add3A_22 = vector.broadcast %get3A_21 : vector<1x128xf32> to vector<2000x128xf32>
    %add3A_23 = arith.addf %mul3A_18, %add3A_22 : vector<2000x128xf32>
    %max3A = arith.constant 0.000000e+00 : f32
    %max3A_24 = vector.broadcast %max3A : f32 to vector<2000x128xf32>
    %max3A_25 = arith.maximumf %add3A_23, %max3A_24 : vector<2000x128xf32>
    %iota3A = tpu.iota {dimensions = array<i32: 1>} : vector<1x64xi32>
    %get3A_26 = arith.constant 0 : index
    %get3A_27 = arith.constant 0 : index
    %get3A_28 = vector.load %arg5[%get3A_26, %get3A_27] : memref<2000x1xi32, #tpu.memory_space<vmem>>, vector<2000x1xi32>
    %eq3A_29 = vector.broadcast %get3A_28 : vector<2000x1xi32> to vector<2000x64xi32>
    %eq3A_30 = vector.broadcast %iota3A : vector<1x64xi32> to vector<2000x64xi32>
    %eq3A_31 = arith.cmpi eq, %eq3A_29, %eq3A_30 : vector<2000x64xi32>
    %convert_element_type3A_32 = arith.extui %eq3A_31 : vector<2000x64xi1> to vector<2000x64xi32>
    %convert_element_type3A_33 = arith.sitofp %convert_element_type3A_32 : vector<2000x64xi32> to vector<2000x64xf32>
    %get3A_34 = arith.constant 0 : index
    %get3A_35 = arith.constant 0 : index
    %get3A_36 = vector.load %arg11[%get3A_34, %get3A_35] : memref<64x128xf32, #tpu.memory_space<vmem>>, vector<64x128xf32>
    %dot_general3A = arith.constant dense<0.000000e+00> : vector<64x128xf32>
    %dot_general3A_37 = tpu.matmul %convert_element_type3A_33, %max3A_25, %dot_general3A {dimension_numbers = #tpu.dot_dimension_numbers<[0], [0], [1], [1], [0, 1, 1, 1], [], []>, transpose_lhs_hint = false} : vector<2000x64xf32>, vector<2000x128xf32>, vector<64x128xf32> -> vector<64x128xf32>
    %add3A_38 = arith.addf %get3A_36, %dot_general3A_37 : vector<64x128xf32>
    %swap3A = arith.constant 0 : index
    %swap3A_39 = arith.constant 0 : index
    %swap3A_40 = vector.load %arg11[%swap3A, %swap3A_39] : memref<64x128xf32, #tpu.memory_space<vmem>>, vector<64x128xf32>
    tpu.vector_store %arg11[%swap3A, %swap3A_39], %add3A_38 {strides = array<i32>} : memref<64x128xf32, #tpu.memory_space<vmem>>, vector<64x128xf32>,
    %get3A_41 = arith.constant 0 : index
    %get3A_42 = arith.constant 0 : index
    %get3A_43 = vector.load %arg12[%get3A_41, %get3A_42] : memref<64x128xf32, #tpu.memory_space<vmem>>, vector<64x128xf32>
    %broadcast_in_dim3A = arith.constant 1.000000e+00 : f32
    %broadcast_in_dim3A_44 = vector.broadcast %broadcast_in_dim3A : f32 to vector<2000x128xf32>
    %dot_general3A_45 = arith.constant dense<0.000000e+00> : vector<64x128xf32>
    %dot_general3A_46 = tpu.matmul %convert_element_type3A_33, %broadcast_in_dim3A_44, %dot_general3A_45 {dimension_numbers = #tpu.dot_dimension_numbers<[0], [0], [1], [1], [0, 1, 1, 1], [], []>, transpose_lhs_hint = false} : vector<2000x64xf32>, vector<2000x128xf32>, vector<64x128xf32> -> vector<64x128xf32>
    %add3A_47 = arith.addf %get3A_43, %dot_general3A_46 : vector<64x128xf32>
    %swap3A_48 = arith.constant 0 : index
    %swap3A_49 = arith.constant 0 : index
    %swap3A_50 = vector.load %arg12[%swap3A_48, %swap3A_49] : memref<64x128xf32, #tpu.memory_space<vmem>>, vector<64x128xf32>
    tpu.vector_store %arg12[%swap3A_48, %swap3A_49], %add3A_47 {strides = array<i32>} : memref<64x128xf32, #tpu.memory_space<vmem>>, vector<64x128xf32>,
    %eq3A_51 = arith.constant 4 : i32
    %eq3A_52 = arith.cmpi eq, %arg0, %eq3A_51 : i32
    %convert_element_type3A_53 = arith.extui %eq3A_52 : i1 to i32
    %cond3A_54 = arith.constant 0 : i32
    %cond3A_55 = arith.cmpi ne, %convert_element_type3A_53, %cond3A_54 : i32
    scf.if %cond3A_55 {
      %get3A_56 = arith.constant 0 : index
      %get3A_57 = arith.constant 0 : index
      %get3A_58 = vector.load %arg11[%get3A_56, %get3A_57] : memref<64x128xf32, #tpu.memory_space<vmem>>, vector<64x128xf32>
      %get3A_59 = arith.constant 0 : index
      %get3A_60 = arith.constant 0 : index
      %get3A_61 = vector.load %arg12[%get3A_59, %get3A_60] : memref<64x128xf32, #tpu.memory_space<vmem>>, vector<64x128xf32>
      %max3A_62 = arith.constant 1.000000e+00 : f32
      %max3A_63 = vector.broadcast %max3A_62 : f32 to vector<64x128xf32>
      %max3A_64 = arith.maximumf %get3A_61, %max3A_63 : vector<64x128xf32>
      %div3A = arith.divf %get3A_58, %max3A_64 : vector<64x128xf32>
      %get3A_65 = arith.constant 0 : index
      %get3A_66 = arith.constant 0 : index
      %get3A_67 = vector.load %arg6[%get3A_65, %get3A_66] : memref<128x64xf32, #tpu.memory_space<vmem>>, vector<128x64xf32>
      %dot_general3A_68 = arith.constant dense<0.000000e+00> : vector<64x64xf32>
      %dot_general3A_69 = tpu.matmul %div3A, %get3A_67, %dot_general3A_68 {dimension_numbers = #tpu.dot_dimension_numbers<[1], [0], [0], [1], [0, 0, 1, 1], [], []>, transpose_lhs_hint = false} : vector<64x128xf32>, vector<128x64xf32>, vector<64x64xf32> -> vector<64x64xf32>
      %get3A_70 = arith.constant 0 : index
      %get3A_71 = arith.constant 0 : index
      %get3A_72 = vector.load %arg7[%get3A_70, %get3A_71] : memref<1x64xf32, #tpu.memory_space<vmem>>, vector<1x64xf32>
      %add3A_73 = vector.broadcast %get3A_72 : vector<1x64xf32> to vector<64x64xf32>
      %add3A_74 = arith.addf %dot_general3A_69, %add3A_73 : vector<64x64xf32>
      %max3A_75 = arith.constant 0.000000e+00 : f32
      %max3A_76 = vector.broadcast %max3A_75 : f32 to vector<64x64xf32>
      %max3A_77 = arith.maximumf %add3A_74, %max3A_76 : vector<64x64xf32>
      %get3A_78 = arith.constant 0 : index
      %get3A_79 = arith.constant 0 : index
      %get3A_80 = vector.load %arg8[%get3A_78, %get3A_79] : memref<64x10xf32, #tpu.memory_space<vmem>>, vector<64x10xf32>
      %dot_general3A_81 = arith.constant dense<0.000000e+00> : vector<64x10xf32>
      %dot_general3A_82 = tpu.matmul %max3A_77, %get3A_80, %dot_general3A_81 {dimension_numbers = #tpu.dot_dimension_numbers<[1], [0], [0], [1], [0, 0, 1, 1], [], []>, transpose_lhs_hint = false} : vector<64x64xf32>, vector<64x10xf32>, vector<64x10xf32> -> vector<64x10xf32>
      %get3A_83 = arith.constant 0 : index
      %get3A_84 = arith.constant 0 : index
      %get3A_85 = vector.load %arg9[%get3A_83, %get3A_84] : memref<1x10xf32, #tpu.memory_space<vmem>>, vector<1x10xf32>
      %add3A_86 = vector.broadcast %get3A_85 : vector<1x10xf32> to vector<64x10xf32>
      %add3A_87 = arith.addf %dot_general3A_82, %add3A_86 : vector<64x10xf32>
      %swap3A_88 = arith.constant 0 : index
      %swap3A_89 = arith.constant 0 : index
      %swap3A_90 = vector.load %arg10[%swap3A_88, %swap3A_89] : memref<64x10xf32, #tpu.memory_space<vmem>>, vector<64x10xf32>
      tpu.vector_store %arg10[%swap3A_88, %swap3A_89], %add3A_87 {strides = array<i32>} : memref<64x10xf32, #tpu.memory_space<vmem>>, vector<64x10xf32>,
    } else {
    }
    return
  }
  func.func @transform_0(%arg0: i32) -> (i32, i32, i32) {
    %c0_i32 = arith.constant 0 : i32
    %c0_i32_0 = arith.constant 0 : i32
    %c0_i32_1 = arith.constant 0 : i32
    return %c0_i32, %arg0, %c0_i32_0 : i32, i32, i32
  }
  func.func @transform_1(%arg0: i32) -> (i32, i32) {
    %c0_i32 = arith.constant 0 : i32
    %c0_i32_0 = arith.constant 0 : i32
    return %arg0, %c0_i32 : i32, i32
  }
  func.func @transform_2(%arg0: i32) -> (i32, i32) {
    %c0_i32 = arith.constant 0 : i32
    %c0_i32_0 = arith.constant 0 : i32
    return %arg0, %c0_i32 : i32, i32
  }
  func.func @transform_3(%arg0: i32) -> (i32, i32) {
    %c0_i32 = arith.constant 0 : i32
    %c0_i32_0 = arith.constant 0 : i32
    %c0_i32_1 = arith.constant 0 : i32
    return %c0_i32, %c0_i32_0 : i32, i32
  }
  func.func @transform_4(%arg0: i32) -> (i32, i32) {
    %c0_i32 = arith.constant 0 : i32
    %c0_i32_0 = arith.constant 0 : i32
    return %arg0, %c0_i32 : i32, i32
  }
  func.func @transform_5(%arg0: i32) -> (i32, i32) {
    %c0_i32 = arith.constant 0 : i32
    %c0_i32_0 = arith.constant 0 : i32
    %c0_i32_1 = arith.constant 0 : i32
    return %c0_i32, %c0_i32_0 : i32, i32
  }
  func.func @transform_6(%arg0: i32) -> (i32, i32) {
    %c0_i32 = arith.constant 0 : i32
    %c0_i32_0 = arith.constant 0 : i32
    %c0_i32_1 = arith.constant 0 : i32
    return %c0_i32, %c0_i32_0 : i32, i32
  }
  func.func @transform_7(%arg0: i32) -> (i32, i32) {
    %c0_i32 = arith.constant 0 : i32
    %c0_i32_0 = arith.constant 0 : i32
    %c0_i32_1 = arith.constant 0 : i32
    return %c0_i32, %c0_i32_0 : i32, i32
  }
  func.func @transform_8(%arg0: i32) -> (i32, i32) {
    %c0_i32 = arith.constant 0 : i32
    %c0_i32_0 = arith.constant 0 : i32
    %c0_i32_1 = arith.constant 0 : i32
    return %c0_i32, %c0_i32_0 : i32, i32
  }
  func.func @transform_9(%arg0: i32) -> (i32, i32) {
    %c0_i32 = arith.constant 0 : i32
    %c0_i32_0 = arith.constant 0 : i32
    %c0_i32_1 = arith.constant 0 : i32
    return %c0_i32, %c0_i32_0 : i32, i32
  }
}

</mosaic_0001>

<sc_bundles>
// kernel: kernel.11.cloned.1.call-start
scs
__scs_entry_jumppad:
0x0: {  	(pc) =	sbr.rel $0x88, $3  }
0x1: {  	(tag) =	ssettag $0x0;
	lr =	simm.s32 $0x1  }
0x2: {  	[smem:$0x3F96] =	sst lr;
	_ =	strace $0xD0000000  }
0x3: {  	_ = 	snop  }
0x4: {  	_ = 	snop  }
0x5: {  	_ = 	snop  }
0x6: {  	_ = 	snop  }
0x7: {  	_ = 	snop  }
__scs_overlays_trampoline_lowered:
0x8: {  	[smem:$0x3FA5] =	sst s0  }
0x9: {  	[smem:$0x3FA6] =	sst s1  }
0xa: {  	[smem:$0x3FA7] =	sst s2  }
0xb: {  	[smem:$0x3FA8] =	sst s3  }
0xc: {  	[smem:$0x3FA9] =	sst s4  }
0xd: {  	[smem:$0x3FAA] =	sst s5  }
0xe: {  	[smem:$0x3FAB] =	sst s6  }
0xf: {  	[smem:$0x3FAC] =	sst s7  }
0x10: {  	[smem:$0x3FAD] =	sst s8  }
0x11: {  	[smem:$0x3FAE] =	sst s9;
	s0 =	simm.s32 @!p0 $0x0  }
0x12: {  	s1 =	sld [smem:$0x3F94];
	s0 =	simm.s32 @p0 $0x1  }
0x13: {  	[smem:$0x3FAF] =	sst s0;
	s0 =	simm.s32 @!p1 $0x0  }
0x14: {  	s2 =	sld [smem:$0x3F93];
	s0 =	simm.s32 @p1 $0x1  }
0x15: {  	[smem:$0x3FB0] =	sst s0;
	s0 =	simm.s32 @!p2 $0x0  }
0x16: {  	s3 =	sld [smem:$0x3FDB];
	s0 =	simm.s32 @p2 $0x1  }
0x17: {  	s4 =	simm.s32 $0x1BF5;
	[smem:$0x3FB2] =	sst s0  }
0x18: {  	s0 =	sld [smem:$0x3F95];
	_ =	swait.ge [sflag:s4], $0x0  }
0x19: {  	s7 =	sld [smem:$0x3F96]  }
0x1a: {  	s8 =	sadd.s32 $0xFFFFE003, lr  }
0x1b: {  	s9 =	sadd.s32 $0xFFFFFEF7, lr;
	s5 =	simm.s32 $0xFFFFFFFF;
	p2 =	slt.u32 s8, $0xFFFFF086  }
0x1c: {  	p1 =	slt.u32 s9, $0xF7A;
	s5 =	simm.s32 @!p2 $0x0  }
0x1d: {  	s5 =	simm.s32 @p1 $0x1;
	p0 =	seq.s32 s7, s2  }
0x1e: {  	s7 =	smul.u32 @!p0 $0xF7A, s2;
	p2 =	seq.s32 @!p0 s5, $0x0  }
0x1f: {  	s9 =	smul.u32 $0xF7A, s1;
	s8 =	simm.s32 @!p0 $0x1BF5;
	p2 =	por !p2, p0  }
0x20: {  	[sflag:s8] =	ssyncset.s32 @!p0 $0xFFFFF086;
	s6 =	sadd.s32 @!p0 s3, s7;
	s7 =	simm.s32 @!p0 $0x108  }
0x21: {  	s3 =	sadd.s32 s3, s9;
	s6 =	sadd.s32 @!p0 $0x88, s6;
	s7 =	simm.s32 @p2 $0x1082  }
0x22: {  	[simem:s7], [sflag:s8] =	dma.local @!p0 [hbm:s6], $0xF7A  }
0x23: {  	s9 =	sor.u32 $0xD0000000, s2;
	s6 =	simm.s32 $0x108;
	_ =	swait.ge @!p0 [sflag:s8], $0x0  }
0x24: {  	s3 =	sadd.s32 $0x88, s3;
	s6 =	simm.s32 @!p1 $0x1082;
	[sflag:s4] =	ssyncset.s32 $0xFFFFF086  }
0x25: {  	[simem:s6], [sflag:s4] =	dma.local [hbm:s3], $0xF7A  }
0x26: {  	[smem:$0x3F96] =	sst s1;
	(tag) =	ssettag s2;
	_ =	strace s9  }
0x27: {  	s1 =	sld [smem:$0x3FA6]  }
0x28: {  	s2 =	sld [smem:$0x3FA7]  }
0x29: {  	s4 =	sld [smem:$0x3FA9]  }
0x2a: {  	p0 =	seq.s32 s5, $0x0;
	s5 =	sld [smem:$0x3FAA]  }
0x2b: {  	s6 =	sld [smem:$0x3FAB]  }
0x2c: {  	s7 =	sld [smem:$0x3FAC]  }
0x2d: {  	s3 =	simm.s32 $0x108;
	s8 =	sld [smem:$0x3FAD]  }
0x2e: {  	s3 =	simm.s32 @!p0 $0x1082;
	s9 =	sld [smem:$0x3FAE]  }
0x2f: {  	lr =	sadd.s32 s0, s3;
	s0 =	sld [smem:$0x3FA5]  }
0x30: {  	s3 =	sld [smem:$0x3FA8]  }
0x31: {  	[smem:$0x3FB1] =	sst s10  }
0x32: {  	s10 =	sld [smem:$0x3FAF];
	_ =	sdelay $0x3  }
0x33: {  	p0 =	seq.s32 s10, $0x1;
	s10 =	sld [smem:$0x3FB1];
	_ =	sdelay $0x3  }
0x34: {  	[smem:$0x3FB1] =	sst s10  }
0x35: {  	s10 =	sld [smem:$0x3FB0];
	_ =	sdelay $0x3  }
0x36: {  	p1 =	seq.s32 s10, $0x1;
	s10 =	sld [smem:$0x3FB1];
	_ =	sdelay $0x3  }
0x37: {  	[smem:$0x3FB1] =	sst s10  }
0x38: {  	s10 =	sld [smem:$0x3FB2]  }
0x39: {  	_ = 	snop;
	(pc) =	sbr.ind lr, $3  }
0x3a: {  	_ = 	snop  }
0x3b: {  	_ = 	snop  }
0x3c: {  	p2 =	seq.s32 s10, $0x1;
	s10 =	sld [smem:$0x3FB1]  }
0x3d: {  	_ =	shalt  }
0x3e: {  	_ =	shalt  }
0x3f: {  	_ =	shalt  }
0x40: {  	_ =	shalt  }
0x41: {  	_ =	shalt  }
0x42: {  	_ =	shalt  }
0x43: {  	_ =	shalt  }
0x44: {  	_ =	shalt  }
0x45: {  	_ =	shalt  }
0x46: {  	_ =	shalt  }
0x47: {  	_ =	shalt  }
0x48: {  	_ =	shalt  }
0x49: {  	_ =	shalt  }
0x4a: {  	_ =	shalt  }
0x4b: {  	_ =	shalt  }
0x4c: {  	_ =	shalt  }
0x4d: {  	_ =	shalt  }
0x4e: {  	_ =	shalt  }
0x4f: {  	_ =	shalt  }
0x50: {  	_ =	shalt  }
0x51: {  	_ =	shalt  }
0x52: {  	_ =	shalt  }
0x53: {  	_ =	shalt  }
0x54: {  	_ =	shalt  }
0x55: {  	_ =	shalt  }
0x56: {  	_ =	shalt  }
0x57: {  	_ =	shalt  }
0x58: {  	_ =	shalt  }
0x59: {  	_ =	shalt  }
0x5a: {  	_ =	shalt  }
0x5b: {  	_ =	shalt  }
0x5c: {  	_ =	shalt  }
0x5d: {  	_ =	shalt  }
0x5e: {  	_ =	shalt  }
0x5f: {  	_ =	shalt  }
0x60: {  	_ =	shalt  }
0x61: {  	_ =	shalt  }
0x62: {  	_ =	shalt  }
0x63: {  	_ =	shalt  }
0x64: {  	_ =	shalt  }
0x65: {  	_ =	shalt  }
0x66: {  	_ =	shalt  }
0x67: {  	_ =	shalt  }
0x68: {  	_ =	shalt  }
0x69: {  	_ =	shalt  }
0x6a: {  	_ =	shalt  }
0x6b: {  	_ =	shalt  }
0x6c: {  	_ =	shalt  }
0x6d: {  	_ =	shalt  }
0x6e: {  	_ =	shalt  }
0x6f: {  	_ =	shalt  }
0x70: {  	_ =	shalt  }
0x71: {  	_ =	shalt  }
0x72: {  	_ =	shalt  }
0x73: {  	_ =	shalt  }
0x74: {  	_ =	shalt  }
0x75: {  	_ =	shalt  }
0x76: {  	_ =	shalt  }
0x77: {  	_ =	shalt  }
0x78: {  	_ =	shalt  }
0x79: {  	_ =	shalt  }
0x7a: {  	_ =	shalt  }
0x7b: {  	_ =	shalt  }
0x7c: {  	_ =	shalt  }
0x7d: {  	_ =	shalt  }
0x7e: {  	_ =	shalt  }
0x7f: {  	_ =	shalt  }
0x80: {  	_ =	shalt  }
0x81: {  	_ =	shalt  }
0x82: {  	_ =	shalt  }
0x83: {  	_ =	shalt  }
0x84: {  	_ =	shalt  }
0x85: {  	_ =	shalt  }
0x86: {  	_ =	shalt  }
0x87: {  	_ =	shalt  }
.Lfunc_end0:
.L_simem_size_0:
called_computation.1_lowered:
.L_overlay_start_0:
0x88: {  	s2 =	sld [smem:$0x3FD9]  }
0x89: {  	s3 =	sld [smem:$0x3FFE];
	_ =	sdelay $0x1  }
0x8a: {  	s1 =	srdreg.scid  }
0x8b: {  	s0 =	sand.u32 $0x1, s1  }
0x8c: {  	s16 =	sshll.u32 s0, $0xA;
	s2 =	sadd.s32 s3, s2  }
0x8d: {  	s2 =	sadd.s32 s2, s16  }
0x8e: {  	[smem:$0x3FBD] =	sst s2  }
0x8f: {  	_ = 	snop  }
0x90: {  	(tm) =	ssettm $0x1  }
0x91: {  	s17 =	sld [smem:$0x3FFB];
	_ =	sdelay $0x3  }
0x92: {  	_ =	strace s17  }
0x93: {  	s2 =	sld [smem:$0x3FFC];
	_ =	sdelay $0x3  }
0x94: {  	_ =	strace s2  }
0x95: {  	s2 =	sld [smem:$0x3FFD];
	_ =	sdelay $0x3  }
0x96: {  	_ =	strace s2  }
0x97: {  	_ =	strace $0x8FFFFFFF  }
0x98: {  	s18 =	sld [smem:$0x3FDB];
	_ =	sdelay $0x1  }
0x99: {  	s19 =	simm.s32 $_scs_section_size  }
0x9a: {  	s4 =	simm.s32 $_size__tile_overlayer_lowered;
	s5 =	simm.s32 $_tile_overlayer_lowered  }
0x9b: {  	s22 =	simm.s32 $0x1BFF;
	s21 =	sshll.u32 s5, $0x1;
	s2 =	sadd.s32 s19, s18  }
0x9c: {  	s6 =	simm.s32 $0x0;
	s20 =	sshll.u32 s4, $0x1;
	s4 =	sadd.s32 s21, s2  }
0x9d: {  	[timem:s6], [sflag:s22] =	dma.local [hbm:s4], s20  }
0x9e: {  	_ =	swait.ge [sflag:s22], s20  }
0x9f: {  	s3 =	ssub.s32 $0x0, s20;
	[sflag:s22] =	ssyncset.done $0x0  }
0xa0: {  	[sflag:s22] =	ssyncadd.s32 s3;
	_ =	sdelay $0x1  }
0xa1: {  	s23 =	simm.s32 $0x1B8B  }
0xa2: {  	_ =	swait.ge [sflag:s23], $0x1  }
0xa3: {  	[sflag:s23] =	ssyncset.done $0x0  }
0xa4: {  	s25 =	simm.s32 $0x1B8E;
	s24 =	sld [smem:$0x3FFE];
	[sflag:s23] =	ssyncadd.s32 $0xFFFFFFFF  }
0xa5: {  	s26 =	simm.s32 $execute0_lowered;
	[smem:$0x3FD2] =	sst s25  }
0xa6: {  	s4 =	sshll.u32 s26, $0x1;
	_ =	strace $0x80000049;
	[dreg:$0x1] =	wrdreg $0xFFFFFFFF  }
0xa7: {  	s28 =	simm.s32 $_size_execute0_lowered;
	s2 =	sadd.s32 s2, s4;
	[dreg:$0x0] =	wrdreg $0x0  }
0xa8: {  	s4 =	sshll.u32 s28, $0x1;
	[dreg:$0x2] =	wrdreg s2  }
0xa9: {  	[dreg:$0x3] =	wrdreg s4  }
0xaa: {  	[dreg:$0x4] =	wrdreg $0xC0  }
0xab: {  	_ =	task [dreg:s6], $0x5FFFF  }
0xac: {  	[dreg:$0x1] =	wrdreg $0xFFFFFFFF  }
0xad: {  	[dreg:$0x0] =	wrdreg $0x60  }
0xae: {  	[dreg:$0x2] =	wrdreg s24  }
0xaf: {  	[dreg:$0x3] =	wrdreg $0x0  }
0xb0: {  	[dreg:$0x4] =	wrdreg $0x9  }
0xb1: {  	_ =	task.clear_ibuf [dreg:s6], $0x5FFFF;
	_ =	strace $0x90000049  }
0xb2: {  	s29 =	simm.s32 $0x9;
	_ =	strace $0x8000004B  }
0xb3: {  	_ =	swait.ge [sflag:s29], $0x1  }
0xb4: {  	[sflag:s29] =	ssyncadd.s32 $0xFFFFFFFF  }
0xb5: {  	_ =	strace $0x9000004B  }
0xb6: {  	_ =	sfence  }
0xb7: {  	s30 =	sld [smem:$0x0];
	_ =	sdelay $0x2  }
0xb8: {  	s31 =	sshll.u32 s1, $0xD;
	s1 =	sshrl.u32 s1, $0x2  }
0xb9: {  	s3 =	sand.u32 $0x4000, s31;
	s1 =	sadd.s32 s1, s30  }
0xba: {  	s0 =	sor.u32 s3, s0;
	s1 =	sshll.u32 s1, $0x11  }
0xbb: {  	s0 =	sor.u32 s1, s0  }
0xbc: {  	s0 =	sadd.s32 $0x8F2B, s0  }
0xbd: {  	[sflag:s0] =	ssyncadd.remote.s32 $0x1  }
0xbe: {  	_ =	sfence.sel $0xFFFF  }
0xbf: {  	[dreg:$0x0] =	wrdreg $0xFFFFFFFF;
	(pc) =	sbr.abs _section_cstart, $3  }
0xc0: {  	[dreg:$0x1] =	wrdreg $0xFFFFFFFF  }
0xc1: {  	_ =	task.clear_ibuf [dreg:s6], $0x2FFFF;
	_ =	strace $0x9FFFFFFF  }
0xc2: {  	(tm) =	ssettm $0x7FFFFFFF  }
0xc3: {  	_ =	shalt  }
tec
execute0_lowered:
.L_overlay_start_1:
0x0: {  	(tag) =	ssettag $0x1  }
0x1: {  	s8 =	rddreg [dreg:$0x0]  }
0x2: {  	s1 =	rddreg [dreg:$0x1]  }
0x3: {  	s0 =	rddreg [dreg:$0x2]  }
0x4: {  	s2 =	simm.s32 $0x0;
	s4 =	srdreg.scid;
	s18 =	simm.s32 $0x80  }
0x5: {  	s19 =	simm.s32 $0x13980;
	s20 =	simm.s32 $0x17980;
	s21 =	simm.s32 $0x0  }
0x6: {  	[smem:$0x7FF] =	sst s2;
	s3 =	sadd.s32 $0x16400, s8;
	s12 =	sand.u32 $0x1, s4  }
0x7: {  	s5 =	sadd.s32 $0x2800, s8;
	s6 =	sadd.s32 $0xC600, s8;
	s7 =	sadd.s32 $0x3D600, s8  }
0x8: {  	s4 =	stileid.u32;
	_ =	strace $0x8000004A;
	s9 =	smul.u32 $0x27100, s12  }
0x9: {  	s10 =	ssub.s32 $0x2, s12;
	p0 =	slt.u32 s4, $0xD;
	s16 =	smul.u32 $0xA000, s4  }
0xa: {  	s11 =	sshll.u32 s4, $0x5;
	s14 =	sshll.u32 s12, $0x4;
	s28 =	smul.u32 $0x500, s4  }
0xb: {  	s30 =	sshll.u32 s4, $0x8;
	s17 =	sshll.u32 s12, $0x7;
	s25 =	sshrl.u32 s10, $0x1  }
0xc: {  	s26 =	sor.u32 s14, s11;
	s14 =	simm.s32 $0x4E;
	s31 =	sor.u32 s17, s30  }
0xd: {  	s17 =	simm.s32 $0x13900;
	s13 =	sadd.s32 s9, s8;
	s8 =	simm.s32 $0x8  }
0xe: {  	s15 =	ssub.s32 s10, s25;
	s9 =	sadd.s32 s5, s26;
	s10 =	sadd.s32 s6, s26  }
0xf: {  	s29 =	sshrl.u32 s16, $0x2;
	s8 =	simm.s32 @!p0 $0x7;
	p0 =	slt.u32 s4, $0x2  }
0x10: {  	s16 =	simm.s32 $0x3;
	s11 =	smax.u32 s15, $0x1;
	s14 =	simm.s32 @!p0 $0x4D  }
0x11: {  	s12 =	sadd.s32 s29, s1;
	[dreg:$0x3] =	wrdreg s14;
	s14 =	sadd.s32 s28, s13  }
0x12: {  	s15 =	simm.s32 $0x13880;
	s13 =	sor.u32 $0x1000, s31;
	s14 =	sadd.s32 $0x3DC00, s14  }
.LBB2_1:
0x13: {  	[tilespmem:s15], [sflag:$0x3] =	stream.linear.gather [hbm4b:s9+s2], $0x80, $0x38;
	[tilespmem:$0x1E280] =	vst v63  }
0x14: {  	_ =	swait.ge [sflag:s16], $0x80  }
0x15: {  	[sflag:s16] =	ssyncset.done $0x0  }
0x16: {  	[sflag:s16] =	ssyncadd.s32 $0xFFFFFF80  }
0x17: {  	[tilespmem:s17], [sflag:$0x3] =	stream.linear.gather [hbm4b:s10+s2], $0x80, $0x38;
	[tilespmem:$0x1E280] =	vst v63  }
0x18: {  	_ =	swait.ge [sflag:s16], $0x80  }
0x19: {  	[sflag:s16] =	ssyncset.done $0x0  }
0x1a: {  	[sflag:s16] =	ssyncadd.s32 $0xFFFFFF80  }
0x1b: {  	[tilespmem:s19], [sflag:$0x1] =	stream.indirect.gather [hbm4b:s3+s18], $0x80, s15, s18, $0xb8;
	[tilespmem:$0x1E280] =	vst v63  }
0x1c: {  	_ = 	snop  }
0x1d: {  	[tilespmem:s20], [sflag:$0x3] =	stream.linear.gather [hbm4b:s7+s2], $0x2800, $0x38;
	[tilespmem:$0x1E280] =	vst v63  }
0x1e: {  	p0 =	sne.s32 s8, $0x1;
	_ =	swait.ge [sflag:s16], $0x2800  }
.Ltmp0:
0x1f: {  	[sflag:s16] =	ssyncset.done $0x0;
	(pc) =	sbr.rel @!p0 .LBB2_3-.Ltmp0, $4  }
0x20: {  	[sflag:s16] =	ssyncadd.s32 $0xFFFFD800  }
0x21: {  	[spmem:s12] =	stream.linear.scatter [tilespmem:s20], [sflag:$0x3], $0x2800, $0x38;
	[tilespmem:$0x1E280] =	vst v63  }
0x22: {  	_ =	swait.ge [sflag:s16], $0x2800  }
0x23: {  	s22 =	sadd.s32 $0xFFFFFFFF, s8;
	s23 =	smov.u32 s12;
	[sflag:s16] =	ssyncset.done $0x0  }
.LBB2_2:
0x24: {  	p1 =	sne.s32 s22, $0x1;
	[sflag:s16] =	ssyncadd.s32 $0xFFFFD800;
	s23 =	sadd.s32 $0x28000, s23  }
.Ltmp1:
0x25: {  	s22 =	sadd.s32 $0xFFFFFFFF, s22;
	(pc) =	sbr.rel @p1 .LBB2_2-.Ltmp1, $4  }
0x26: {  	_ = 	snop  }
0x27: {  	[spmem:s23] =	stream.linear.scatter [tilespmem:s20], [sflag:$0x3], $0x2800, $0x38;
	[tilespmem:$0x1E280] =	vst v63  }
0x28: {  	_ =	swait.ge [sflag:s16], $0x2800  }
0x29: {  	[sflag:s16] =	ssyncset.done $0x0  }
.LBB2_3:
0x2a: {  	s22 =	simm.s32 $0x1  }
0x2b: {  	s23 =	sand.u32 $0x1, s22  }
0x2c: {  	[sflag:s16] =	ssyncadd.s32 $0xFFFFD800;
	p1 =	seq.s32 s23, $0x0  }
0x2d: {  	[bflag:$0x0] =	sbarrier.arrive $0xFFFF;
	s23 =	sshrl.u32 @!p1 s13, $0x3;
	s24 =	simm.s32 @!p1 $0x0  }
0x2e: {  	s26 =	simm.s32 @!p1 $0x1A180;
	s28 =	simm.s32 @!p1 $0x4;
	s25 =	sadd.s32 @!p1 s5, s23  }
0x2f: {  	[tilespmem:s26], [sflag:$0x4] =	stream.linear.gather @!p1 [hbm4b:s25+s24], $0x80, $0x38;
	[tilespmem:$0x1E280] =	vst v63  }
0x30: {  	_ =	swait.ge @!p1 [sflag:s28], $0x80  }
0x31: {  	[sflag:s28] =	ssyncset.done @!p1 $0x0  }
0x32: {  	s23 =	sadd.s32 @!p1 s6, s23;
	s25 =	simm.s32 @!p1 $0x1A200;
	[sflag:s28] =	ssyncadd.s32 @!p1 $0xFFFFFF80  }
0x33: {  	[tilespmem:s25], [sflag:$0x4] =	stream.linear.gather @!p1 [hbm4b:s23+s24], $0x80, $0x38;
	[tilespmem:$0x1E280] =	vst v63  }
0x34: {  	s30 =	simm.s32 $0x0;
	_ =	swait.ge @!p1 [sflag:s28], $0x80  }
0x35: {  	s24 =	simm.s32 @!p1 $0x1A280;
	s23 =	sand.u32 $0x1, s30;
	[sflag:s28] =	ssyncset.done @!p1 $0x0  }
0x36: {  	s25 =	simm.s32 @!p1 $0x80;
	p2 =	seq.s32 s23, $0x0;
	[sflag:s28] =	ssyncadd.s32 @!p1 $0xFFFFFF80  }
0x37: {  	[tilespmem:s24], [sflag:$0x2] =	stream.indirect.gather @!p1 [hbm4b:s3+s25], $0x80, s26, s25, $0xb8;
	[tilespmem:$0x1E280] =	vst v63  }
0x38: {  	s29 =	simm.s32 @!p2 $0x13880;
	s24 =	sshrl.u32 @!p2 s13, $0x3  }
0x39: {  	s28 =	simm.s32 @!p2 $0x0;
	s25 =	simm.s32 @!p2 $0x4;
	s26 =	sadd.s32 @!p2 s5, s24  }
0x3a: {  	[tilespmem:s29], [sflag:$0x4] =	stream.linear.gather @!p2 [hbm4b:s26+s28], $0x80, $0x38;
	[tilespmem:$0x1E280] =	vst v63  }
0x3b: {  	_ =	swait.ge @!p2 [sflag:s25], $0x80  }
0x3c: {  	[sflag:s25] =	ssyncset.done @!p2 $0x0  }
0x3d: {  	s24 =	sadd.s32 @!p2 s6, s24;
	s26 =	simm.s32 @!p2 $0x13900;
	[sflag:s25] =	ssyncadd.s32 @!p2 $0xFFFFFF80  }
0x3e: {  	[tilespmem:s26], [sflag:$0x4] =	stream.linear.gather @!p2 [hbm4b:s24+s28], $0x80, $0x38;
	[tilespmem:$0x1E280] =	vst v63  }
0x3f: {  	_ =	swait.ge @!p2 [sflag:s25], $0x80  }
0x40: {  	p1 =	seq.s32 s23, $0x1;
	s24 =	simm.s32 @!p2 $0x13980;
	[sflag:s25] =	ssyncset.done @!p2 $0x0  }
0x41: {  	s26 =	simm.s32 @p1 $0x2;
	[sflag:s25] =	ssyncadd.s32 @!p2 $0xFFFFFF80;
	s25 =	simm.s32 @!p2 $0x80  }
0x42: {  	[tilespmem:s24], [sflag:$0x1] =	stream.indirect.gather @!p2 [hbm4b:s3+s25], $0x80, s29, s25, $0xb8;
	[tilespmem:$0x1E280] =	vst v63  }
0x43: {  	_ =	swait.ge @p1 [sflag:s26], $0x4000  }
0x44: {  	s28 =	simm.s32 @p1 $0x1A200;
	s24 =	simm.s32 @p1 $0x1A280;
	[sflag:s26] =	ssyncset.done @p1 $0x0  }
0x45: {  	s25 =	simm.s32 @!p1 $0x1;
	[sflag:s26] =	ssyncadd.s32 @p1 $0xFFFFC000;
	s26 =	simm.s32 @p1 $0x80  }
0x46: {  	[spmem:s1] =	stream.indirect.scatter.add.f32 @p1 [tilespmem:s24], [sflag:$0x3], $0x80, s28, s26, $0xb8;
	[tilespmem:$0x1E280] =	vst v63  }
0x47: {  	s24 =	simm.s32 @!p1 $0x4;
	_ =	swait.ge @!p1 [sflag:s25], $0x4000  }
0x48: {  	s26 =	simm.s32 @!p1 $0x13980;
	s28 =	simm.s32 @!p1 $0x13900;
	[sflag:s25] =	ssyncset.done @!p1 $0x0  }
0x49: {  	s24 =	simm.s32 @p1 $0x3;
	[sflag:s25] =	ssyncadd.s32 @!p1 $0xFFFFC000;
	s25 =	simm.s32 @!p1 $0x80  }
0x4a: {  	[spmem:s1] =	stream.indirect.scatter.add.f32 @!p1 [tilespmem:s26], [sflag:$0x4], $0x80, s28, s25, $0xb8;
	[tilespmem:$0x1E280] =	vst v63  }
0x4b: {  	_ =	swait.ge [sflag:s24], $0x4000  }
0x4c: {  	s31 =	rddreg [dreg:$0x3]  }
0x4d: {  	p1 =	sne.s32 s31, $0x1  }
.Ltmp2:
0x4e: {  	_ = 	snop;
	(pc) =	sbr.rel @!p1 .LBB2_5-.Ltmp2, $3  }
0x4f: {  	_ =	sdelay $0x1  }
0x50: {  	[sflag:s24] =	ssyncset.done $0x0  }
0x51: {  	[sflag:s24] =	ssyncadd.s32 $0xFFFFC000;
	s24 =	smov.u32 s13  }
.LBB2_4:
0x52: {  	s23 =	smov.u32 s22;
	s22 =	sadd.s32 $0x1, s22  }
0x53: {  	s25 =	sand.u32 $0x1, s22  }
0x54: {  	s24 =	sadd.s32 $0x1000, s24;
	p2 =	seq.s32 s25, $0x0  }
0x55: {  	s25 =	sshrl.u32 @!p2 s24, $0x3;
	s26 =	simm.s32 @!p2 $0x0  }
0x56: {  	s29 =	simm.s32 @!p2 $0x1A180;
	s30 =	simm.s32 @!p2 $0x4;
	s28 =	sadd.s32 @!p2 s5, s25  }
0x57: {  	[tilespmem:s29], [sflag:$0x4] =	stream.linear.gather @!p2 [hbm4b:s28+s26], $0x80, $0x38;
	[tilespmem:$0x1E280] =	vst v63  }
0x58: {  	_ =	swait.ge @!p2 [sflag:s30], $0x80  }
0x59: {  	[sflag:s30] =	ssyncset.done @!p2 $0x0  }
0x5a: {  	s25 =	sadd.s32 @!p2 s6, s25;
	s28 =	simm.s32 @!p2 $0x1A200;
	[sflag:s30] =	ssyncadd.s32 @!p2 $0xFFFFFF80  }
0x5b: {  	[tilespmem:s28], [sflag:$0x4] =	stream.linear.gather @!p2 [hbm4b:s25+s26], $0x80, $0x38;
	[tilespmem:$0x1E280] =	vst v63  }
0x5c: {  	s23 =	sand.u32 $0x1, s23;
	_ =	swait.ge @!p2 [sflag:s30], $0x80  }
0x5d: {  	p1 =	seq.s32 s23, $0x0;
	[sflag:s30] =	ssyncset.done @!p2 $0x0  }
0x5e: {  	s25 =	simm.s32 @!p2 $0x1A280;
	s26 =	simm.s32 @!p2 $0x80;
	[sflag:s30] =	ssyncadd.s32 @!p2 $0xFFFFFF80  }
0x5f: {  	[tilespmem:s25], [sflag:$0x2] =	stream.indirect.gather @!p2 [hbm4b:s3+s26], $0x80, s29, s26, $0xb8;
	[tilespmem:$0x1E280] =	vst v63  }
0x60: {  	s30 =	simm.s32 @!p1 $0x13880;
	s25 =	sshrl.u32 @!p1 s24, $0x3  }
0x61: {  	s26 =	simm.s32 @!p1 $0x4;
	s29 =	simm.s32 @!p1 $0x0;
	s28 =	sadd.s32 @!p1 s5, s25  }
0x62: {  	[tilespmem:s30], [sflag:$0x4] =	stream.linear.gather @!p1 [hbm4b:s28+s29], $0x80, $0x38;
	[tilespmem:$0x1E280] =	vst v63  }
0x63: {  	_ =	swait.ge @!p1 [sflag:s26], $0x80  }
0x64: {  	[sflag:s26] =	ssyncset.done @!p1 $0x0  }
0x65: {  	s25 =	sadd.s32 @!p1 s6, s25;
	s28 =	simm.s32 @!p1 $0x13900;
	[sflag:s26] =	ssyncadd.s32 @!p1 $0xFFFFFF80  }
0x66: {  	[tilespmem:s28], [sflag:$0x4] =	stream.linear.gather @!p1 [hbm4b:s25+s29], $0x80, $0x38;
	[tilespmem:$0x1E280] =	vst v63  }
0x67: {  	_ =	swait.ge @!p1 [sflag:s26], $0x80  }
0x68: {  	p2 =	seq.s32 s23, $0x1;
	s25 =	simm.s32 @!p1 $0x13980;
	[sflag:s26] =	ssyncset.done @!p1 $0x0  }
0x69: {  	s28 =	simm.s32 @p2 $0x2;
	[sflag:s26] =	ssyncadd.s32 @!p1 $0xFFFFFF80;
	s26 =	simm.s32 @!p1 $0x80  }
0x6a: {  	[tilespmem:s25], [sflag:$0x1] =	stream.indirect.gather @!p1 [hbm4b:s3+s26], $0x80, s30, s26, $0xb8;
	[tilespmem:$0x1E280] =	vst v63  }
0x6b: {  	_ =	swait.ge @p2 [sflag:s28], $0x4000  }
0x6c: {  	s29 =	simm.s32 @!p2 $0x1;
	s26 =	simm.s32 @p2 $0x1A280;
	[sflag:s28] =	ssyncset.done @p2 $0x0  }
0x6d: {  	s30 =	simm.s32 @p2 $0x1A200;
	[sflag:s28] =	ssyncadd.s32 @p2 $0xFFFFC000;
	s28 =	simm.s32 @p2 $0x80  }
0x6e: {  	[spmem:s1] =	stream.indirect.scatter.add.f32 @p2 [tilespmem:s26], [sflag:$0x3], $0x80, s30, s28, $0xb8;
	[tilespmem:$0x1E280] =	vst v63  }
0x6f: {  	s25 =	simm.s32 @!p2 $0x4;
	_ =	swait.ge @!p2 [sflag:s29], $0x4000  }
0x70: {  	s25 =	simm.s32 @p2 $0x3;
	s26 =	simm.s32 @!p2 $0x13980;
	[sflag:s29] =	ssyncset.done @!p2 $0x0  }
0x71: {  	s28 =	simm.s32 @!p2 $0x80;
	[sflag:s29] =	ssyncadd.s32 @!p2 $0xFFFFC000;
	s29 =	simm.s32 @!p2 $0x13900  }
0x72: {  	[spmem:s1] =	stream.indirect.scatter.add.f32 @!p2 [tilespmem:s26], [sflag:$0x4], $0x80, s29, s28, $0xb8;
	[tilespmem:$0x1E280] =	vst v63  }
0x73: {  	_ =	swait.ge [sflag:s25], $0x4000  }
0x74: {  	s31 =	rddreg [dreg:$0x3]  }
0x75: {  	p1 =	sne.s32 s31, s22  }
.Ltmp3:
0x76: {  	_ = 	snop;
	(pc) =	sbr.rel @p1 .LBB2_4-.Ltmp3, $3  }
0x77: {  	_ =	sdelay $0x1  }
0x78: {  	[sflag:s25] =	ssyncset.done $0x0  }
0x79: {  	[sflag:s25] =	ssyncadd.s32 $0xFFFFC000  }
.LBB2_5:
0x7a: {  	p1 =	sne.s32 s23, $0x0  }
0x7b: {  	s22 =	simm.s32 @p1 $0x1  }
0x7c: {  	_ =	swait.ge @p1 [sflag:s22], $0x4000  }
0x7d: {  	s23 =	simm.s32 @p1 $0x13900;
	[sflag:s22] =	ssyncset.done @p1 $0x0  }
0x7e: {  	s24 =	simm.s32 @p1 $0x13980;
	[sflag:s22] =	ssyncadd.s32 @p1 $0xFFFFC000;
	s22 =	simm.s32 @p1 $0x80  }
0x7f: {  	[spmem:s1] =	stream.indirect.scatter.add.f32 @p1 [tilespmem:s24], [sflag:$0x4], $0x80, s23, s22, $0xb8;
	[tilespmem:$0x1E280] =	vst v63  }
0x80: {  	s22 =	simm.s32 @!p1 $0x2  }
0x81: {  	_ =	swait.ge @!p1 [sflag:s22], $0x4000  }
0x82: {  	s23 =	simm.s32 @!p1 $0x1A200;
	[sflag:s22] =	ssyncset.done @!p1 $0x0  }
0x83: {  	s24 =	simm.s32 @!p1 $0x1A280;
	[sflag:s22] =	ssyncadd.s32 @!p1 $0xFFFFC000;
	s22 =	simm.s32 @!p1 $0x80  }
0x84: {  	[spmem:s1] =	stream.indirect.scatter.add.f32 @!p1 [tilespmem:s24], [sflag:$0x3], $0x80, s23, s22, $0xb8;
	[tilespmem:$0x1E280] =	vst v63  }
0x85: {  	s22 =	simm.s32 @!p1 $0x3  }
0x86: {  	s22 =	simm.s32 @p1 $0x4  }
0x87: {  	_ =	swait.ge [sflag:s22], $0x4000  }
0x88: {  	[sflag:s22] =	ssyncset.done $0x0  }
0x89: {  	[sflag:s22] =	ssyncadd.s32 $0xFFFFC000  }
0x8a: {  	[bflag:$0x0] =	sbarrier.arrive $0xFFFF  }
0x8b: {  	[tilespmem:s20], [sflag:$0x3] =	stream.linear.gather [spmem:s12], $0x2800, $0x38;
	[tilespmem:$0x1E280] =	vst v63  }
0x8c: {  	_ =	swait.ge [sflag:s16], $0x2800  }
.Ltmp4:
0x8d: {  	[sflag:s16] =	ssyncset.done $0x0;
	(pc) =	sbr.rel @!p0 .LBB2_7-.Ltmp4, $4  }
0x8e: {  	[sflag:s16] =	ssyncadd.s32 $0xFFFFD800  }
0x8f: {  	[hbm4b:s14+s2] =	stream.linear.scatter [tilespmem:s20], [sflag:$0x3], $0x2800, $0x38;
	[tilespmem:$0x1E280] =	vst v63  }
0x90: {  	s23 =	smov.u32 s12;
	_ =	swait.ge [sflag:s16], $0x2800  }
0x91: {  	s24 =	smov.u32 s14;
	s22 =	sadd.s32 $0xFFFFFFFF, s8;
	[sflag:s16] =	ssyncset.done $0x0  }
.LBB2_6:
0x92: {  	[sflag:s16] =	ssyncadd.s32 $0xFFFFD800;
	s23 =	sadd.s32 $0x28000, s23;
	s24 =	sadd.s32 $0x5000, s24  }
0x93: {  	[tilespmem:s20], [sflag:$0x3] =	stream.linear.gather [spmem:s23], $0x2800, $0x38;
	[tilespmem:$0x1E280] =	vst v63  }
0x94: {  	p0 =	sne.s32 s22, $0x1;
	s22 =	sadd.s32 $0xFFFFFFFF, s22;
	_ =	swait.ge [sflag:s16], $0x2800  }
.Ltmp5:
0x95: {  	[sflag:s16] =	ssyncset.done $0x0;
	(pc) =	sbr.rel @p0 .LBB2_6-.Ltmp5, $4  }
0x96: {  	[sflag:s16] =	ssyncadd.s32 $0xFFFFD800  }
0x97: {  	[hbm4b:s24+s2] =	stream.linear.scatter [tilespmem:s20], [sflag:$0x3], $0x2800, $0x38;
	[tilespmem:$0x1E280] =	vst v63  }
0x98: {  	_ =	swait.ge [sflag:s16], $0x2800  }
0x99: {  	[sflag:s16] =	ssyncset.done $0x0  }
.LBB2_7:
0x9a: {  	s21 =	sadd.s32 $0x1, s21  }
0x9b: {  	p0 =	sne.s32 s21, s11  }
.Ltmp6:
0x9c: {  	_ = 	snop;
	(pc) =	sbr.rel @p0 .LBB2_1-.Ltmp6, $2  }
0x9d: {  	_ =	sdelay $0x2  }
0x9e: {  	[sflag:s16] =	ssyncadd.s32 $0xFFFFD800  }
0x9f: {  	_ =	sfence.sel $0x180000  }
0xa0: {  	[bflag:$0x0] =	sbarrier.arrive $0xFFFF  }
0xa1: {  	p0 =	sne.s32 s4, $0x0;
	_ =	strace $0x9000004A  }
0xa2: {  	s0 =	sadd.s32 @!p0 $0x100000, s0;
	[bflag:$0x2] =	sbarrier.arrive $0xFFFF  }
0xa3: {  	[sflag:s0] =	ssyncadd.tile.s32 @!p0 $0x1;
	_ =	shalt  }
.Lfunc_end2:
_tile_overlayer_lowered:
.L_overlay_start_2:
0xa4: {  	(tag) =	ssettag $0x2  }
0xa5: {  	s0 =	rddreg [dreg:$0x0];
	s2 =	stileid.u32  }
0xa6: {  	s1 =	rddreg [dreg:$0x1];
	p0 =	sne.s32 s2, $0x0  }
0xa7: {  	s3 =	rddreg [dreg:$0x2];
	[bflag:$0x3] =	sbarrier.arrive $0xFFFF;
	s2 =	simm.s32 @!p0 $0x1C03  }
0xa8: {  	[timem:s3], [sflag:s2] =	dma.local @!p0 [hbm:s0], s1  }
0xa9: {  	s0 =	simm.s32 @!p0 $0x3  }
0xaa: {  	_ =	swait.ge @!p0 [sflag:s0], s1  }
0xab: {  	s1 =	ssub.s32 @!p0 $0x0, s1;
	[sflag:s0] =	ssyncset.done @!p0 $0x0  }
0xac: {  	[sflag:s0] =	ssyncadd.s32 @!p0 s1  }
0xad: {  	[bflag:$0x3] =	sbarrier.arrive $0xFFFF  }
0xae: {  	_ =	shalt  }

// kernel: kernel.14.cloned.1.call-start
scs
__scs_entry_jumppad:
0x0: {  	(pc) =	sbr.rel $0x88, $3  }
0x1: {  	(tag) =	ssettag $0x0;
	lr =	simm.s32 $0x1  }
0x2: {  	[smem:$0x3F96] =	sst lr;
	_ =	strace $0xD0000000  }
0x3: {  	_ = 	snop  }
0x4: {  	_ = 	snop  }
0x5: {  	_ = 	snop  }
0x6: {  	_ = 	snop  }
0x7: {  	_ = 	snop  }
__scs_overlays_trampoline_lowered:
0x8: {  	[smem:$0x3FA5] =	sst s0  }
0x9: {  	[smem:$0x3FA6] =	sst s1  }
0xa: {  	[smem:$0x3FA7] =	sst s2  }
0xb: {  	[smem:$0x3FA8] =	sst s3  }
0xc: {  	[smem:$0x3FA9] =	sst s4  }
0xd: {  	[smem:$0x3FAA] =	sst s5  }
0xe: {  	[smem:$0x3FAB] =	sst s6  }
0xf: {  	[smem:$0x3FAC] =	sst s7  }
0x10: {  	[smem:$0x3FAD] =	sst s8  }
0x11: {  	[smem:$0x3FAE] =	sst s9;
	s0 =	simm.s32 @!p0 $0x0  }
0x12: {  	s1 =	sld [smem:$0x3F94];
	s0 =	simm.s32 @p0 $0x1  }
0x13: {  	[smem:$0x3FAF] =	sst s0;
	s0 =	simm.s32 @!p1 $0x0  }
0x14: {  	s2 =	sld [smem:$0x3F93];
	s0 =	simm.s32 @p1 $0x1  }
0x15: {  	[smem:$0x3FB0] =	sst s0;
	s0 =	simm.s32 @!p2 $0x0  }
0x16: {  	s3 =	sld [smem:$0x3FDB];
	s0 =	simm.s32 @p2 $0x1  }
0x17: {  	s4 =	simm.s32 $0x1BF5;
	[smem:$0x3FB2] =	sst s0  }
0x18: {  	s0 =	sld [smem:$0x3F95];
	_ =	swait.ge [sflag:s4], $0x0  }
0x19: {  	s7 =	sld [smem:$0x3F96]  }
0x1a: {  	s8 =	sadd.s32 $0xFFFFE003, lr  }
0x1b: {  	s9 =	sadd.s32 $0xFFFFFEF7, lr;
	s5 =	simm.s32 $0xFFFFFFFF;
	p2 =	slt.u32 s8, $0xFFFFF086  }
0x1c: {  	p1 =	slt.u32 s9, $0xF7A;
	s5 =	simm.s32 @!p2 $0x0  }
0x1d: {  	s5 =	simm.s32 @p1 $0x1;
	p0 =	seq.s32 s7, s2  }
0x1e: {  	s7 =	smul.u32 @!p0 $0xF7A, s2;
	p2 =	seq.s32 @!p0 s5, $0x0  }
0x1f: {  	s9 =	smul.u32 $0xF7A, s1;
	s8 =	simm.s32 @!p0 $0x1BF5;
	p2 =	por !p2, p0  }
0x20: {  	[sflag:s8] =	ssyncset.s32 @!p0 $0xFFFFF086;
	s6 =	sadd.s32 @!p0 s3, s7;
	s7 =	simm.s32 @!p0 $0x108  }
0x21: {  	s3 =	sadd.s32 s3, s9;
	s6 =	sadd.s32 @!p0 $0x88, s6;
	s7 =	simm.s32 @p2 $0x1082  }
0x22: {  	[simem:s7], [sflag:s8] =	dma.local @!p0 [hbm:s6], $0xF7A  }
0x23: {  	s9 =	sor.u32 $0xD0000000, s2;
	s6 =	simm.s32 $0x108;
	_ =	swait.ge @!p0 [sflag:s8], $0x0  }
0x24: {  	s3 =	sadd.s32 $0x88, s3;
	s6 =	simm.s32 @!p1 $0x1082;
	[sflag:s4] =	ssyncset.s32 $0xFFFFF086  }
0x25: {  	[simem:s6], [sflag:s4] =	dma.local [hbm:s3], $0xF7A  }
0x26: {  	[smem:$0x3F96] =	sst s1;
	(tag) =	ssettag s2;
	_ =	strace s9  }
0x27: {  	s1 =	sld [smem:$0x3FA6]  }
0x28: {  	s2 =	sld [smem:$0x3FA7]  }
0x29: {  	s4 =	sld [smem:$0x3FA9]  }
0x2a: {  	p0 =	seq.s32 s5, $0x0;
	s5 =	sld [smem:$0x3FAA]  }
0x2b: {  	s6 =	sld [smem:$0x3FAB]  }
0x2c: {  	s7 =	sld [smem:$0x3FAC]  }
0x2d: {  	s3 =	simm.s32 $0x108;
	s8 =	sld [smem:$0x3FAD]  }
0x2e: {  	s3 =	simm.s32 @!p0 $0x1082;
	s9 =	sld [smem:$0x3FAE]  }
0x2f: {  	lr =	sadd.s32 s0, s3;
	s0 =	sld [smem:$0x3FA5]  }
0x30: {  	s3 =	sld [smem:$0x3FA8]  }
0x31: {  	[smem:$0x3FB1] =	sst s10  }
0x32: {  	s10 =	sld [smem:$0x3FAF];
	_ =	sdelay $0x3  }
0x33: {  	p0 =	seq.s32 s10, $0x1;
	s10 =	sld [smem:$0x3FB1];
	_ =	sdelay $0x3  }
0x34: {  	[smem:$0x3FB1] =	sst s10  }
0x35: {  	s10 =	sld [smem:$0x3FB0];
	_ =	sdelay $0x3  }
0x36: {  	p1 =	seq.s32 s10, $0x1;
	s10 =	sld [smem:$0x3FB1];
	_ =	sdelay $0x3  }
0x37: {  	[smem:$0x3FB1] =	sst s10  }
0x38: {  	s10 =	sld [smem:$0x3FB2]  }
0x39: {  	_ = 	snop;
	(pc) =	sbr.ind lr, $3  }
0x3a: {  	_ = 	snop  }
0x3b: {  	_ = 	snop  }
0x3c: {  	p2 =	seq.s32 s10, $0x1;
	s10 =	sld [smem:$0x3FB1]  }
0x3d: {  	_ =	shalt  }
0x3e: {  	_ =	shalt  }
0x3f: {  	_ =	shalt  }
0x40: {  	_ =	shalt  }
0x41: {  	_ =	shalt  }
0x42: {  	_ =	shalt  }
0x43: {  	_ =	shalt  }
0x44: {  	_ =	shalt  }
0x45: {  	_ =	shalt  }
0x46: {  	_ =	shalt  }
0x47: {  	_ =	shalt  }
0x48: {  	_ =	shalt  }
0x49: {  	_ =	shalt  }
0x4a: {  	_ =	shalt  }
0x4b: {  	_ =	shalt  }
0x4c: {  	_ =	shalt  }
0x4d: {  	_ =	shalt  }
0x4e: {  	_ =	shalt  }
0x4f: {  	_ =	shalt  }
0x50: {  	_ =	shalt  }
0x51: {  	_ =	shalt  }
0x52: {  	_ =	shalt  }
0x53: {  	_ =	shalt  }
0x54: {  	_ =	shalt  }
0x55: {  	_ =	shalt  }
0x56: {  	_ =	shalt  }
0x57: {  	_ =	shalt  }
0x58: {  	_ =	shalt  }
0x59: {  	_ =	shalt  }
0x5a: {  	_ =	shalt  }
0x5b: {  	_ =	shalt  }
0x5c: {  	_ =	shalt  }
0x5d: {  	_ =	shalt  }
0x5e: {  	_ =	shalt  }
0x5f: {  	_ =	shalt  }
0x60: {  	_ =	shalt  }
0x61: {  	_ =	shalt  }
0x62: {  	_ =	shalt  }
0x63: {  	_ =	shalt  }
0x64: {  	_ =	shalt  }
0x65: {  	_ =	shalt  }
0x66: {  	_ =	shalt  }
0x67: {  	_ =	shalt  }
0x68: {  	_ =	shalt  }
0x69: {  	_ =	shalt  }
0x6a: {  	_ =	shalt  }
0x6b: {  	_ =	shalt  }
0x6c: {  	_ =	shalt  }
0x6d: {  	_ =	shalt  }
0x6e: {  	_ =	shalt  }
0x6f: {  	_ =	shalt  }
0x70: {  	_ =	shalt  }
0x71: {  	_ =	shalt  }
0x72: {  	_ =	shalt  }
0x73: {  	_ =	shalt  }
0x74: {  	_ =	shalt  }
0x75: {  	_ =	shalt  }
0x76: {  	_ =	shalt  }
0x77: {  	_ =	shalt  }
0x78: {  	_ =	shalt  }
0x79: {  	_ =	shalt  }
0x7a: {  	_ =	shalt  }
0x7b: {  	_ =	shalt  }
0x7c: {  	_ =	shalt  }
0x7d: {  	_ =	shalt  }
0x7e: {  	_ =	shalt  }
0x7f: {  	_ =	shalt  }
0x80: {  	_ =	shalt  }
0x81: {  	_ =	shalt  }
0x82: {  	_ =	shalt  }
0x83: {  	_ =	shalt  }
0x84: {  	_ =	shalt  }
0x85: {  	_ =	shalt  }
0x86: {  	_ =	shalt  }
0x87: {  	_ =	shalt  }
.Lfunc_end0:
.L_simem_size_0:
called_computation.2_lowered:
.L_overlay_start_0:
0x88: {  	s2 =	sld [smem:$0x3FD9]  }
0x89: {  	s3 =	sld [smem:$0x3FFE];
	_ =	sdelay $0x1  }
0x8a: {  	s1 =	srdreg.scid  }
0x8b: {  	s0 =	sand.u32 $0x1, s1  }
0x8c: {  	s16 =	sshll.u32 s0, $0xA;
	s2 =	sadd.s32 s3, s2  }
0x8d: {  	s2 =	sadd.s32 s2, s16  }
0x8e: {  	[smem:$0x3FBD] =	sst s2  }
0x8f: {  	_ = 	snop  }
0x90: {  	(tm) =	ssettm $0x1  }
0x91: {  	s17 =	sld [smem:$0x3FFB];
	_ =	sdelay $0x3  }
0x92: {  	_ =	strace s17  }
0x93: {  	s2 =	sld [smem:$0x3FFC];
	_ =	sdelay $0x3  }
0x94: {  	_ =	strace s2  }
0x95: {  	s2 =	sld [smem:$0x3FFD];
	_ =	sdelay $0x3  }
0x96: {  	_ =	strace s2  }
0x97: {  	_ =	strace $0x8FFFFFFF  }
0x98: {  	s18 =	sld [smem:$0x3FDB];
	_ =	sdelay $0x1  }
0x99: {  	s19 =	simm.s32 $_scs_section_size  }
0x9a: {  	s4 =	simm.s32 $_size__tile_overlayer_lowered;
	s5 =	simm.s32 $_tile_overlayer_lowered  }
0x9b: {  	s22 =	simm.s32 $0x1BFF;
	s21 =	sshll.u32 s5, $0x1;
	s2 =	sadd.s32 s19, s18  }
0x9c: {  	s6 =	simm.s32 $0x0;
	s20 =	sshll.u32 s4, $0x1;
	s4 =	sadd.s32 s21, s2  }
0x9d: {  	[timem:s6], [sflag:s22] =	dma.local [hbm:s4], s20  }
0x9e: {  	_ =	swait.ge [sflag:s22], s20  }
0x9f: {  	s3 =	ssub.s32 $0x0, s20;
	[sflag:s22] =	ssyncset.done $0x0  }
0xa0: {  	[sflag:s22] =	ssyncadd.s32 s3;
	_ =	sdelay $0x1  }
0xa1: {  	s23 =	simm.s32 $0x1B8B  }
0xa2: {  	_ =	swait.ge [sflag:s23], $0x1  }
0xa3: {  	[sflag:s23] =	ssyncset.done $0x0  }
0xa4: {  	s25 =	simm.s32 $0x1B8E;
	s24 =	sld [smem:$0x3FFE];
	[sflag:s23] =	ssyncadd.s32 $0xFFFFFFFF  }
0xa5: {  	s26 =	simm.s32 $execute0_lowered;
	[smem:$0x3FD2] =	sst s25  }
0xa6: {  	s4 =	sshll.u32 s26, $0x1;
	_ =	strace $0x8000004C;
	[dreg:$0x1] =	wrdreg $0xFFFFFFFF  }
0xa7: {  	s28 =	simm.s32 $_size_execute0_lowered;
	s2 =	sadd.s32 s2, s4;
	[dreg:$0x0] =	wrdreg $0x0  }
0xa8: {  	s4 =	sshll.u32 s28, $0x1;
	[dreg:$0x2] =	wrdreg s2  }
0xa9: {  	[dreg:$0x3] =	wrdreg s4  }
0xaa: {  	[dreg:$0x4] =	wrdreg $0xC0  }
0xab: {  	_ =	task [dreg:s6], $0x5FFFF  }
0xac: {  	[dreg:$0x1] =	wrdreg $0xFFFFFFFF  }
0xad: {  	[dreg:$0x0] =	wrdreg $0x60  }
0xae: {  	[dreg:$0x2] =	wrdreg s24  }
0xaf: {  	[dreg:$0x3] =	wrdreg $0x0  }
0xb0: {  	[dreg:$0x4] =	wrdreg $0x9  }
0xb1: {  	_ =	task.clear_ibuf [dreg:s6], $0x5FFFF;
	_ =	strace $0x9000004C  }
0xb2: {  	s29 =	simm.s32 $0x9;
	_ =	strace $0x8000004E  }
0xb3: {  	_ =	swait.ge [sflag:s29], $0x1  }
0xb4: {  	[sflag:s29] =	ssyncadd.s32 $0xFFFFFFFF  }
0xb5: {  	_ =	strace $0x9000004E  }
0xb6: {  	_ =	sfence  }
0xb7: {  	s30 =	sld [smem:$0x0];
	_ =	sdelay $0x2  }
0xb8: {  	s31 =	sshll.u32 s1, $0xD;
	s1 =	sshrl.u32 s1, $0x2  }
0xb9: {  	s3 =	sand.u32 $0x4000, s31;
	s1 =	sadd.s32 s1, s30  }
0xba: {  	s0 =	sor.u32 s3, s0;
	s1 =	sshll.u32 s1, $0x11  }
0xbb: {  	s0 =	sor.u32 s1, s0  }
0xbc: {  	s0 =	sadd.s32 $0x8F2B, s0  }
0xbd: {  	[sflag:s0] =	ssyncadd.remote.s32 $0x1  }
0xbe: {  	_ =	sfence.sel $0xFFFF  }
0xbf: {  	[dreg:$0x0] =	wrdreg $0xFFFFFFFF;
	(pc) =	sbr.abs _section_cstart, $3  }
0xc0: {  	[dreg:$0x1] =	wrdreg $0xFFFFFFFF  }
0xc1: {  	_ =	task.clear_ibuf [dreg:s6], $0x2FFFF;
	_ =	strace $0x9FFFFFFF  }
0xc2: {  	(tm) =	ssettm $0x7FFFFFFF  }
0xc3: {  	_ =	shalt  }
tec
execute0_lowered:
.L_overlay_start_1:
0x0: {  	(tag) =	ssettag $0x1  }
0x1: {  	s8 =	rddreg [dreg:$0x0]  }
0x2: {  	s1 =	rddreg [dreg:$0x1]  }
0x3: {  	s0 =	rddreg [dreg:$0x2]  }
0x4: {  	s2 =	simm.s32 $0x0;
	s4 =	srdreg.scid;
	s18 =	simm.s32 $0x80  }
0x5: {  	s19 =	simm.s32 $0x13980;
	s20 =	simm.s32 $0x17980;
	s21 =	simm.s32 $0x0  }
0x6: {  	[smem:$0x7FF] =	sst s2;
	s3 =	sadd.s32 $0x16400, s8;
	s12 =	sand.u32 $0x1, s4  }
0x7: {  	s5 =	sadd.s32 $0x2800, s8;
	s6 =	sadd.s32 $0xC600, s8;
	s7 =	sadd.s32 $0x3D600, s8  }
0x8: {  	s4 =	stileid.u32;
	_ =	strace $0x8000004D;
	s9 =	smul.u32 $0x27100, s12  }
0x9: {  	s10 =	ssub.s32 $0x2, s12;
	p0 =	slt.u32 s4, $0xD;
	s16 =	smul.u32 $0xA000, s4  }
0xa: {  	s11 =	sshll.u32 s4, $0x5;
	s14 =	sshll.u32 s12, $0x4;
	s28 =	smul.u32 $0x500, s4  }
0xb: {  	s30 =	sshll.u32 s4, $0x8;
	s17 =	sshll.u32 s12, $0x7;
	s25 =	sshrl.u32 s10, $0x1  }
0xc: {  	s26 =	sor.u32 s14, s11;
	s14 =	simm.s32 $0x4E;
	s31 =	sor.u32 s17, s30  }
0xd: {  	s17 =	simm.s32 $0x13900;
	s13 =	sadd.s32 s9, s8;
	s8 =	simm.s32 $0x8  }
0xe: {  	s15 =	ssub.s32 s10, s25;
	s9 =	sadd.s32 s5, s26;
	s10 =	sadd.s32 s6, s26  }
0xf: {  	s29 =	sshrl.u32 s16, $0x2;
	s8 =	simm.s32 @!p0 $0x7;
	p0 =	slt.u32 s4, $0x2  }
0x10: {  	s16 =	simm.s32 $0x3;
	s11 =	smax.u32 s15, $0x1;
	s14 =	simm.s32 @!p0 $0x4D  }
0x11: {  	s12 =	sadd.s32 s29, s1;
	[dreg:$0x3] =	wrdreg s14;
	s14 =	sadd.s32 s28, s13  }
0x12: {  	s15 =	simm.s32 $0x13880;
	s13 =	sor.u32 $0x1000, s31;
	s14 =	sadd.s32 $0x3DC00, s14  }
.LBB2_1:
0x13: {  	[tilespmem:s15], [sflag:$0x3] =	stream.linear.gather [hbm4b:s9+s2], $0x80, $0x38;
	[tilespmem:$0x1E280] =	vst v63  }
0x14: {  	_ =	swait.ge [sflag:s16], $0x80  }
0x15: {  	[sflag:s16] =	ssyncset.done $0x0  }
0x16: {  	[sflag:s16] =	ssyncadd.s32 $0xFFFFFF80  }
0x17: {  	[tilespmem:s17], [sflag:$0x3] =	stream.linear.gather [hbm4b:s10+s2], $0x80, $0x38;
	[tilespmem:$0x1E280] =	vst v63  }
0x18: {  	_ =	swait.ge [sflag:s16], $0x80  }
0x19: {  	[sflag:s16] =	ssyncset.done $0x0  }
0x1a: {  	[sflag:s16] =	ssyncadd.s32 $0xFFFFFF80  }
0x1b: {  	[tilespmem:s19], [sflag:$0x1] =	stream.indirect.gather [hbm4b:s3+s18], $0x80, s15, s18, $0xb8;
	[tilespmem:$0x1E280] =	vst v63  }
0x1c: {  	_ = 	snop  }
0x1d: {  	[tilespmem:s20], [sflag:$0x3] =	stream.linear.gather [hbm4b:s7+s2], $0x2800, $0x38;
	[tilespmem:$0x1E280] =	vst v63  }
0x1e: {  	p0 =	sne.s32 s8, $0x1;
	_ =	swait.ge [sflag:s16], $0x2800  }
.Ltmp0:
0x1f: {  	[sflag:s16] =	ssyncset.done $0x0;
	(pc) =	sbr.rel @!p0 .LBB2_3-.Ltmp0, $4  }
0x20: {  	[sflag:s16] =	ssyncadd.s32 $0xFFFFD800  }
0x21: {  	[spmem:s12] =	stream.linear.scatter [tilespmem:s20], [sflag:$0x3], $0x2800, $0x38;
	[tilespmem:$0x1E280] =	vst v63  }
0x22: {  	_ =	swait.ge [sflag:s16], $0x2800  }
0x23: {  	s22 =	sadd.s32 $0xFFFFFFFF, s8;
	s23 =	smov.u32 s12;
	[sflag:s16] =	ssyncset.done $0x0  }
.LBB2_2:
0x24: {  	p1 =	sne.s32 s22, $0x1;
	[sflag:s16] =	ssyncadd.s32 $0xFFFFD800;
	s23 =	sadd.s32 $0x28000, s23  }
.Ltmp1:
0x25: {  	s22 =	sadd.s32 $0xFFFFFFFF, s22;
	(pc) =	sbr.rel @p1 .LBB2_2-.Ltmp1, $4  }
0x26: {  	_ = 	snop  }
0x27: {  	[spmem:s23] =	stream.linear.scatter [tilespmem:s20], [sflag:$0x3], $0x2800, $0x38;
	[tilespmem:$0x1E280] =	vst v63  }
0x28: {  	_ =	swait.ge [sflag:s16], $0x2800  }
0x29: {  	[sflag:s16] =	ssyncset.done $0x0  }
.LBB2_3:
0x2a: {  	s22 =	simm.s32 $0x1  }
0x2b: {  	s23 =	sand.u32 $0x1, s22  }
0x2c: {  	[sflag:s16] =	ssyncadd.s32 $0xFFFFD800;
	p1 =	seq.s32 s23, $0x0  }
0x2d: {  	[bflag:$0x0] =	sbarrier.arrive $0xFFFF;
	s23 =	sshrl.u32 @!p1 s13, $0x3;
	s24 =	simm.s32 @!p1 $0x0  }
0x2e: {  	s26 =	simm.s32 @!p1 $0x1A180;
	s28 =	simm.s32 @!p1 $0x4;
	s25 =	sadd.s32 @!p1 s5, s23  }
0x2f: {  	[tilespmem:s26], [sflag:$0x4] =	stream.linear.gather @!p1 [hbm4b:s25+s24], $0x80, $0x38;
	[tilespmem:$0x1E280] =	vst v63  }
0x30: {  	_ =	swait.ge @!p1 [sflag:s28], $0x80  }
0x31: {  	[sflag:s28] =	ssyncset.done @!p1 $0x0  }
0x32: {  	s23 =	sadd.s32 @!p1 s6, s23;
	s25 =	simm.s32 @!p1 $0x1A200;
	[sflag:s28] =	ssyncadd.s32 @!p1 $0xFFFFFF80  }
0x33: {  	[tilespmem:s25], [sflag:$0x4] =	stream.linear.gather @!p1 [hbm4b:s23+s24], $0x80, $0x38;
	[tilespmem:$0x1E280] =	vst v63  }
0x34: {  	s30 =	simm.s32 $0x0;
	_ =	swait.ge @!p1 [sflag:s28], $0x80  }
0x35: {  	s24 =	simm.s32 @!p1 $0x1A280;
	s23 =	sand.u32 $0x1, s30;
	[sflag:s28] =	ssyncset.done @!p1 $0x0  }
0x36: {  	s25 =	simm.s32 @!p1 $0x80;
	p2 =	seq.s32 s23, $0x0;
	[sflag:s28] =	ssyncadd.s32 @!p1 $0xFFFFFF80  }
0x37: {  	[tilespmem:s24], [sflag:$0x2] =	stream.indirect.gather @!p1 [hbm4b:s3+s25], $0x80, s26, s25, $0xb8;
	[tilespmem:$0x1E280] =	vst v63  }
0x38: {  	s29 =	simm.s32 @!p2 $0x13880;
	s24 =	sshrl.u32 @!p2 s13, $0x3  }
0x39: {  	s28 =	simm.s32 @!p2 $0x0;
	s25 =	simm.s32 @!p2 $0x4;
	s26 =	sadd.s32 @!p2 s5, s24  }
0x3a: {  	[tilespmem:s29], [sflag:$0x4] =	stream.linear.gather @!p2 [hbm4b:s26+s28], $0x80, $0x38;
	[tilespmem:$0x1E280] =	vst v63  }
0x3b: {  	_ =	swait.ge @!p2 [sflag:s25], $0x80  }
0x3c: {  	[sflag:s25] =	ssyncset.done @!p2 $0x0  }
0x3d: {  	s24 =	sadd.s32 @!p2 s6, s24;
	s26 =	simm.s32 @!p2 $0x13900;
	[sflag:s25] =	ssyncadd.s32 @!p2 $0xFFFFFF80  }
0x3e: {  	[tilespmem:s26], [sflag:$0x4] =	stream.linear.gather @!p2 [hbm4b:s24+s28], $0x80, $0x38;
	[tilespmem:$0x1E280] =	vst v63  }
0x3f: {  	_ =	swait.ge @!p2 [sflag:s25], $0x80  }
0x40: {  	p1 =	seq.s32 s23, $0x1;
	s24 =	simm.s32 @!p2 $0x13980;
	[sflag:s25] =	ssyncset.done @!p2 $0x0  }
0x41: {  	s26 =	simm.s32 @p1 $0x2;
	[sflag:s25] =	ssyncadd.s32 @!p2 $0xFFFFFF80;
	s25 =	simm.s32 @!p2 $0x80  }
0x42: {  	[tilespmem:s24], [sflag:$0x1] =	stream.indirect.gather @!p2 [hbm4b:s3+s25], $0x80, s29, s25, $0xb8;
	[tilespmem:$0x1E280] =	vst v63  }
0x43: {  	_ =	swait.ge @p1 [sflag:s26], $0x4000  }
0x44: {  	s28 =	simm.s32 @p1 $0x1A200;
	s24 =	simm.s32 @p1 $0x1A280;
	[sflag:s26] =	ssyncset.done @p1 $0x0  }
0x45: {  	s25 =	simm.s32 @!p1 $0x1;
	[sflag:s26] =	ssyncadd.s32 @p1 $0xFFFFC000;
	s26 =	simm.s32 @p1 $0x80  }
0x46: {  	[spmem:s1] =	stream.indirect.scatter.add.f32 @p1 [tilespmem:s24], [sflag:$0x3], $0x80, s28, s26, $0xb8;
	[tilespmem:$0x1E280] =	vst v63  }
0x47: {  	s24 =	simm.s32 @!p1 $0x4;
	_ =	swait.ge @!p1 [sflag:s25], $0x4000  }
0x48: {  	s26 =	simm.s32 @!p1 $0x13980;
	s28 =	simm.s32 @!p1 $0x13900;
	[sflag:s25] =	ssyncset.done @!p1 $0x0  }
0x49: {  	s24 =	simm.s32 @p1 $0x3;
	[sflag:s25] =	ssyncadd.s32 @!p1 $0xFFFFC000;
	s25 =	simm.s32 @!p1 $0x80  }
0x4a: {  	[spmem:s1] =	stream.indirect.scatter.add.f32 @!p1 [tilespmem:s26], [sflag:$0x4], $0x80, s28, s25, $0xb8;
	[tilespmem:$0x1E280] =	vst v63  }
0x4b: {  	_ =	swait.ge [sflag:s24], $0x4000  }
0x4c: {  	s31 =	rddreg [dreg:$0x3]  }
0x4d: {  	p1 =	sne.s32 s31, $0x1  }
.Ltmp2:
0x4e: {  	_ = 	snop;
	(pc) =	sbr.rel @!p1 .LBB2_5-.Ltmp2, $3  }
0x4f: {  	_ =	sdelay $0x1  }
0x50: {  	[sflag:s24] =	ssyncset.done $0x0  }
0x51: {  	[sflag:s24] =	ssyncadd.s32 $0xFFFFC000;
	s24 =	smov.u32 s13  }
.LBB2_4:
0x52: {  	s23 =	smov.u32 s22;
	s22 =	sadd.s32 $0x1, s22  }
0x53: {  	s25 =	sand.u32 $0x1, s22  }
0x54: {  	s24 =	sadd.s32 $0x1000, s24;
	p2 =	seq.s32 s25, $0x0  }
0x55: {  	s25 =	sshrl.u32 @!p2 s24, $0x3;
	s26 =	simm.s32 @!p2 $0x0  }
0x56: {  	s29 =	simm.s32 @!p2 $0x1A180;
	s30 =	simm.s32 @!p2 $0x4;
	s28 =	sadd.s32 @!p2 s5, s25  }
0x57: {  	[tilespmem:s29], [sflag:$0x4] =	stream.linear.gather @!p2 [hbm4b:s28+s26], $0x80, $0x38;
	[tilespmem:$0x1E280] =	vst v63  }
0x58: {  	_ =	swait.ge @!p2 [sflag:s30], $0x80  }
0x59: {  	[sflag:s30] =	ssyncset.done @!p2 $0x0  }
0x5a: {  	s25 =	sadd.s32 @!p2 s6, s25;
	s28 =	simm.s32 @!p2 $0x1A200;
	[sflag:s30] =	ssyncadd.s32 @!p2 $0xFFFFFF80  }
0x5b: {  	[tilespmem:s28], [sflag:$0x4] =	stream.linear.gather @!p2 [hbm4b:s25+s26], $0x80, $0x38;
	[tilespmem:$0x1E280] =	vst v63  }
0x5c: {  	s23 =	sand.u32 $0x1, s23;
	_ =	swait.ge @!p2 [sflag:s30], $0x80  }
0x5d: {  	p1 =	seq.s32 s23, $0x0;
	[sflag:s30] =	ssyncset.done @!p2 $0x0  }
0x5e: {  	s25 =	simm.s32 @!p2 $0x1A280;
	s26 =	simm.s32 @!p2 $0x80;
	[sflag:s30] =	ssyncadd.s32 @!p2 $0xFFFFFF80  }
0x5f: {  	[tilespmem:s25], [sflag:$0x2] =	stream.indirect.gather @!p2 [hbm4b:s3+s26], $0x80, s29, s26, $0xb8;
	[tilespmem:$0x1E280] =	vst v63  }
0x60: {  	s30 =	simm.s32 @!p1 $0x13880;
	s25 =	sshrl.u32 @!p1 s24, $0x3  }
0x61: {  	s26 =	simm.s32 @!p1 $0x4;
	s29 =	simm.s32 @!p1 $0x0;
	s28 =	sadd.s32 @!p1 s5, s25  }
0x62: {  	[tilespmem:s30], [sflag:$0x4] =	stream.linear.gather @!p1 [hbm4b:s28+s29], $0x80, $0x38;
	[tilespmem:$0x1E280] =	vst v63  }
0x63: {  	_ =	swait.ge @!p1 [sflag:s26], $0x80  }
0x64: {  	[sflag:s26] =	ssyncset.done @!p1 $0x0  }
0x65: {  	s25 =	sadd.s32 @!p1 s6, s25;
	s28 =	simm.s32 @!p1 $0x13900;
	[sflag:s26] =	ssyncadd.s32 @!p1 $0xFFFFFF80  }
0x66: {  	[tilespmem:s28], [sflag:$0x4] =	stream.linear.gather @!p1 [hbm4b:s25+s29], $0x80, $0x38;
	[tilespmem:$0x1E280] =	vst v63  }
0x67: {  	_ =	swait.ge @!p1 [sflag:s26], $0x80  }
0x68: {  	p2 =	seq.s32 s23, $0x1;
	s25 =	simm.s32 @!p1 $0x13980;
	[sflag:s26] =	ssyncset.done @!p1 $0x0  }
0x69: {  	s28 =	simm.s32 @p2 $0x2;
	[sflag:s26] =	ssyncadd.s32 @!p1 $0xFFFFFF80;
	s26 =	simm.s32 @!p1 $0x80  }
0x6a: {  	[tilespmem:s25], [sflag:$0x1] =	stream.indirect.gather @!p1 [hbm4b:s3+s26], $0x80, s30, s26, $0xb8;
	[tilespmem:$0x1E280] =	vst v63  }
0x6b: {  	_ =	swait.ge @p2 [sflag:s28], $0x4000  }
0x6c: {  	s29 =	simm.s32 @!p2 $0x1;
	s26 =	simm.s32 @p2 $0x1A280;
	[sflag:s28] =	ssyncset.done @p2 $0x0  }
0x6d: {  	s30 =	simm.s32 @p2 $0x1A200;
	[sflag:s28] =	ssyncadd.s32 @p2 $0xFFFFC000;
	s28 =	simm.s32 @p2 $0x80  }
0x6e: {  	[spmem:s1] =	stream.indirect.scatter.add.f32 @p2 [tilespmem:s26], [sflag:$0x3], $0x80, s30, s28, $0xb8;
	[tilespmem:$0x1E280] =	vst v63  }
0x6f: {  	s25 =	simm.s32 @!p2 $0x4;
	_ =	swait.ge @!p2 [sflag:s29], $0x4000  }
0x70: {  	s25 =	simm.s32 @p2 $0x3;
	s26 =	simm.s32 @!p2 $0x13980;
	[sflag:s29] =	ssyncset.done @!p2 $0x0  }
0x71: {  	s28 =	simm.s32 @!p2 $0x80;
	[sflag:s29] =	ssyncadd.s32 @!p2 $0xFFFFC000;
	s29 =	simm.s32 @!p2 $0x13900  }
0x72: {  	[spmem:s1] =	stream.indirect.scatter.add.f32 @!p2 [tilespmem:s26], [sflag:$0x4], $0x80, s29, s28, $0xb8;
	[tilespmem:$0x1E280] =	vst v63  }
0x73: {  	_ =	swait.ge [sflag:s25], $0x4000  }
0x74: {  	s31 =	rddreg [dreg:$0x3]  }
0x75: {  	p1 =	sne.s32 s31, s22  }
.Ltmp3:
0x76: {  	_ = 	snop;
	(pc) =	sbr.rel @p1 .LBB2_4-.Ltmp3, $3  }
0x77: {  	_ =	sdelay $0x1  }
0x78: {  	[sflag:s25] =	ssyncset.done $0x0  }
0x79: {  	[sflag:s25] =	ssyncadd.s32 $0xFFFFC000  }
.LBB2_5:
0x7a: {  	p1 =	sne.s32 s23, $0x0  }
0x7b: {  	s22 =	simm.s32 @p1 $0x1  }
0x7c: {  	_ =	swait.ge @p1 [sflag:s22], $0x4000  }
0x7d: {  	s23 =	simm.s32 @p1 $0x13900;
	[sflag:s22] =	ssyncset.done @p1 $0x0  }
0x7e: {  	s24 =	simm.s32 @p1 $0x13980;
	[sflag:s22] =	ssyncadd.s32 @p1 $0xFFFFC000;
	s22 =	simm.s32 @p1 $0x80  }
0x7f: {  	[spmem:s1] =	stream.indirect.scatter.add.f32 @p1 [tilespmem:s24], [sflag:$0x4], $0x80, s23, s22, $0xb8;
	[tilespmem:$0x1E280] =	vst v63  }
0x80: {  	s22 =	simm.s32 @!p1 $0x2  }
0x81: {  	_ =	swait.ge @!p1 [sflag:s22], $0x4000  }
0x82: {  	s23 =	simm.s32 @!p1 $0x1A200;
	[sflag:s22] =	ssyncset.done @!p1 $0x0  }
0x83: {  	s24 =	simm.s32 @!p1 $0x1A280;
	[sflag:s22] =	ssyncadd.s32 @!p1 $0xFFFFC000;
	s22 =	simm.s32 @!p1 $0x80  }
0x84: {  	[spmem:s1] =	stream.indirect.scatter.add.f32 @!p1 [tilespmem:s24], [sflag:$0x3], $0x80, s23, s22, $0xb8;
	[tilespmem:$0x1E280] =	vst v63  }
0x85: {  	s22 =	simm.s32 @!p1 $0x3  }
0x86: {  	s22 =	simm.s32 @p1 $0x4  }
0x87: {  	_ =	swait.ge [sflag:s22], $0x4000  }
0x88: {  	[sflag:s22] =	ssyncset.done $0x0  }
0x89: {  	[sflag:s22] =	ssyncadd.s32 $0xFFFFC000  }
0x8a: {  	[bflag:$0x0] =	sbarrier.arrive $0xFFFF  }
0x8b: {  	[tilespmem:s20], [sflag:$0x3] =	stream.linear.gather [spmem:s12], $0x2800, $0x38;
	[tilespmem:$0x1E280] =	vst v63  }
0x8c: {  	_ =	swait.ge [sflag:s16], $0x2800  }
.Ltmp4:
0x8d: {  	[sflag:s16] =	ssyncset.done $0x0;
	(pc) =	sbr.rel @!p0 .LBB2_7-.Ltmp4, $4  }
0x8e: {  	[sflag:s16] =	ssyncadd.s32 $0xFFFFD800  }
0x8f: {  	[hbm4b:s14+s2] =	stream.linear.scatter [tilespmem:s20], [sflag:$0x3], $0x2800, $0x38;
	[tilespmem:$0x1E280] =	vst v63  }
0x90: {  	s23 =	smov.u32 s12;
	_ =	swait.ge [sflag:s16], $0x2800  }
0x91: {  	s24 =	smov.u32 s14;
	s22 =	sadd.s32 $0xFFFFFFFF, s8;
	[sflag:s16] =	ssyncset.done $0x0  }
.LBB2_6:
0x92: {  	[sflag:s16] =	ssyncadd.s32 $0xFFFFD800;
	s23 =	sadd.s32 $0x28000, s23;
	s24 =	sadd.s32 $0x5000, s24  }
0x93: {  	[tilespmem:s20], [sflag:$0x3] =	stream.linear.gather [spmem:s23], $0x2800, $0x38;
	[tilespmem:$0x1E280] =	vst v63  }
0x94: {  	p0 =	sne.s32 s22, $0x1;
	s22 =	sadd.s32 $0xFFFFFFFF, s22;
	_ =	swait.ge [sflag:s16], $0x2800  }
.Ltmp5:
0x95: {  	[sflag:s16] =	ssyncset.done $0x0;
	(pc) =	sbr.rel @p0 .LBB2_6-.Ltmp5, $4  }
0x96: {  	[sflag:s16] =	ssyncadd.s32 $0xFFFFD800  }
0x97: {  	[hbm4b:s24+s2] =	stream.linear.scatter [tilespmem:s20], [sflag:$0x3], $0x2800, $0x38;
	[tilespmem:$0x1E280] =	vst v63  }
0x98: {  	_ =	swait.ge [sflag:s16], $0x2800  }
0x99: {  	[sflag:s16] =	ssyncset.done $0x0  }
.LBB2_7:
0x9a: {  	s21 =	sadd.s32 $0x1, s21  }
0x9b: {  	p0 =	sne.s32 s21, s11  }
.Ltmp6:
0x9c: {  	_ = 	snop;
	(pc) =	sbr.rel @p0 .LBB2_1-.Ltmp6, $2  }
0x9d: {  	_ =	sdelay $0x2  }
0x9e: {  	[sflag:s16] =	ssyncadd.s32 $0xFFFFD800  }
0x9f: {  	_ =	sfence.sel $0x180000  }
0xa0: {  	[bflag:$0x0] =	sbarrier.arrive $0xFFFF  }
0xa1: {  	p0 =	sne.s32 s4, $0x0;
	_ =	strace $0x9000004D  }
0xa2: {  	s0 =	sadd.s32 @!p0 $0x100000, s0;
	[bflag:$0x2] =	sbarrier.arrive $0xFFFF  }
0xa3: {  	[sflag:s0] =	ssyncadd.tile.s32 @!p0 $0x1;
	_ =	shalt  }
.Lfunc_end2:
_tile_overlayer_lowered:
.L_overlay_start_2:
0xa4: {  	(tag) =	ssettag $0x2  }
0xa5: {  	s0 =	rddreg [dreg:$0x0];
	s2 =	stileid.u32  }
0xa6: {  	s1 =	rddreg [dreg:$0x1];
	p0 =	sne.s32 s2, $0x0  }
0xa7: {  	s3 =	rddreg [dreg:$0x2];
	[bflag:$0x3] =	sbarrier.arrive $0xFFFF;
	s2 =	simm.s32 @!p0 $0x1C03  }
0xa8: {  	[timem:s3], [sflag:s2] =	dma.local @!p0 [hbm:s0], s1  }
0xa9: {  	s0 =	simm.s32 @!p0 $0x3  }
0xaa: {  	_ =	swait.ge @!p0 [sflag:s0], s1  }
0xab: {  	s1 =	ssub.s32 @!p0 $0x0, s1;
	[sflag:s0] =	ssyncset.done @!p0 $0x0  }
0xac: {  	[sflag:s0] =	ssyncadd.s32 @!p0 s1  }
0xad: {  	[bflag:$0x3] =	sbarrier.arrive $0xFFFF  }
0xae: {  	_ =	shalt  }

// kernel: kernel.8.cloned.1.call-start
scs
__scs_entry_jumppad:
0x0: {  	(pc) =	sbr.rel $0x88, $3  }
0x1: {  	(tag) =	ssettag $0x0;
	lr =	simm.s32 $0x1  }
0x2: {  	[smem:$0x3F96] =	sst lr;
	_ =	strace $0xD0000000  }
0x3: {  	_ = 	snop  }
0x4: {  	_ = 	snop  }
0x5: {  	_ = 	snop  }
0x6: {  	_ = 	snop  }
0x7: {  	_ = 	snop  }
__scs_overlays_trampoline_lowered:
0x8: {  	[smem:$0x3FA5] =	sst s0  }
0x9: {  	[smem:$0x3FA6] =	sst s1  }
0xa: {  	[smem:$0x3FA7] =	sst s2  }
0xb: {  	[smem:$0x3FA8] =	sst s3  }
0xc: {  	[smem:$0x3FA9] =	sst s4  }
0xd: {  	[smem:$0x3FAA] =	sst s5  }
0xe: {  	[smem:$0x3FAB] =	sst s6  }
0xf: {  	[smem:$0x3FAC] =	sst s7  }
0x10: {  	[smem:$0x3FAD] =	sst s8  }
0x11: {  	[smem:$0x3FAE] =	sst s9;
	s0 =	simm.s32 @!p0 $0x0  }
0x12: {  	s1 =	sld [smem:$0x3F94];
	s0 =	simm.s32 @p0 $0x1  }
0x13: {  	[smem:$0x3FAF] =	sst s0;
	s0 =	simm.s32 @!p1 $0x0  }
0x14: {  	s2 =	sld [smem:$0x3F93];
	s0 =	simm.s32 @p1 $0x1  }
0x15: {  	[smem:$0x3FB0] =	sst s0;
	s0 =	simm.s32 @!p2 $0x0  }
0x16: {  	s3 =	sld [smem:$0x3FDB];
	s0 =	simm.s32 @p2 $0x1  }
0x17: {  	s4 =	simm.s32 $0x1BF5;
	[smem:$0x3FB2] =	sst s0  }
0x18: {  	s0 =	sld [smem:$0x3F95];
	_ =	swait.ge [sflag:s4], $0x0  }
0x19: {  	s7 =	sld [smem:$0x3F96]  }
0x1a: {  	s8 =	sadd.s32 $0xFFFFE003, lr  }
0x1b: {  	s9 =	sadd.s32 $0xFFFFFEF7, lr;
	s5 =	simm.s32 $0xFFFFFFFF;
	p2 =	slt.u32 s8, $0xFFFFF086  }
0x1c: {  	p1 =	slt.u32 s9, $0xF7A;
	s5 =	simm.s32 @!p2 $0x0  }
0x1d: {  	s5 =	simm.s32 @p1 $0x1;
	p0 =	seq.s32 s7, s2  }
0x1e: {  	s7 =	smul.u32 @!p0 $0xF7A, s2;
	p2 =	seq.s32 @!p0 s5, $0x0  }
0x1f: {  	s9 =	smul.u32 $0xF7A, s1;
	s8 =	simm.s32 @!p0 $0x1BF5;
	p2 =	por !p2, p0  }
0x20: {  	[sflag:s8] =	ssyncset.s32 @!p0 $0xFFFFF086;
	s6 =	sadd.s32 @!p0 s3, s7;
	s7 =	simm.s32 @!p0 $0x108  }
0x21: {  	s3 =	sadd.s32 s3, s9;
	s6 =	sadd.s32 @!p0 $0x88, s6;
	s7 =	simm.s32 @p2 $0x1082  }
0x22: {  	[simem:s7], [sflag:s8] =	dma.local @!p0 [hbm:s6], $0xF7A  }
0x23: {  	s9 =	sor.u32 $0xD0000000, s2;
	s6 =	simm.s32 $0x108;
	_ =	swait.ge @!p0 [sflag:s8], $0x0  }
0x24: {  	s3 =	sadd.s32 $0x88, s3;
	s6 =	simm.s32 @!p1 $0x1082;
	[sflag:s4] =	ssyncset.s32 $0xFFFFF086  }
0x25: {  	[simem:s6], [sflag:s4] =	dma.local [hbm:s3], $0xF7A  }
0x26: {  	[smem:$0x3F96] =	sst s1;
	(tag) =	ssettag s2;
	_ =	strace s9  }
0x27: {  	s1 =	sld [smem:$0x3FA6]  }
0x28: {  	s2 =	sld [smem:$0x3FA7]  }
0x29: {  	s4 =	sld [smem:$0x3FA9]  }
0x2a: {  	p0 =	seq.s32 s5, $0x0;
	s5 =	sld [smem:$0x3FAA]  }
0x2b: {  	s6 =	sld [smem:$0x3FAB]  }
0x2c: {  	s7 =	sld [smem:$0x3FAC]  }
0x2d: {  	s3 =	simm.s32 $0x108;
	s8 =	sld [smem:$0x3FAD]  }
0x2e: {  	s3 =	simm.s32 @!p0 $0x1082;
	s9 =	sld [smem:$0x3FAE]  }
0x2f: {  	lr =	sadd.s32 s0, s3;
	s0 =	sld [smem:$0x3FA5]  }
0x30: {  	s3 =	sld [smem:$0x3FA8]  }
0x31: {  	[smem:$0x3FB1] =	sst s10  }
0x32: {  	s10 =	sld [smem:$0x3FAF];
	_ =	sdelay $0x3  }
0x33: {  	p0 =	seq.s32 s10, $0x1;
	s10 =	sld [smem:$0x3FB1];
	_ =	sdelay $0x3  }
0x34: {  	[smem:$0x3FB1] =	sst s10  }
0x35: {  	s10 =	sld [smem:$0x3FB0];
	_ =	sdelay $0x3  }
0x36: {  	p1 =	seq.s32 s10, $0x1;
	s10 =	sld [smem:$0x3FB1];
	_ =	sdelay $0x3  }
0x37: {  	[smem:$0x3FB1] =	sst s10  }
0x38: {  	s10 =	sld [smem:$0x3FB2]  }
0x39: {  	_ = 	snop;
	(pc) =	sbr.ind lr, $3  }
0x3a: {  	_ = 	snop  }
0x3b: {  	_ = 	snop  }
0x3c: {  	p2 =	seq.s32 s10, $0x1;
	s10 =	sld [smem:$0x3FB1]  }
0x3d: {  	_ =	shalt  }
0x3e: {  	_ =	shalt  }
0x3f: {  	_ =	shalt  }
0x40: {  	_ =	shalt  }
0x41: {  	_ =	shalt  }
0x42: {  	_ =	shalt  }
0x43: {  	_ =	shalt  }
0x44: {  	_ =	shalt  }
0x45: {  	_ =	shalt  }
0x46: {  	_ =	shalt  }
0x47: {  	_ =	shalt  }
0x48: {  	_ =	shalt  }
0x49: {  	_ =	shalt  }
0x4a: {  	_ =	shalt  }
0x4b: {  	_ =	shalt  }
0x4c: {  	_ =	shalt  }
0x4d: {  	_ =	shalt  }
0x4e: {  	_ =	shalt  }
0x4f: {  	_ =	shalt  }
0x50: {  	_ =	shalt  }
0x51: {  	_ =	shalt  }
0x52: {  	_ =	shalt  }
0x53: {  	_ =	shalt  }
0x54: {  	_ =	shalt  }
0x55: {  	_ =	shalt  }
0x56: {  	_ =	shalt  }
0x57: {  	_ =	shalt  }
0x58: {  	_ =	shalt  }
0x59: {  	_ =	shalt  }
0x5a: {  	_ =	shalt  }
0x5b: {  	_ =	shalt  }
0x5c: {  	_ =	shalt  }
0x5d: {  	_ =	shalt  }
0x5e: {  	_ =	shalt  }
0x5f: {  	_ =	shalt  }
0x60: {  	_ =	shalt  }
0x61: {  	_ =	shalt  }
0x62: {  	_ =	shalt  }
0x63: {  	_ =	shalt  }
0x64: {  	_ =	shalt  }
0x65: {  	_ =	shalt  }
0x66: {  	_ =	shalt  }
0x67: {  	_ =	shalt  }
0x68: {  	_ =	shalt  }
0x69: {  	_ =	shalt  }
0x6a: {  	_ =	shalt  }
0x6b: {  	_ =	shalt  }
0x6c: {  	_ =	shalt  }
0x6d: {  	_ =	shalt  }
0x6e: {  	_ =	shalt  }
0x6f: {  	_ =	shalt  }
0x70: {  	_ =	shalt  }
0x71: {  	_ =	shalt  }
0x72: {  	_ =	shalt  }
0x73: {  	_ =	shalt  }
0x74: {  	_ =	shalt  }
0x75: {  	_ =	shalt  }
0x76: {  	_ =	shalt  }
0x77: {  	_ =	shalt  }
0x78: {  	_ =	shalt  }
0x79: {  	_ =	shalt  }
0x7a: {  	_ =	shalt  }
0x7b: {  	_ =	shalt  }
0x7c: {  	_ =	shalt  }
0x7d: {  	_ =	shalt  }
0x7e: {  	_ =	shalt  }
0x7f: {  	_ =	shalt  }
0x80: {  	_ =	shalt  }
0x81: {  	_ =	shalt  }
0x82: {  	_ =	shalt  }
0x83: {  	_ =	shalt  }
0x84: {  	_ =	shalt  }
0x85: {  	_ =	shalt  }
0x86: {  	_ =	shalt  }
0x87: {  	_ =	shalt  }
.Lfunc_end0:
.L_simem_size_0:
called_computation_lowered:
.L_overlay_start_0:
0x88: {  	s2 =	sld [smem:$0x3FD9]  }
0x89: {  	s3 =	sld [smem:$0x3FFE];
	_ =	sdelay $0x1  }
0x8a: {  	s1 =	srdreg.scid  }
0x8b: {  	s0 =	sand.u32 $0x1, s1  }
0x8c: {  	s17 =	sshll.u32 s0, $0xA;
	s2 =	sadd.s32 s3, s2  }
0x8d: {  	s2 =	sadd.s32 s2, s17  }
0x8e: {  	[smem:$0x3FBD] =	sst s2  }
0x8f: {  	_ = 	snop  }
0x90: {  	s2 =	sld [smem:$0x3FD0];
	(tm) =	ssettm $0x1  }
0x91: {  	s18 =	sld [smem:$0x3FFB];
	_ =	sdelay $0x3  }
0x92: {  	_ =	strace s18  }
0x93: {  	s3 =	sld [smem:$0x3FFC];
	_ =	sdelay $0x3  }
0x94: {  	_ =	strace s3  }
0x95: {  	s3 =	sld [smem:$0x3FFD];
	_ =	sdelay $0x3  }
0x96: {  	_ =	strace s3  }
0x97: {  	_ =	strace $0x8FFFFFFF  }
0x98: {  	s19 =	sld [smem:$0x3FDB];
	_ =	sdelay $0x1  }
0x99: {  	s4 =	simm.s32 $_scs_section_size  }
0x9a: {  	s5 =	simm.s32 $_size__tile_overlayer_lowered;
	s6 =	simm.s32 $_tile_overlayer_lowered  }
0x9b: {  	s22 =	simm.s32 $0x1BFF;
	s21 =	sshll.u32 s6, $0x1;
	s3 =	sadd.s32 s4, s19  }
0x9c: {  	s7 =	simm.s32 $0x0;
	s20 =	sshll.u32 s5, $0x1;
	s5 =	sadd.s32 s21, s3  }
0x9d: {  	[timem:s7], [sflag:s22] =	dma.local [hbm:s5], s20  }
0x9e: {  	_ =	swait.ge [sflag:s22], s20  }
0x9f: {  	s4 =	ssub.s32 $0x0, s20;
	[sflag:s22] =	ssyncset.done $0x0  }
0xa0: {  	[sflag:s22] =	ssyncadd.s32 s4;
	_ =	sdelay $0x1  }
0xa1: {  	s23 =	simm.s32 $0x1B8B  }
0xa2: {  	_ =	swait.ge [sflag:s23], $0x1  }
0xa3: {  	[sflag:s23] =	ssyncset.done $0x0  }
0xa4: {  	s25 =	simm.s32 $0x1B8E;
	s24 =	sld [smem:$0x3FFE];
	[sflag:s23] =	ssyncadd.s32 $0xFFFFFFFF  }
0xa5: {  	s26 =	simm.s32 $execute0_lowered;
	[smem:$0x3FD2] =	sst s25  }
0xa6: {  	s5 =	sshll.u32 s26, $0x1;
	_ =	strace $0x80000046;
	[dreg:$0x1] =	wrdreg $0xFFFFFFFF  }
0xa7: {  	s28 =	simm.s32 $_size_execute0_lowered;
	s3 =	sadd.s32 s3, s5;
	[dreg:$0x0] =	wrdreg $0x0  }
0xa8: {  	s5 =	sshll.u32 s28, $0x1;
	[dreg:$0x2] =	wrdreg s3  }
0xa9: {  	[dreg:$0x3] =	wrdreg s5  }
0xaa: {  	[dreg:$0x4] =	wrdreg $0xC0  }
0xab: {  	_ =	task [dreg:s7], $0x5FFFF  }
0xac: {  	[dreg:$0x1] =	wrdreg $0xFFFFFFFF  }
0xad: {  	[dreg:$0x0] =	wrdreg $0x60  }
0xae: {  	[dreg:$0x2] =	wrdreg s24  }
0xaf: {  	[dreg:$0x3] =	wrdreg s2  }
0xb0: {  	[dreg:$0x4] =	wrdreg $0x0  }
0xb1: {  	[dreg:$0x5] =	wrdreg $0x9  }
0xb2: {  	_ =	task.clear_ibuf [dreg:s7], $0x6FFFF;
	_ =	strace $0x90000046  }
0xb3: {  	s29 =	simm.s32 $0x9;
	_ =	strace $0x80000048  }
0xb4: {  	_ =	swait.ge [sflag:s29], $0x1  }
0xb5: {  	[sflag:s29] =	ssyncadd.s32 $0xFFFFFFFF  }
0xb6: {  	_ =	strace $0x90000048  }
0xb7: {  	_ =	sfence  }
0xb8: {  	s30 =	sld [smem:$0x0];
	_ =	sdelay $0x2  }
0xb9: {  	s31 =	sshll.u32 s1, $0xD;
	s1 =	sshrl.u32 s1, $0x2  }
0xba: {  	s3 =	sand.u32 $0x4000, s31;
	s1 =	sadd.s32 s1, s30  }
0xbb: {  	s0 =	sor.u32 s3, s0;
	s1 =	sshll.u32 s1, $0x11  }
0xbc: {  	s0 =	sor.u32 s1, s0  }
0xbd: {  	s0 =	sadd.s32 $0x8F2B, s0  }
0xbe: {  	[sflag:s0] =	ssyncadd.remote.s32 $0x1  }
0xbf: {  	_ =	sfence.sel $0xFFFF  }
0xc0: {  	[dreg:$0x0] =	wrdreg $0xFFFFFFFF;
	(pc) =	sbr.abs _section_cstart, $3  }
0xc1: {  	[dreg:$0x1] =	wrdreg $0xFFFFFFFF  }
0xc2: {  	_ =	task.clear_ibuf [dreg:s7], $0x2FFFF;
	_ =	strace $0x9FFFFFFF  }
0xc3: {  	(tm) =	ssettm $0x7FFFFFFF  }
tec
execute0_lowered:
.L_overlay_start_1:
0x0: {  	(tag) =	ssettag $0x1  }
0x1: {  	s6 =	rddreg [dreg:$0x0]  }
0x2: {  	s2 =	rddreg [dreg:$0x1]  }
0x3: {  	s3 =	rddreg [dreg:$0x2];
	s4 =	srdreg.scid  }
0x4: {  	s0 =	rddreg [dreg:$0x3];
	s1 =	stileid.u32;
	s12 =	simm.s32 $0x1  }
0x5: {  	s13 =	simm.s32 $0x280;
	s14 =	simm.s32 $0x80;
	s15 =	simm.s32 $0x0  }
0x6: {  	s7 =	sand.u32 $0x1, s4;
	s5 =	sshll.u32 s1, $0x8;
	s4 =	simm.s32 $0x0  }
0x7: {  	s31 =	sshll.u32 s1, $0xB;
	p0 =	slt.u32 s1, $0x2;
	s8 =	sshll.u32 s7, $0x7  }
0x8: {  	s9 =	smul.u32 $0x2800, s7;
	[smem:$0x7FF] =	sst s4;
	s7 =	ssub.s32 $0x2, s7  }
0x9: {  	s5 =	sor.u32 s8, s5;
	_ =	strace $0x80000047;
	s11 =	sshrl.u32 s7, $0x1  }
0xa: {  	s5 =	sshrl.u32 s5, $0x3;
	s9 =	sadd.s32 s31, s9;
	s11 =	ssub.s32 s7, s11  }
0xb: {  	s7 =	sadd.s32 s31, s3;
	s10 =	sadd.s32 s5, s6;
	s9 =	sshrl.u32 s9, $0x3  }
0xc: {  	s5 =	sadd.s32 $0x16400, s6;
	s9 =	sadd.s32 s9, s6;
	s6 =	simm.s32 $0x4F  }
0xd: {  	s10 =	sadd.s32 $0xC600, s10;
	s6 =	simm.s32 @!p0 $0x4E;
	s8 =	sadd.s32 $0x16600, s9  }
0xe: {  	s9 =	smax.u32 s11, $0x1;
	p0 =	sgt.u32 s1, $0x4;
	s11 =	simm.s32 $0x300  }
.LBB2_1:
0xf: {  	s17 =	simm.s32 @!p0 $0x0;
	s18 =	simm.s32 @!p0 $0x380;
	s16 =	simm.s32 @!p0 $0x1  }
0x10: {  	[tilespmem:s18], [sflag:$0x1] =	stream.linear.gather @!p0 [hbm4b:s2+s17], $0x800, $0x38;
	[tilespmem:$0xB80] =	vst v63  }
0x11: {  	_ =	swait.ge @!p0 [sflag:s16], $0x800  }
0x12: {  	[sflag:s16] =	ssyncset.done @!p0 $0x0  }
0x13: {  	[sflag:s16] =	ssyncadd.s32 @!p0 $0xFFFFF800  }
0x14: {  	[spmem:s7] =	stream.linear.scatter @!p0 [tilespmem:s18], [sflag:$0x1], $0x800, $0x38;
	[tilespmem:$0xB80] =	vst v63  }
0x15: {  	_ =	swait.ge @!p0 [sflag:s16], $0x800  }
0x16: {  	[sflag:s16] =	ssyncset.done @!p0 $0x0  }
0x17: {  	[sflag:s16] =	ssyncadd.s32 @!p0 $0xFFFFF800  }
0x18: {  	[tilespmem:s11], [sflag:$0x1] =	stream.linear.gather [hbm4b:s5+s4], $0x80, $0x38;
	[tilespmem:$0xB80] =	vst v63  }
0x19: {  	_ =	swait.ge [sflag:s12], $0x80  }
0x1a: {  	[sflag:s12] =	ssyncset.done $0x0  }
0x1b: {  	[sflag:s12] =	ssyncadd.s32 $0xFFFFFF80  }
0x1c: {  	[bflag:$0x0] =	sbarrier.arrive $0xFFFF  }
0x1d: {  	[tilespmem:s13], [sflag:$0x1] =	stream.linear.gather [hbm4b:s10+s4], $0x80, $0x38;
	[tilespmem:$0xB80] =	vst v63  }
0x1e: {  	p1 =	sne.s32 s6, $0x1;
	_ =	swait.ge [sflag:s12], $0x80  }
.Ltmp0:
0x1f: {  	[sflag:s12] =	ssyncset.done $0x0;
	(pc) =	sbr.rel @!p1 .LBB2_3-.Ltmp0, $4  }
0x20: {  	[sflag:s12] =	ssyncadd.s32 $0xFFFFFF80  }
0x21: {  	[spmem:s3] =	stream.indirect.scatter.add.f32 [tilespmem:s11], [sflag:$0x1], $0x1, s13, s14, $0xb8;
	[tilespmem:$0xB80] =	vst v63  }
0x22: {  	_ =	swait.ge [sflag:s12], $0x80  }
0x23: {  	s19 =	sadd.s32 $0xFFFFFFFF, s6;
	s20 =	smov.u32 s10;
	[sflag:s12] =	ssyncset.done $0x0  }
.LBB2_2:
0x24: {  	p1 =	sne.s32 s19, $0x1;
	[sflag:s12] =	ssyncadd.s32 $0xFFFFFF80;
	s20 =	sadd.s32 $0x200, s20  }
0x25: {  	[tilespmem:s13], [sflag:$0x1] =	stream.linear.gather [hbm4b:s20+s4], $0x80, $0x38;
	[tilespmem:$0xB80] =	vst v63  }
0x26: {  	s19 =	sadd.s32 $0xFFFFFFFF, s19;
	_ =	swait.ge [sflag:s12], $0x80  }
.Ltmp1:
0x27: {  	[sflag:s12] =	ssyncset.done $0x0;
	(pc) =	sbr.rel @p1 .LBB2_2-.Ltmp1, $4  }
0x28: {  	[sflag:s12] =	ssyncadd.s32 $0xFFFFFF80  }
0x29: {  	[spmem:s3] =	stream.indirect.scatter.add.f32 [tilespmem:s11], [sflag:$0x1], $0x1, s13, s14, $0xb8;
	[tilespmem:$0xB80] =	vst v63  }
0x2a: {  	_ =	swait.ge [sflag:s12], $0x80  }
0x2b: {  	[sflag:s12] =	ssyncset.done $0x0  }
.LBB2_3:
0x2c: {  	[sflag:s12] =	ssyncadd.s32 $0xFFFFFF80  }
0x2d: {  	[bflag:$0x0] =	sbarrier.arrive $0xFFFF  }
0x2e: {  	[tilespmem:s18], [sflag:$0x1] =	stream.linear.gather @!p0 [spmem:s7], $0x800, $0x38;
	[tilespmem:$0xB80] =	vst v63  }
0x2f: {  	s15 =	sadd.s32 $0x1, s15;
	_ =	swait.ge @!p0 [sflag:s16], $0x800  }
0x30: {  	p1 =	sne.s32 s15, s9;
	[sflag:s16] =	ssyncset.done @!p0 $0x0  }
.Ltmp2:
0x31: {  	[sflag:s16] =	ssyncadd.s32 @!p0 $0xFFFFF800;
	(pc) =	sbr.rel @p1 .LBB2_1-.Ltmp2, $4  }
0x32: {  	[hbm4b:s8+s17] =	stream.linear.scatter @!p0 [tilespmem:s18], [sflag:$0x1], $0x800, $0x38;
	[tilespmem:$0xB80] =	vst v63  }
0x33: {  	_ =	swait.ge @!p0 [sflag:s16], $0x800  }
0x34: {  	[sflag:s16] =	ssyncset.done @!p0 $0x0  }
0x35: {  	[sflag:s16] =	ssyncadd.s32 @!p0 $0xFFFFF800  }
0x36: {  	_ =	sfence.sel $0x180000  }
0x37: {  	[bflag:$0x0] =	sbarrier.arrive $0xFFFF  }
0x38: {  	p0 =	sne.s32 s1, $0x0;
	_ =	strace $0x90000047  }
0x39: {  	s0 =	sadd.s32 @!p0 $0x100000, s0;
	[bflag:$0x2] =	sbarrier.arrive $0xFFFF  }
0x3a: {  	[sflag:s0] =	ssyncadd.tile.s32 @!p0 $0x1;
	_ =	shalt  }
.Lfunc_end2:
_tile_overlayer_lowered:
.L_overlay_start_2:
0x3b: {  	(tag) =	ssettag $0x2  }
0x3c: {  	s0 =	rddreg [dreg:$0x0];
	s2 =	stileid.u32  }
0x3d: {  	s1 =	rddreg [dreg:$0x1];
	p0 =	sne.s32 s2, $0x0  }
0x3e: {  	s3 =	rddreg [dreg:$0x2];
	[bflag:$0x3] =	sbarrier.arrive $0xFFFF;
	s2 =	simm.s32 @!p0 $0x1C01  }
0x3f: {  	[timem:s3], [sflag:s2] =	dma.local @!p0 [hbm:s0], s1  }
0x40: {  	s0 =	simm.s32 @!p0 $0x1  }
0x41: {  	_ =	swait.ge @!p0 [sflag:s0], s1  }
0x42: {  	s1 =	ssub.s32 @!p0 $0x0, s1;
	[sflag:s0] =	ssyncset.done @!p0 $0x0  }
0x43: {  	[sflag:s0] =	ssyncadd.s32 @!p0 s1  }
0x44: {  	[bflag:$0x3] =	sbarrier.arrive $0xFFFF  }
0x45: {  	_ =	shalt  }

</sc_bundles>
